<compile_context>
chip_gen: v7x
topology: tpu7x:2x2x1
jax: 0.10.2.dev20260603
libtpu: 0.0.44.dev20260713+nightly
codegen_flags: <defaults>
</compile_context>

<pallas_src>
import functools

import jax
import jax.numpy as jnp
from jax import lax
from jax.experimental import pallas as pl
from jax.experimental.pallas import tpu as pltpu
from jax.experimental.pallas import tpu_sc as plsc

N = 10000
E = 320000
D_IN = 128
HID = 16
D_OUT = 128

NC = 2
NS = 16
NW = NC * NS
BLK = 256
NBLK = 40
SBLK = 512
NSB = 20
QG = SBLK // BLK
EPT = NBLK * BLK
E_PT = E // NW
ROWS_PT = 632
ACC_N = ROWS_PT * NS

_MESH = plsc.VectorSubcoreMesh(core_axis_name="c", subcore_axis_name="s")
_PARAMS = pltpu.CompilerParams(use_tc_tiling_on_sc=False, needs_layout_passes=False)

_NODE = jax.ShapeDtypeStruct((ACC_N, HID), jnp.float32)
_PART = jax.ShapeDtypeStruct((NC, ACC_N, HID), jnp.float32)


def _rsqrt_nr(d):
  i = plsc.bitcast(d, jnp.int32)
  i = jnp.int32(0x5F3759DF) - lax.shift_right_logical(i, 1)
  y = plsc.bitcast(i, jnp.float32)
  for _ in range(2):
    y = y * (1.5 - 0.5 * d * y * y)
  return y


def _zero_fill(buf, nrows):
  def zrow(i, _):
    buf[i, :] = jnp.zeros((HID,), jnp.float32)
    return 0
  lax.fori_loop(0, nrows, zrow, 0)


def _idx_copy(edge_hbm, row, wid, buf, fill, sem):
  v = jnp.full((16,), fill, jnp.int32)
  for k in range(E_PT, EPT, 16):
    buf[pl.ds(k, 16)] = v
  return pltpu.async_copy(edge_hbm.at[row, pl.ds(wid * E_PT, E_PT)],
                          buf.at[pl.ds(0, E_PT)], sem)


def _edge_pass(tab_sh, acc_sh, src_v, dst_v, rows0, rows1, sem0, sem1):
  def gath(sb, q, buf, sem):
    j = sb * QG + q
    return pltpu.async_copy(tab_sh.at[src_v.at[pl.ds(j * BLK, BLK)]],
                            buf.at[pl.ds(q * BLK, BLK)], sem)

  def gwait(sb, q, buf, sem):
    j = sb * QG + q
    pltpu.make_async_copy(tab_sh.at[src_v.at[pl.ds(j * BLK, BLK)]],
                          buf.at[pl.ds(q * BLK, BLK)], sem).wait()

  def scat(sb, buf):
    pltpu.sync_copy(buf, acc_sh.at[dst_v.at[pl.ds(sb * SBLK, SBLK)]],
                    add=True)

  for q in range(QG):
    gath(0, q, rows0, sem0)

  def pair(k, _):
    sb0 = 2 * k
    for q in range(QG):
      gwait(sb0, q, rows0, sem0)
    for q in range(QG):
      gath(sb0 + 1, q, rows1, sem1)
    scat(sb0, rows0)
    for q in range(QG):
      gwait(sb0 + 1, q, rows1, sem1)

    @pl.when(sb0 + 2 < NSB)
    def _():
      for q in range(QG):
        gath(sb0 + 2, q, rows0, sem0)
    scat(sb0 + 1, rows1)
    return 0
  lax.fori_loop(0, NSB // 2, pair, 0)


def _writeout(acc_sh, out_hbm, cid, sid):
  pltpu.sync_copy(acc_sh.at[pl.ds(sid * ROWS_PT, ROWS_PT)],
                  out_hbm.at[cid, pl.ds(sid * ROWS_PT, ROWS_PT)])



def _sc_deg_body(edge_hbm, out_hbm, acc_sh, dst_v, rows0, stage_v, sem0):
  cid = lax.axis_index("c")
  sid = lax.axis_index("s")
  wid = cid * NS + sid

  cpi = _idx_copy(edge_hbm, 1, wid, dst_v, N, sem0)
  _zero_fill(stage_v, ROWS_PT)
  pltpu.sync_copy(stage_v, acc_sh.at[pl.ds(sid * ROWS_PT, ROWS_PT)])

  def orow(i, _):
    rows0[i, :] = jnp.ones((HID,), jnp.float32)
    return 0
  lax.fori_loop(0, BLK, orow, 0)

  cpi.wait()
  plsc.subcore_barrier()

  def step(j, _):
    pltpu.async_copy(rows0, acc_sh.at[dst_v.at[pl.ds(j * BLK, BLK)]],
                     sem0, add=True)
    return 0
  lax.fori_loop(0, NBLK, step, 0)

  def drain(j, _):
    pltpu.make_async_copy(rows0, acc_sh.at[dst_v.at[pl.ds(j * BLK, BLK)]],
                          sem0).wait()
    return 0
  lax.fori_loop(0, NBLK, drain, 0)

  plsc.subcore_barrier()
  _writeout(acc_sh, out_hbm, cid, sid)


_sc_deg = pl.kernel(
    _sc_deg_body,
    out_type=_PART,
    mesh=_MESH,
    compiler_params=_PARAMS,
    scratch_types=[
        pltpu.VMEM_SHARED((ACC_N, HID), jnp.float32),
        pltpu.VMEM((EPT,), jnp.int32),
        pltpu.VMEM((BLK, HID), jnp.float32),
        pltpu.VMEM((ROWS_PT, HID), jnp.float32),
        pltpu.SemaphoreType.DMA,
    ],
)



def _sc_l1_body(degp_hbm, z1_hbm, edge_hbm, seg_out, dism_out,
                acc_sh, tab_sh, src_v, dst_v, r0, r1, va, vb, vc,
                sem0, sem1):
  cid = lax.axis_index("c")
  sid = lax.axis_index("s")
  wid = cid * NS + sid
  sl = pl.ds(sid * ROWS_PT, ROWS_PT)

  ci0 = _idx_copy(edge_hbm, 0, wid, src_v, 0, sem0)
  ci1 = _idx_copy(edge_hbm, 1, wid, dst_v, N, sem0)
  ca = pltpu.async_copy(degp_hbm.at[0, sl], va, sem1)
  cb = pltpu.async_copy(degp_hbm.at[1, sl], vb, sem1)
  cc = pltpu.async_copy(z1_hbm.at[sl], vc, sem1)
  ca.wait()
  cb.wait()
  cc.wait()

  def prep(q, _):
    for u in range(8):
      r = q * 8 + u
      deg = va[r, :] + vb[r, :] + 1.0
      y = _rsqrt_nr(deg)
      va[r, :] = vc[r, :] * y
      vb[r, :] = y
    return 0
  lax.fori_loop(0, ROWS_PT // 8, prep, 0)

  pltpu.sync_copy(va, tab_sh.at[sl])

  @pl.when(cid == 0)
  def _():
    pltpu.sync_copy(va, acc_sh.at[sl])
    pltpu.sync_copy(vb, dism_out.at[sl])

  @pl.when(cid != 0)
  def _():
    _zero_fill(vc, ROWS_PT)
    pltpu.sync_copy(vc, acc_sh.at[sl])

  ci0.wait()
  ci1.wait()
  plsc.subcore_barrier()
  _edge_pass(tab_sh, acc_sh, src_v, dst_v, r0, r1, sem0, sem1)
  plsc.subcore_barrier()
  _writeout(acc_sh, seg_out, cid, sid)


_EDGE_SCRATCH = (
    [pltpu.VMEM((EPT,), jnp.int32)] * 2
    + [pltpu.VMEM((SBLK, HID), jnp.float32)] * 2
)

_sc_l1 = pl.kernel(
    _sc_l1_body,
    out_type=(_PART, _NODE),
    mesh=_MESH,
    compiler_params=_PARAMS,
    scratch_types=[
        pltpu.VMEM_SHARED((ACC_N, HID), jnp.float32),
        pltpu.VMEM_SHARED((ACC_N, HID), jnp.float32),
    ] + _EDGE_SCRATCH + [
        pltpu.VMEM((ROWS_PT, HID), jnp.float32),
        pltpu.VMEM((ROWS_PT, HID), jnp.float32),
        pltpu.VMEM((ROWS_PT, HID), jnp.float32),
    ] + [pltpu.SemaphoreType.DMA] * 2,
)



def _sc_l2_body(segp_hbm, dism_hbm, b1_hbm, edge_hbm, seg_out,
                acc_sh, tab_sh, src_v, dst_v, r0, r1, va, vb, vc,
                b1_v, sem0, sem1):
  cid = lax.axis_index("c")
  sid = lax.axis_index("s")
  wid = cid * NS + sid
  sl = pl.ds(sid * ROWS_PT, ROWS_PT)

  ci0 = _idx_copy(edge_hbm, 0, wid, src_v, 0, sem0)
  ci1 = _idx_copy(edge_hbm, 1, wid, dst_v, N, sem0)
  ca = pltpu.async_copy(segp_hbm.at[0, sl], va, sem1)
  cb = pltpu.async_copy(segp_hbm.at[1, sl], vb, sem1)
  cc = pltpu.async_copy(dism_hbm.at[sl], vc, sem1)
  pltpu.sync_copy(b1_hbm, b1_v)
  ca.wait()
  cb.wait()
  cc.wait()

  def prep(q, _):
    for u in range(8):
      r = q * 8 + u
      y = vc[r, :]
      h = jnp.maximum(y * (va[r, :] + vb[r, :]) + b1_v[...], 0.0)
      va[r, :] = h * y
    return 0
  lax.fori_loop(0, ROWS_PT // 8, prep, 0)

  pltpu.sync_copy(va, tab_sh.at[sl])

  @pl.when(cid == 0)
  def _():
    pltpu.sync_copy(va, acc_sh.at[sl])

  @pl.when(cid != 0)
  def _():
    _zero_fill(vc, ROWS_PT)
    pltpu.sync_copy(vc, acc_sh.at[sl])

  ci0.wait()
  ci1.wait()
  plsc.subcore_barrier()
  _edge_pass(tab_sh, acc_sh, src_v, dst_v, r0, r1, sem0, sem1)
  plsc.subcore_barrier()
  _writeout(acc_sh, seg_out, cid, sid)


_sc_l2 = pl.kernel(
    _sc_l2_body,
    out_type=_PART,
    mesh=_MESH,
    compiler_params=_PARAMS,
    scratch_types=[
        pltpu.VMEM_SHARED((ACC_N, HID), jnp.float32),
        pltpu.VMEM_SHARED((ACC_N, HID), jnp.float32),
    ] + _EDGE_SCRATCH + [
        pltpu.VMEM((ROWS_PT, HID), jnp.float32),
        pltpu.VMEM((ROWS_PT, HID), jnp.float32),
        pltpu.VMEM((ROWS_PT, HID), jnp.float32),
        pltpu.VMEM((HID,), jnp.float32),
    ] + [pltpu.SemaphoreType.DMA] * 2,
)



def _tc_in_body(x_ref, w1_ref, z1_ref):
  z1 = jnp.dot(x_ref[...], w1_ref[...], preferred_element_type=jnp.float32)
  z1_ref[...] = jnp.concatenate(
      [z1, jnp.zeros((ACC_N - N, HID), jnp.float32)], axis=0)


_tc_in = pl.pallas_call(_tc_in_body, out_shape=_NODE)


def _tc_out_body(segp_ref, dism_ref, w2_ref, b2_ref, out_ref):
  agg = dism_ref[...] * (segp_ref[0] + segp_ref[1])
  out_ref[...] = jnp.dot(agg[:N], w2_ref[...],
                         preferred_element_type=jnp.float32) + b2_ref[...]


_tc_out = pl.pallas_call(
    _tc_out_body, out_shape=jax.ShapeDtypeStruct((N, D_OUT), jnp.float32))


def kernel(x, edge_index, W1, b1, W2, b2):
  degp = _sc_deg(edge_index)
  z1 = _tc_in(x, W1)
  seg1p, dism = _sc_l1(degp, z1, edge_index)
  seg2p = _sc_l2(seg1p, dism, b1, edge_index)
  out = _tc_out(seg2p, dism, W2, b2.reshape(1, D_OUT))
  return out

# --- scband reference (transcript-rebuilt; emitter-appended) ---
"""Pipeline reference for scband-graph-encoder-17205638988259 (READ-ONLY COPY).

The authoritative reference and input builder live on the scoring server;
editing this copy changes nothing except your own understanding.
"""

import jax, jax.numpy as jnp
import numpy as np

N = 10000
E = 320000
D_IN = 128
HID = 16
D_OUT = 128


def gcn_conv(x, edge_index, W, b):
    # Faithful translation of torch_geometric GCNConv (add_self_loops=True,
    # normalize=True, symmetric deg^{-1/2} A_hat deg^{-1/2}, linear + bias).
    n = x.shape[0]
    loop = jnp.arange(n, dtype=edge_index.dtype)
    src = jnp.concatenate([edge_index[0], loop])
    dst = jnp.concatenate([edge_index[1], loop])
    # linear transform first (as in PyG: self.lin(x) then propagate)
    h = x @ W
    ones = jnp.ones(src.shape[0], dtype=x.dtype)
    deg = jax.ops.segment_sum(ones, dst, num_segments=n)
    deg_inv_sqrt = jnp.where(deg > 0, jax.lax.rsqrt(jnp.maximum(deg, 1e-12)), 0.0)
    norm = deg_inv_sqrt[src] * deg_inv_sqrt[dst]
    msgs = h[src] * norm[:, None]
    out = jax.ops.segment_sum(msgs, dst, num_segments=n)
    return out + b


def setup_inputs(seed: int = 0):
    key = jax.random.key(seed)
    k1, k2, k3, k4, k5, k6 = jax.random.split(key, 6)
    x = jax.random.normal(k1, (N, D_IN), dtype=jnp.float32)
    edge_index = jax.random.randint(k2, (2, E), 0, N, dtype=jnp.int32)
    # GCNConv(128, 16) and GCNConv(16, 128), glorot init, zero bias
    s1 = float(np.sqrt(6.0 / (D_IN + HID)))
    s2 = float(np.sqrt(6.0 / (HID + D_OUT)))
    W1 = jax.random.uniform(k3, (D_IN, HID), dtype=jnp.float32, minval=-s1, maxval=s1)
    b1 = jnp.zeros((HID,), dtype=jnp.float32)
    W2 = jax.random.uniform(k4, (HID, D_OUT), dtype=jnp.float32, minval=-s2, maxval=s2)
    b2 = jnp.zeros((D_OUT,), dtype=jnp.float32)
    return {"x": x, "edge_index": edge_index, "W1": W1, "b1": b1, "W2": W2, "b2": b2}


def reference(x, edge_index, W1, b1, W2, b2):
    # edge_index is non-empty by construction, so the zero-output early-exit
    # branches in the original forward are never taken.
    h = jax.nn.relu(gcn_conv(x, edge_index, W1, b1))
    out = gcn_conv(h, edge_index, W2, b2)
    return out

if __name__ == "__main__":
    import jax
    _d = setup_inputs()
    print(jax.jit(kernel)(*tuple(_d.values())))

</pallas_src>

<mosaic_0001>
#map = affine_map<(d0, d1) -> (0, 0, 0)>
#map1 = affine_map<(d0, d1) -> (0, 0)>
module attributes {stable_mosaic.version = 14 : i64} {
  func.func @_sc_l1_body(%arg0: i32, %arg1: i32, %arg2: memref<2x10112x16xf32, #tpu.memory_space<hbm>>, %arg3: memref<10112x16xf32, #tpu.memory_space<hbm>>, %arg4: memref<2x320000xi32, #tpu.memory_space<hbm>>, %arg5: memref<2x10112x16xf32, #tpu.memory_space<hbm>>, %arg6: memref<10112x16xf32, #tpu.memory_space<hbm>>, %arg7: memref<10112x16xf32, #tpu.memory_space<vmem_shared>>, %arg8: memref<10112x16xf32, #tpu.memory_space<vmem_shared>>, %arg9: memref<10240xi32, #tpu.memory_space<vmem>>, %arg10: memref<10240xi32, #tpu.memory_space<vmem>>, %arg11: memref<512x16xf32, #tpu.memory_space<vmem>>, %arg12: memref<512x16xf32, #tpu.memory_space<vmem>>, %arg13: memref<632x16xf32, #tpu.memory_space<vmem>>, %arg14: memref<632x16xf32, #tpu.memory_space<vmem>>, %arg15: memref<632x16xf32, #tpu.memory_space<vmem>>, %arg16: memref<!tpu.dma_semaphore, #tpu.memory_space<semaphore_mem>>, %arg17: memref<!tpu.dma_semaphore, #tpu.memory_space<semaphore_mem>>) attributes {dimension_semantics = [#tpu.dimension_semantics<core_parallel>, #tpu.dimension_semantics<subcore_parallel>], iteration_bounds = array<i64: 2, 16>, scalar_prefetch = 0 : i64, scratch_operands = 11 : i64, tpu.core_type = #tpu.core_type<sc_vector_subcore>, window_params = [{transform_indices = #map}, {transform_indices = #map1}, {transform_indices = #map1}, {transform_indices = #map}, {transform_indices = #map1}]} {
    %mul3A = arith.constant 16 : i32
    %mul3A_0 = arith.muli %arg0, %mul3A : i32
    %add3A = arith.addi %mul3A_0, %arg1 : i32
    %mul3A_1 = arith.constant 632 : i32
    %mul3A_2 = arith.muli %arg1, %mul3A_1 : i32
    %broadcast_in_dim3A = arith.constant 0 : i32
    %broadcast_in_dim3A_3 = vector.broadcast %broadcast_in_dim3A : i32 to vector<16xi32>
    %swap3A = arith.constant 10000 : index
    %swap3A_4 = tpu.vector_load %arg9[%swap3A] {strides = array<i32>} : memref<10240xi32, #tpu.memory_space<vmem>>, vector<16xi32>,
    tpu.vector_store %arg9[%swap3A], %broadcast_in_dim3A_3 {strides = array<i32>} : memref<10240xi32, #tpu.memory_space<vmem>>, vector<16xi32>,
    %swap3A_5 = arith.constant 10016 : index
    %swap3A_6 = tpu.vector_load %arg9[%swap3A_5] {strides = array<i32>} : memref<10240xi32, #tpu.memory_space<vmem>>, vector<16xi32>,
    tpu.vector_store %arg9[%swap3A_5], %broadcast_in_dim3A_3 {strides = array<i32>} : memref<10240xi32, #tpu.memory_space<vmem>>, vector<16xi32>,
    %swap3A_7 = arith.constant 10032 : index
    %swap3A_8 = tpu.vector_load %arg9[%swap3A_7] {strides = array<i32>} : memref<10240xi32, #tpu.memory_space<vmem>>, vector<16xi32>,
    tpu.vector_store %arg9[%swap3A_7], %broadcast_in_dim3A_3 {strides = array<i32>} : memref<10240xi32, #tpu.memory_space<vmem>>, vector<16xi32>,
    %swap3A_9 = arith.constant 10048 : index
    %swap3A_10 = tpu.vector_load %arg9[%swap3A_9] {strides = array<i32>} : memref<10240xi32, #tpu.memory_space<vmem>>, vector<16xi32>,
    tpu.vector_store %arg9[%swap3A_9], %broadcast_in_dim3A_3 {strides = array<i32>} : memref<10240xi32, #tpu.memory_space<vmem>>, vector<16xi32>,
    %swap3A_11 = arith.constant 10064 : index
    %swap3A_12 = tpu.vector_load %arg9[%swap3A_11] {strides = array<i32>} : memref<10240xi32, #tpu.memory_space<vmem>>, vector<16xi32>,
    tpu.vector_store %arg9[%swap3A_11], %broadcast_in_dim3A_3 {strides = array<i32>} : memref<10240xi32, #tpu.memory_space<vmem>>, vector<16xi32>,
    %swap3A_13 = arith.constant 10080 : index
    %swap3A_14 = tpu.vector_load %arg9[%swap3A_13] {strides = array<i32>} : memref<10240xi32, #tpu.memory_space<vmem>>, vector<16xi32>,
    tpu.vector_store %arg9[%swap3A_13], %broadcast_in_dim3A_3 {strides = array<i32>} : memref<10240xi32, #tpu.memory_space<vmem>>, vector<16xi32>,
    %swap3A_15 = arith.constant 10096 : index
    %swap3A_16 = tpu.vector_load %arg9[%swap3A_15] {strides = array<i32>} : memref<10240xi32, #tpu.memory_space<vmem>>, vector<16xi32>,
    tpu.vector_store %arg9[%swap3A_15], %broadcast_in_dim3A_3 {strides = array<i32>} : memref<10240xi32, #tpu.memory_space<vmem>>, vector<16xi32>,
    %swap3A_17 = arith.constant 10112 : index
    %swap3A_18 = tpu.vector_load %arg9[%swap3A_17] {strides = array<i32>} : memref<10240xi32, #tpu.memory_space<vmem>>, vector<16xi32>,
    tpu.vector_store %arg9[%swap3A_17], %broadcast_in_dim3A_3 {strides = array<i32>} : memref<10240xi32, #tpu.memory_space<vmem>>, vector<16xi32>,
    %swap3A_19 = arith.constant 10128 : index
    %swap3A_20 = tpu.vector_load %arg9[%swap3A_19] {strides = array<i32>} : memref<10240xi32, #tpu.memory_space<vmem>>, vector<16xi32>,
    tpu.vector_store %arg9[%swap3A_19], %broadcast_in_dim3A_3 {strides = array<i32>} : memref<10240xi32, #tpu.memory_space<vmem>>, vector<16xi32>,
    %swap3A_21 = arith.constant 10144 : index
    %swap3A_22 = tpu.vector_load %arg9[%swap3A_21] {strides = array<i32>} : memref<10240xi32, #tpu.memory_space<vmem>>, vector<16xi32>,
    tpu.vector_store %arg9[%swap3A_21], %broadcast_in_dim3A_3 {strides = array<i32>} : memref<10240xi32, #tpu.memory_space<vmem>>, vector<16xi32>,
    %swap3A_23 = arith.constant 10160 : index
    %swap3A_24 = tpu.vector_load %arg9[%swap3A_23] {strides = array<i32>} : memref<10240xi32, #tpu.memory_space<vmem>>, vector<16xi32>,
    tpu.vector_store %arg9[%swap3A_23], %broadcast_in_dim3A_3 {strides = array<i32>} : memref<10240xi32, #tpu.memory_space<vmem>>, vector<16xi32>,
    %swap3A_25 = arith.constant 10176 : index
    %swap3A_26 = tpu.vector_load %arg9[%swap3A_25] {strides = array<i32>} : memref<10240xi32, #tpu.memory_space<vmem>>, vector<16xi32>,
    tpu.vector_store %arg9[%swap3A_25], %broadcast_in_dim3A_3 {strides = array<i32>} : memref<10240xi32, #tpu.memory_space<vmem>>, vector<16xi32>,
    %swap3A_27 = arith.constant 10192 : index
    %swap3A_28 = tpu.vector_load %arg9[%swap3A_27] {strides = array<i32>} : memref<10240xi32, #tpu.memory_space<vmem>>, vector<16xi32>,
    tpu.vector_store %arg9[%swap3A_27], %broadcast_in_dim3A_3 {strides = array<i32>} : memref<10240xi32, #tpu.memory_space<vmem>>, vector<16xi32>,
    %swap3A_29 = arith.constant 10208 : index
    %swap3A_30 = tpu.vector_load %arg9[%swap3A_29] {strides = array<i32>} : memref<10240xi32, #tpu.memory_space<vmem>>, vector<16xi32>,
    tpu.vector_store %arg9[%swap3A_29], %broadcast_in_dim3A_3 {strides = array<i32>} : memref<10240xi32, #tpu.memory_space<vmem>>, vector<16xi32>,
    %swap3A_31 = arith.constant 10224 : index
    %swap3A_32 = tpu.vector_load %arg9[%swap3A_31] {strides = array<i32>} : memref<10240xi32, #tpu.memory_space<vmem>>, vector<16xi32>,
    tpu.vector_store %arg9[%swap3A_31], %broadcast_in_dim3A_3 {strides = array<i32>} : memref<10240xi32, #tpu.memory_space<vmem>>, vector<16xi32>,
    %mul3A_33 = arith.constant 10000 : i32
    %mul3A_34 = arith.muli %add3A, %mul3A_33 : i32
    %dma_start3A = arith.constant 0 : i32
    %dma_start3A_35 = arith.constant 0 : i32
    %dma_start3A_36 = tpu.memref_slice %arg9[%dma_start3A_35] : memref<10240xi32, #tpu.memory_space<vmem>> -> memref<10000xi32, #tpu.memory_space<vmem>>
    %dma_start3A_37 = tpu.memref_slice %arg4[%dma_start3A, %mul3A_34] : memref<2x320000xi32, #tpu.memory_space<hbm>> -> memref<1x10000xi32, #tpu.memory_space<hbm>>
    %dma_start3A_38 = tpu.memref_squeeze %dma_start3A_37 : memref<1x10000xi32, #tpu.memory_space<hbm>> -> memref<10000xi32, #tpu.memory_space<hbm>>
    %dma_start3A_39 = arith.constant 0 : i32
    %dma_start3A_40 = tpu.memref_slice %arg9[%dma_start3A_39] : memref<10240xi32, #tpu.memory_space<vmem>> -> memref<10000xi32, #tpu.memory_space<vmem>>
    %dma_start3A_41 = tpu.memref_slice %arg4[%dma_start3A, %mul3A_34] : memref<2x320000xi32, #tpu.memory_space<hbm>> -> memref<1x10000xi32, #tpu.memory_space<hbm>>
    %dma_start3A_42 = tpu.memref_squeeze %dma_start3A_41 : memref<1x10000xi32, #tpu.memory_space<hbm>> -> memref<10000xi32, #tpu.memory_space<hbm>>
    tpu.enqueue_dma source(%dma_start3A_42 : memref<10000xi32, #tpu.memory_space<hbm>>) target(%dma_start3A_40 : memref<10000xi32, #tpu.memory_space<vmem>>) target_semaphore(%arg16 : memref<!tpu.dma_semaphore, #tpu.memory_space<semaphore_mem>>)
    %broadcast_in_dim3A_43 = arith.constant 10000 : i32
    %broadcast_in_dim3A_44 = vector.broadcast %broadcast_in_dim3A_43 : i32 to vector<16xi32>
    %swap3A_45 = arith.constant 10000 : index
    %swap3A_46 = tpu.vector_load %arg10[%swap3A_45] {strides = array<i32>} : memref<10240xi32, #tpu.memory_space<vmem>>, vector<16xi32>,
    tpu.vector_store %arg10[%swap3A_45], %broadcast_in_dim3A_44 {strides = array<i32>} : memref<10240xi32, #tpu.memory_space<vmem>>, vector<16xi32>,
    %swap3A_47 = arith.constant 10016 : index
    %swap3A_48 = tpu.vector_load %arg10[%swap3A_47] {strides = array<i32>} : memref<10240xi32, #tpu.memory_space<vmem>>, vector<16xi32>,
    tpu.vector_store %arg10[%swap3A_47], %broadcast_in_dim3A_44 {strides = array<i32>} : memref<10240xi32, #tpu.memory_space<vmem>>, vector<16xi32>,
    %swap3A_49 = arith.constant 10032 : index
    %swap3A_50 = tpu.vector_load %arg10[%swap3A_49] {strides = array<i32>} : memref<10240xi32, #tpu.memory_space<vmem>>, vector<16xi32>,
    tpu.vector_store %arg10[%swap3A_49], %broadcast_in_dim3A_44 {strides = array<i32>} : memref<10240xi32, #tpu.memory_space<vmem>>, vector<16xi32>,
    %swap3A_51 = arith.constant 10048 : index
    %swap3A_52 = tpu.vector_load %arg10[%swap3A_51] {strides = array<i32>} : memref<10240xi32, #tpu.memory_space<vmem>>, vector<16xi32>,
    tpu.vector_store %arg10[%swap3A_51], %broadcast_in_dim3A_44 {strides = array<i32>} : memref<10240xi32, #tpu.memory_space<vmem>>, vector<16xi32>,
    %swap3A_53 = arith.constant 10064 : index
    %swap3A_54 = tpu.vector_load %arg10[%swap3A_53] {strides = array<i32>} : memref<10240xi32, #tpu.memory_space<vmem>>, vector<16xi32>,
    tpu.vector_store %arg10[%swap3A_53], %broadcast_in_dim3A_44 {strides = array<i32>} : memref<10240xi32, #tpu.memory_space<vmem>>, vector<16xi32>,
    %swap3A_55 = arith.constant 10080 : index
    %swap3A_56 = tpu.vector_load %arg10[%swap3A_55] {strides = array<i32>} : memref<10240xi32, #tpu.memory_space<vmem>>, vector<16xi32>,
    tpu.vector_store %arg10[%swap3A_55], %broadcast_in_dim3A_44 {strides = array<i32>} : memref<10240xi32, #tpu.memory_space<vmem>>, vector<16xi32>,
    %swap3A_57 = arith.constant 10096 : index
    %swap3A_58 = tpu.vector_load %arg10[%swap3A_57] {strides = array<i32>} : memref<10240xi32, #tpu.memory_space<vmem>>, vector<16xi32>,
    tpu.vector_store %arg10[%swap3A_57], %broadcast_in_dim3A_44 {strides = array<i32>} : memref<10240xi32, #tpu.memory_space<vmem>>, vector<16xi32>,
    %swap3A_59 = arith.constant 10112 : index
    %swap3A_60 = tpu.vector_load %arg10[%swap3A_59] {strides = array<i32>} : memref<10240xi32, #tpu.memory_space<vmem>>, vector<16xi32>,
    tpu.vector_store %arg10[%swap3A_59], %broadcast_in_dim3A_44 {strides = array<i32>} : memref<10240xi32, #tpu.memory_space<vmem>>, vector<16xi32>,
    %swap3A_61 = arith.constant 10128 : index
    %swap3A_62 = tpu.vector_load %arg10[%swap3A_61] {strides = array<i32>} : memref<10240xi32, #tpu.memory_space<vmem>>, vector<16xi32>,
    tpu.vector_store %arg10[%swap3A_61], %broadcast_in_dim3A_44 {strides = array<i32>} : memref<10240xi32, #tpu.memory_space<vmem>>, vector<16xi32>,
    %swap3A_63 = arith.constant 10144 : index
    %swap3A_64 = tpu.vector_load %arg10[%swap3A_63] {strides = array<i32>} : memref<10240xi32, #tpu.memory_space<vmem>>, vector<16xi32>,
    tpu.vector_store %arg10[%swap3A_63], %broadcast_in_dim3A_44 {strides = array<i32>} : memref<10240xi32, #tpu.memory_space<vmem>>, vector<16xi32>,
    %swap3A_65 = arith.constant 10160 : index
    %swap3A_66 = tpu.vector_load %arg10[%swap3A_65] {strides = array<i32>} : memref<10240xi32, #tpu.memory_space<vmem>>, vector<16xi32>,
    tpu.vector_store %arg10[%swap3A_65], %broadcast_in_dim3A_44 {strides = array<i32>} : memref<10240xi32, #tpu.memory_space<vmem>>, vector<16xi32>,
    %swap3A_67 = arith.constant 10176 : index
    %swap3A_68 = tpu.vector_load %arg10[%swap3A_67] {strides = array<i32>} : memref<10240xi32, #tpu.memory_space<vmem>>, vector<16xi32>,
    tpu.vector_store %arg10[%swap3A_67], %broadcast_in_dim3A_44 {strides = array<i32>} : memref<10240xi32, #tpu.memory_space<vmem>>, vector<16xi32>,
    %swap3A_69 = arith.constant 10192 : index
    %swap3A_70 = tpu.vector_load %arg10[%swap3A_69] {strides = array<i32>} : memref<10240xi32, #tpu.memory_space<vmem>>, vector<16xi32>,
    tpu.vector_store %arg10[%swap3A_69], %broadcast_in_dim3A_44 {strides = array<i32>} : memref<10240xi32, #tpu.memory_space<vmem>>, vector<16xi32>,
    %swap3A_71 = arith.constant 10208 : index
    %swap3A_72 = tpu.vector_load %arg10[%swap3A_71] {strides = array<i32>} : memref<10240xi32, #tpu.memory_space<vmem>>, vector<16xi32>,
    tpu.vector_store %arg10[%swap3A_71], %broadcast_in_dim3A_44 {strides = array<i32>} : memref<10240xi32, #tpu.memory_space<vmem>>, vector<16xi32>,
    %swap3A_73 = arith.constant 10224 : index
    %swap3A_74 = tpu.vector_load %arg10[%swap3A_73] {strides = array<i32>} : memref<10240xi32, #tpu.memory_space<vmem>>, vector<16xi32>,
    tpu.vector_store %arg10[%swap3A_73], %broadcast_in_dim3A_44 {strides = array<i32>} : memref<10240xi32, #tpu.memory_space<vmem>>, vector<16xi32>,
    %mul3A_75 = arith.constant 10000 : i32
    %mul3A_76 = arith.muli %add3A, %mul3A_75 : i32
    %dma_start3A_77 = arith.constant 1 : i32
    %dma_start3A_78 = arith.constant 0 : i32
    %dma_start3A_79 = tpu.memref_slice %arg10[%dma_start3A_78] : memref<10240xi32, #tpu.memory_space<vmem>> -> memref<10000xi32, #tpu.memory_space<vmem>>
    %dma_start3A_80 = tpu.memref_slice %arg4[%dma_start3A_77, %mul3A_76] : memref<2x320000xi32, #tpu.memory_space<hbm>> -> memref<1x10000xi32, #tpu.memory_space<hbm>>
    %dma_start3A_81 = tpu.memref_squeeze %dma_start3A_80 : memref<1x10000xi32, #tpu.memory_space<hbm>> -> memref<10000xi32, #tpu.memory_space<hbm>>
    %dma_start3A_82 = arith.constant 0 : i32
    %dma_start3A_83 = tpu.memref_slice %arg10[%dma_start3A_82] : memref<10240xi32, #tpu.memory_space<vmem>> -> memref<10000xi32, #tpu.memory_space<vmem>>
    %dma_start3A_84 = tpu.memref_slice %arg4[%dma_start3A_77, %mul3A_76] : memref<2x320000xi32, #tpu.memory_space<hbm>> -> memref<1x10000xi32, #tpu.memory_space<hbm>>
    %dma_start3A_85 = tpu.memref_squeeze %dma_start3A_84 : memref<1x10000xi32, #tpu.memory_space<hbm>> -> memref<10000xi32, #tpu.memory_space<hbm>>
    tpu.enqueue_dma source(%dma_start3A_85 : memref<10000xi32, #tpu.memory_space<hbm>>) target(%dma_start3A_83 : memref<10000xi32, #tpu.memory_space<vmem>>) target_semaphore(%arg16 : memref<!tpu.dma_semaphore, #tpu.memory_space<semaphore_mem>>)
    %dma_start3A_86 = arith.constant 0 : i32
    %dma_start3A_87 = arith.constant 0 : i32
    %dma_start3A_88 = tpu.memref_slice %arg2[%dma_start3A_86, %mul3A_2, %dma_start3A_87] : memref<2x10112x16xf32, #tpu.memory_space<hbm>> -> memref<1x632x16xf32, #tpu.memory_space<hbm>>
    %dma_start3A_89 = tpu.memref_squeeze %dma_start3A_88 : memref<1x632x16xf32, #tpu.memory_space<hbm>> -> memref<632x16xf32, #tpu.memory_space<hbm>>
    %dma_start3A_90 = arith.constant 0 : i32
    %dma_start3A_91 = tpu.memref_slice %arg2[%dma_start3A_86, %mul3A_2, %dma_start3A_90] : memref<2x10112x16xf32, #tpu.memory_space<hbm>> -> memref<1x632x16xf32, #tpu.memory_space<hbm>>
    %dma_start3A_92 = tpu.memref_squeeze %dma_start3A_91 : memref<1x632x16xf32, #tpu.memory_space<hbm>> -> memref<632x16xf32, #tpu.memory_space<hbm>>
    tpu.enqueue_dma source(%dma_start3A_92 : memref<632x16xf32, #tpu.memory_space<hbm>>) target(%arg13 : memref<632x16xf32, #tpu.memory_space<vmem>>) target_semaphore(%arg17 : memref<!tpu.dma_semaphore, #tpu.memory_space<semaphore_mem>>)
    %dma_start3A_93 = arith.constant 1 : i32
    %dma_start3A_94 = arith.constant 0 : i32
    %dma_start3A_95 = tpu.memref_slice %arg2[%dma_start3A_93, %mul3A_2, %dma_start3A_94] : memref<2x10112x16xf32, #tpu.memory_space<hbm>> -> memref<1x632x16xf32, #tpu.memory_space<hbm>>
    %dma_start3A_96 = tpu.memref_squeeze %dma_start3A_95 : memref<1x632x16xf32, #tpu.memory_space<hbm>> -> memref<632x16xf32, #tpu.memory_space<hbm>>
    %dma_start3A_97 = arith.constant 0 : i32
    %dma_start3A_98 = tpu.memref_slice %arg2[%dma_start3A_93, %mul3A_2, %dma_start3A_97] : memref<2x10112x16xf32, #tpu.memory_space<hbm>> -> memref<1x632x16xf32, #tpu.memory_space<hbm>>
    %dma_start3A_99 = tpu.memref_squeeze %dma_start3A_98 : memref<1x632x16xf32, #tpu.memory_space<hbm>> -> memref<632x16xf32, #tpu.memory_space<hbm>>
    tpu.enqueue_dma source(%dma_start3A_99 : memref<632x16xf32, #tpu.memory_space<hbm>>) target(%arg14 : memref<632x16xf32, #tpu.memory_space<vmem>>) target_semaphore(%arg17 : memref<!tpu.dma_semaphore, #tpu.memory_space<semaphore_mem>>)
    %dma_start3A_100 = arith.constant 0 : i32
    %dma_start3A_101 = tpu.memref_slice %arg3[%mul3A_2, %dma_start3A_100] : memref<10112x16xf32, #tpu.memory_space<hbm>> -> memref<632x16xf32, #tpu.memory_space<hbm>>
    %dma_start3A_102 = arith.constant 0 : i32
    %dma_start3A_103 = tpu.memref_slice %arg3[%mul3A_2, %dma_start3A_102] : memref<10112x16xf32, #tpu.memory_space<hbm>> -> memref<632x16xf32, #tpu.memory_space<hbm>>
    tpu.enqueue_dma source(%dma_start3A_103 : memref<632x16xf32, #tpu.memory_space<hbm>>) target(%arg15 : memref<632x16xf32, #tpu.memory_space<vmem>>) target_semaphore(%arg17 : memref<!tpu.dma_semaphore, #tpu.memory_space<semaphore_mem>>)
    %dma_wait3A = arith.constant 0 : i32
    %dma_wait3A_104 = arith.constant 0 : i32
    %dma_wait3A_105 = tpu.memref_slice %arg2[%dma_wait3A, %mul3A_2, %dma_wait3A_104] : memref<2x10112x16xf32, #tpu.memory_space<hbm>> -> memref<1x632x16xf32, #tpu.memory_space<hbm>>
    %dma_wait3A_106 = tpu.memref_squeeze %dma_wait3A_105 : memref<1x632x16xf32, #tpu.memory_space<hbm>> -> memref<632x16xf32, #tpu.memory_space<hbm>>
    %dma_wait3A_107 = arith.constant 0 : i32
    %dma_wait3A_108 = tpu.memref_slice %arg2[%dma_wait3A, %mul3A_2, %dma_wait3A_107] : memref<2x10112x16xf32, #tpu.memory_space<hbm>> -> memref<1x632x16xf32, #tpu.memory_space<hbm>>
    %dma_wait3A_109 = tpu.memref_squeeze %dma_wait3A_108 : memref<1x632x16xf32, #tpu.memory_space<hbm>> -> memref<632x16xf32, #tpu.memory_space<hbm>>
    tpu.wait_dma2 semaphore(%arg17 : memref<!tpu.dma_semaphore, #tpu.memory_space<semaphore_mem>>) src(%dma_wait3A_109 : memref<632x16xf32, #tpu.memory_space<hbm>>) dst(%arg13 : memref<632x16xf32, #tpu.memory_space<vmem>>)
    %dma_wait3A_110 = arith.constant 1 : i32
    %dma_wait3A_111 = arith.constant 0 : i32
    %dma_wait3A_112 = tpu.memref_slice %arg2[%dma_wait3A_110, %mul3A_2, %dma_wait3A_111] : memref<2x10112x16xf32, #tpu.memory_space<hbm>> -> memref<1x632x16xf32, #tpu.memory_space<hbm>>
    %dma_wait3A_113 = tpu.memref_squeeze %dma_wait3A_112 : memref<1x632x16xf32, #tpu.memory_space<hbm>> -> memref<632x16xf32, #tpu.memory_space<hbm>>
    %dma_wait3A_114 = arith.constant 0 : i32
    %dma_wait3A_115 = tpu.memref_slice %arg2[%dma_wait3A_110, %mul3A_2, %dma_wait3A_114] : memref<2x10112x16xf32, #tpu.memory_space<hbm>> -> memref<1x632x16xf32, #tpu.memory_space<hbm>>
    %dma_wait3A_116 = tpu.memref_squeeze %dma_wait3A_115 : memref<1x632x16xf32, #tpu.memory_space<hbm>> -> memref<632x16xf32, #tpu.memory_space<hbm>>
    tpu.wait_dma2 semaphore(%arg17 : memref<!tpu.dma_semaphore, #tpu.memory_space<semaphore_mem>>) src(%dma_wait3A_116 : memref<632x16xf32, #tpu.memory_space<hbm>>) dst(%arg14 : memref<632x16xf32, #tpu.memory_space<vmem>>)
    %dma_wait3A_117 = arith.constant 0 : i32
    %dma_wait3A_118 = tpu.memref_slice %arg3[%mul3A_2, %dma_wait3A_117] : memref<10112x16xf32, #tpu.memory_space<hbm>> -> memref<632x16xf32, #tpu.memory_space<hbm>>
    %dma_wait3A_119 = arith.constant 0 : i32
    %dma_wait3A_120 = tpu.memref_slice %arg3[%mul3A_2, %dma_wait3A_119] : memref<10112x16xf32, #tpu.memory_space<hbm>> -> memref<632x16xf32, #tpu.memory_space<hbm>>
    tpu.wait_dma2 semaphore(%arg17 : memref<!tpu.dma_semaphore, #tpu.memory_space<semaphore_mem>>) src(%dma_wait3A_120 : memref<632x16xf32, #tpu.memory_space<hbm>>) dst(%arg15 : memref<632x16xf32, #tpu.memory_space<vmem>>)
    %scan3A = arith.constant 0 : i32
    %scan3A_121 = arith.constant 0 : i32
    %scan3A_122 = arith.constant 79 : i32
    %scan3A_123 = arith.addi %scan3A_121, %scan3A_122 : i32
    %scan3A_124 = arith.constant 1 : i32
    %scan3A_125 = scf.for %scan3A_179 = %scan3A_121 to %scan3A_123 step %scan3A_124 iter_args(%scan3A_180 = %scan3A) -> (i32)  : i32 {
      %mul3A_181 = arith.constant 8 : i32
      %mul3A_182 = arith.muli %scan3A_179, %mul3A_181 : i32
      %add3A_183 = arith.constant 0 : i32
      %add3A_184 = arith.addi %mul3A_182, %add3A_183 : i32
      %get3A = arith.index_cast %add3A_184 : i32 to index
      %get3A_185 = arith.constant 0 : index
      %get3A_186 = tpu.vector_load %arg13[%get3A, %get3A_185] {strides = array<i32>} : memref<632x16xf32, #tpu.memory_space<vmem>>, vector<16xf32>,
      %get3A_187 = arith.index_cast %add3A_184 : i32 to index
      %get3A_188 = arith.constant 0 : index
      %get3A_189 = tpu.vector_load %arg14[%get3A_187, %get3A_188] {strides = array<i32>} : memref<632x16xf32, #tpu.memory_space<vmem>>, vector<16xf32>,
      %add3A_190 = arith.addf %get3A_186, %get3A_189 : vector<16xf32>
      %add3A_191 = arith.constant 1.000000e+00 : f32
      %add3A_192 = vector.broadcast %add3A_191 : f32 to vector<16xf32>
      %add3A_193 = arith.addf %add3A_190, %add3A_192 : vector<16xf32>
      %bitcast3A = vector.bitcast %add3A_193 : vector<16xf32> to vector<16xi32>
      %shift_right_logical3A = arith.constant 1 : i32
      %shift_right_logical3A_194 = vector.broadcast %shift_right_logical3A : i32 to vector<16xi32>
      %shift_right_logical3A_195 = arith.shrui %bitcast3A, %shift_right_logical3A_194 : vector<16xi32>
      %sub3A = arith.constant 1597463007 : i32
      %sub3A_196 = vector.broadcast %sub3A : i32 to vector<16xi32>
      %sub3A_197 = arith.subi %sub3A_196, %shift_right_logical3A_195 : vector<16xi32>
      %bitcast3A_198 = vector.bitcast %sub3A_197 : vector<16xi32> to vector<16xf32>
      %mul3A_199 = arith.constant 5.000000e-01 : f32
      %mul3A_200 = vector.broadcast %mul3A_199 : f32 to vector<16xf32>
      %mul3A_201 = arith.mulf %mul3A_200, %add3A_193 : vector<16xf32>
      %mul3A_202 = arith.mulf %mul3A_201, %bitcast3A_198 : vector<16xf32>
      %mul3A_203 = arith.mulf %mul3A_202, %bitcast3A_198 : vector<16xf32>
      %sub3A_204 = arith.constant 1.500000e+00 : f32
      %sub3A_205 = vector.broadcast %sub3A_204 : f32 to vector<16xf32>
      %sub3A_206 = arith.subf %sub3A_205, %mul3A_203 : vector<16xf32>
      %mul3A_207 = arith.mulf %bitcast3A_198, %sub3A_206 : vector<16xf32>
      %mul3A_208 = arith.constant 5.000000e-01 : f32
      %mul3A_209 = vector.broadcast %mul3A_208 : f32 to vector<16xf32>
      %mul3A_210 = arith.mulf %mul3A_209, %add3A_193 : vector<16xf32>
      %mul3A_211 = arith.mulf %mul3A_210, %mul3A_207 : vector<16xf32>
      %mul3A_212 = arith.mulf %mul3A_211, %mul3A_207 : vector<16xf32>
      %sub3A_213 = arith.constant 1.500000e+00 : f32
      %sub3A_214 = vector.broadcast %sub3A_213 : f32 to vector<16xf32>
      %sub3A_215 = arith.subf %sub3A_214, %mul3A_212 : vector<16xf32>
      %mul3A_216 = arith.mulf %mul3A_207, %sub3A_215 : vector<16xf32>
      %get3A_217 = arith.index_cast %add3A_184 : i32 to index
      %get3A_218 = arith.constant 0 : index
      %get3A_219 = tpu.vector_load %arg15[%get3A_217, %get3A_218] {strides = array<i32>} : memref<632x16xf32, #tpu.memory_space<vmem>>, vector<16xf32>,
      %mul3A_220 = arith.mulf %get3A_219, %mul3A_216 : vector<16xf32>
      %swap3A_221 = arith.index_cast %add3A_184 : i32 to index
      %swap3A_222 = arith.constant 0 : index
      %swap3A_223 = tpu.vector_load %arg13[%swap3A_221, %swap3A_222] {strides = array<i32>} : memref<632x16xf32, #tpu.memory_space<vmem>>, vector<16xf32>,
      tpu.vector_store %arg13[%swap3A_221, %swap3A_222], %mul3A_220 {strides = array<i32>} : memref<632x16xf32, #tpu.memory_space<vmem>>, vector<16xf32>,
      %swap3A_224 = arith.index_cast %add3A_184 : i32 to index
      %swap3A_225 = arith.constant 0 : index
      %swap3A_226 = tpu.vector_load %arg14[%swap3A_224, %swap3A_225] {strides = array<i32>} : memref<632x16xf32, #tpu.memory_space<vmem>>, vector<16xf32>,
      tpu.vector_store %arg14[%swap3A_224, %swap3A_225], %mul3A_216 {strides = array<i32>} : memref<632x16xf32, #tpu.memory_space<vmem>>, vector<16xf32>,
      %mul3A_227 = arith.constant 8 : i32
      %mul3A_228 = arith.muli %scan3A_179, %mul3A_227 : i32
      %add3A_229 = arith.constant 1 : i32
      %add3A_230 = arith.addi %mul3A_228, %add3A_229 : i32
      %get3A_231 = arith.index_cast %add3A_230 : i32 to index
      %get3A_232 = arith.constant 0 : index
      %get3A_233 = tpu.vector_load %arg13[%get3A_231, %get3A_232] {strides = array<i32>} : memref<632x16xf32, #tpu.memory_space<vmem>>, vector<16xf32>,
      %get3A_234 = arith.index_cast %add3A_230 : i32 to index
      %get3A_235 = arith.constant 0 : index
      %get3A_236 = tpu.vector_load %arg14[%get3A_234, %get3A_235] {strides = array<i32>} : memref<632x16xf32, #tpu.memory_space<vmem>>, vector<16xf32>,
      %add3A_237 = arith.addf %get3A_233, %get3A_236 : vector<16xf32>
      %add3A_238 = arith.constant 1.000000e+00 : f32
      %add3A_239 = vector.broadcast %add3A_238 : f32 to vector<16xf32>
      %add3A_240 = arith.addf %add3A_237, %add3A_239 : vector<16xf32>
      %bitcast3A_241 = vector.bitcast %add3A_240 : vector<16xf32> to vector<16xi32>
      %shift_right_logical3A_242 = arith.constant 1 : i32
      %shift_right_logical3A_243 = vector.broadcast %shift_right_logical3A_242 : i32 to vector<16xi32>
      %shift_right_logical3A_244 = arith.shrui %bitcast3A_241, %shift_right_logical3A_243 : vector<16xi32>
      %sub3A_245 = arith.constant 1597463007 : i32
      %sub3A_246 = vector.broadcast %sub3A_245 : i32 to vector<16xi32>
      %sub3A_247 = arith.subi %sub3A_246, %shift_right_logical3A_244 : vector<16xi32>
      %bitcast3A_248 = vector.bitcast %sub3A_247 : vector<16xi32> to vector<16xf32>
      %mul3A_249 = arith.constant 5.000000e-01 : f32
      %mul3A_250 = vector.broadcast %mul3A_249 : f32 to vector<16xf32>
      %mul3A_251 = arith.mulf %mul3A_250, %add3A_240 : vector<16xf32>
      %mul3A_252 = arith.mulf %mul3A_251, %bitcast3A_248 : vector<16xf32>
      %mul3A_253 = arith.mulf %mul3A_252, %bitcast3A_248 : vector<16xf32>
      %sub3A_254 = arith.constant 1.500000e+00 : f32
      %sub3A_255 = vector.broadcast %sub3A_254 : f32 to vector<16xf32>
      %sub3A_256 = arith.subf %sub3A_255, %mul3A_253 : vector<16xf32>
      %mul3A_257 = arith.mulf %bitcast3A_248, %sub3A_256 : vector<16xf32>
      %mul3A_258 = arith.constant 5.000000e-01 : f32
      %mul3A_259 = vector.broadcast %mul3A_258 : f32 to vector<16xf32>
      %mul3A_260 = arith.mulf %mul3A_259, %add3A_240 : vector<16xf32>
      %mul3A_261 = arith.mulf %mul3A_260, %mul3A_257 : vector<16xf32>
      %mul3A_262 = arith.mulf %mul3A_261, %mul3A_257 : vector<16xf32>
      %sub3A_263 = arith.constant 1.500000e+00 : f32
      %sub3A_264 = vector.broadcast %sub3A_263 : f32 to vector<16xf32>
      %sub3A_265 = arith.subf %sub3A_264, %mul3A_262 : vector<16xf32>
      %mul3A_266 = arith.mulf %mul3A_257, %sub3A_265 : vector<16xf32>
      %get3A_267 = arith.index_cast %add3A_230 : i32 to index
      %get3A_268 = arith.constant 0 : index
      %get3A_269 = tpu.vector_load %arg15[%get3A_267, %get3A_268] {strides = array<i32>} : memref<632x16xf32, #tpu.memory_space<vmem>>, vector<16xf32>,
      %mul3A_270 = arith.mulf %get3A_269, %mul3A_266 : vector<16xf32>
      %swap3A_271 = arith.index_cast %add3A_230 : i32 to index
      %swap3A_272 = arith.constant 0 : index
      %swap3A_273 = tpu.vector_load %arg13[%swap3A_271, %swap3A_272] {strides = array<i32>} : memref<632x16xf32, #tpu.memory_space<vmem>>, vector<16xf32>,
      tpu.vector_store %arg13[%swap3A_271, %swap3A_272], %mul3A_270 {strides = array<i32>} : memref<632x16xf32, #tpu.memory_space<vmem>>, vector<16xf32>,
      %swap3A_274 = arith.index_cast %add3A_230 : i32 to index
      %swap3A_275 = arith.constant 0 : index
      %swap3A_276 = tpu.vector_load %arg14[%swap3A_274, %swap3A_275] {strides = array<i32>} : memref<632x16xf32, #tpu.memory_space<vmem>>, vector<16xf32>,
      tpu.vector_store %arg14[%swap3A_274, %swap3A_275], %mul3A_266 {strides = array<i32>} : memref<632x16xf32, #tpu.memory_space<vmem>>, vector<16xf32>,
      %mul3A_277 = arith.constant 8 : i32
      %mul3A_278 = arith.muli %scan3A_179, %mul3A_277 : i32
      %add3A_279 = arith.constant 2 : i32
      %add3A_280 = arith.addi %mul3A_278, %add3A_279 : i32
      %get3A_281 = arith.index_cast %add3A_280 : i32 to index
      %get3A_282 = arith.constant 0 : index
      %get3A_283 = tpu.vector_load %arg13[%get3A_281, %get3A_282] {strides = array<i32>} : memref<632x16xf32, #tpu.memory_space<vmem>>, vector<16xf32>,
      %get3A_284 = arith.index_cast %add3A_280 : i32 to index
      %get3A_285 = arith.constant 0 : index
      %get3A_286 = tpu.vector_load %arg14[%get3A_284, %get3A_285] {strides = array<i32>} : memref<632x16xf32, #tpu.memory_space<vmem>>, vector<16xf32>,
      %add3A_287 = arith.addf %get3A_283, %get3A_286 : vector<16xf32>
      %add3A_288 = arith.constant 1.000000e+00 : f32
      %add3A_289 = vector.broadcast %add3A_288 : f32 to vector<16xf32>
      %add3A_290 = arith.addf %add3A_287, %add3A_289 : vector<16xf32>
      %bitcast3A_291 = vector.bitcast %add3A_290 : vector<16xf32> to vector<16xi32>
      %shift_right_logical3A_292 = arith.constant 1 : i32
      %shift_right_logical3A_293 = vector.broadcast %shift_right_logical3A_292 : i32 to vector<16xi32>
      %shift_right_logical3A_294 = arith.shrui %bitcast3A_291, %shift_right_logical3A_293 : vector<16xi32>
      %sub3A_295 = arith.constant 1597463007 : i32
      %sub3A_296 = vector.broadcast %sub3A_295 : i32 to vector<16xi32>
      %sub3A_297 = arith.subi %sub3A_296, %shift_right_logical3A_294 : vector<16xi32>
      %bitcast3A_298 = vector.bitcast %sub3A_297 : vector<16xi32> to vector<16xf32>
      %mul3A_299 = arith.constant 5.000000e-01 : f32
      %mul3A_300 = vector.broadcast %mul3A_299 : f32 to vector<16xf32>
      %mul3A_301 = arith.mulf %mul3A_300, %add3A_290 : vector<16xf32>
      %mul3A_302 = arith.mulf %mul3A_301, %bitcast3A_298 : vector<16xf32>
      %mul3A_303 = arith.mulf %mul3A_302, %bitcast3A_298 : vector<16xf32>
      %sub3A_304 = arith.constant 1.500000e+00 : f32
      %sub3A_305 = vector.broadcast %sub3A_304 : f32 to vector<16xf32>
      %sub3A_306 = arith.subf %sub3A_305, %mul3A_303 : vector<16xf32>
      %mul3A_307 = arith.mulf %bitcast3A_298, %sub3A_306 : vector<16xf32>
      %mul3A_308 = arith.constant 5.000000e-01 : f32
      %mul3A_309 = vector.broadcast %mul3A_308 : f32 to vector<16xf32>
      %mul3A_310 = arith.mulf %mul3A_309, %add3A_290 : vector<16xf32>
      %mul3A_311 = arith.mulf %mul3A_310, %mul3A_307 : vector<16xf32>
      %mul3A_312 = arith.mulf %mul3A_311, %mul3A_307 : vector<16xf32>
      %sub3A_313 = arith.constant 1.500000e+00 : f32
      %sub3A_314 = vector.broadcast %sub3A_313 : f32 to vector<16xf32>
      %sub3A_315 = arith.subf %sub3A_314, %mul3A_312 : vector<16xf32>
      %mul3A_316 = arith.mulf %mul3A_307, %sub3A_315 : vector<16xf32>
      %get3A_317 = arith.index_cast %add3A_280 : i32 to index
      %get3A_318 = arith.constant 0 : index
      %get3A_319 = tpu.vector_load %arg15[%get3A_317, %get3A_318] {strides = array<i32>} : memref<632x16xf32, #tpu.memory_space<vmem>>, vector<16xf32>,
      %mul3A_320 = arith.mulf %get3A_319, %mul3A_316 : vector<16xf32>
      %swap3A_321 = arith.index_cast %add3A_280 : i32 to index
      %swap3A_322 = arith.constant 0 : index
      %swap3A_323 = tpu.vector_load %arg13[%swap3A_321, %swap3A_322] {strides = array<i32>} : memref<632x16xf32, #tpu.memory_space<vmem>>, vector<16xf32>,
      tpu.vector_store %arg13[%swap3A_321, %swap3A_322], %mul3A_320 {strides = array<i32>} : memref<632x16xf32, #tpu.memory_space<vmem>>, vector<16xf32>,
      %swap3A_324 = arith.index_cast %add3A_280 : i32 to index
      %swap3A_325 = arith.constant 0 : index
      %swap3A_326 = tpu.vector_load %arg14[%swap3A_324, %swap3A_325] {strides = array<i32>} : memref<632x16xf32, #tpu.memory_space<vmem>>, vector<16xf32>,
      tpu.vector_store %arg14[%swap3A_324, %swap3A_325], %mul3A_316 {strides = array<i32>} : memref<632x16xf32, #tpu.memory_space<vmem>>, vector<16xf32>,
      %mul3A_327 = arith.constant 8 : i32
      %mul3A_328 = arith.muli %scan3A_179, %mul3A_327 : i32
      %add3A_329 = arith.constant 3 : i32
      %add3A_330 = arith.addi %mul3A_328, %add3A_329 : i32
      %get3A_331 = arith.index_cast %add3A_330 : i32 to index
      %get3A_332 = arith.constant 0 : index
      %get3A_333 = tpu.vector_load %arg13[%get3A_331, %get3A_332] {strides = array<i32>} : memref<632x16xf32, #tpu.memory_space<vmem>>, vector<16xf32>,
      %get3A_334 = arith.index_cast %add3A_330 : i32 to index
      %get3A_335 = arith.constant 0 : index
      %get3A_336 = tpu.vector_load %arg14[%get3A_334, %get3A_335] {strides = array<i32>} : memref<632x16xf32, #tpu.memory_space<vmem>>, vector<16xf32>,
      %add3A_337 = arith.addf %get3A_333, %get3A_336 : vector<16xf32>
      %add3A_338 = arith.constant 1.000000e+00 : f32
      %add3A_339 = vector.broadcast %add3A_338 : f32 to vector<16xf32>
      %add3A_340 = arith.addf %add3A_337, %add3A_339 : vector<16xf32>
      %bitcast3A_341 = vector.bitcast %add3A_340 : vector<16xf32> to vector<16xi32>
      %shift_right_logical3A_342 = arith.constant 1 : i32
      %shift_right_logical3A_343 = vector.broadcast %shift_right_logical3A_342 : i32 to vector<16xi32>
      %shift_right_logical3A_344 = arith.shrui %bitcast3A_341, %shift_right_logical3A_343 : vector<16xi32>
      %sub3A_345 = arith.constant 1597463007 : i32
      %sub3A_346 = vector.broadcast %sub3A_345 : i32 to vector<16xi32>
      %sub3A_347 = arith.subi %sub3A_346, %shift_right_logical3A_344 : vector<16xi32>
      %bitcast3A_348 = vector.bitcast %sub3A_347 : vector<16xi32> to vector<16xf32>
      %mul3A_349 = arith.constant 5.000000e-01 : f32
      %mul3A_350 = vector.broadcast %mul3A_349 : f32 to vector<16xf32>
      %mul3A_351 = arith.mulf %mul3A_350, %add3A_340 : vector<16xf32>
      %mul3A_352 = arith.mulf %mul3A_351, %bitcast3A_348 : vector<16xf32>
      %mul3A_353 = arith.mulf %mul3A_352, %bitcast3A_348 : vector<16xf32>
      %sub3A_354 = arith.constant 1.500000e+00 : f32
      %sub3A_355 = vector.broadcast %sub3A_354 : f32 to vector<16xf32>
      %sub3A_356 = arith.subf %sub3A_355, %mul3A_353 : vector<16xf32>
      %mul3A_357 = arith.mulf %bitcast3A_348, %sub3A_356 : vector<16xf32>
      %mul3A_358 = arith.constant 5.000000e-01 : f32
      %mul3A_359 = vector.broadcast %mul3A_358 : f32 to vector<16xf32>
      %mul3A_360 = arith.mulf %mul3A_359, %add3A_340 : vector<16xf32>
      %mul3A_361 = arith.mulf %mul3A_360, %mul3A_357 : vector<16xf32>
      %mul3A_362 = arith.mulf %mul3A_361, %mul3A_357 : vector<16xf32>
      %sub3A_363 = arith.constant 1.500000e+00 : f32
      %sub3A_364 = vector.broadcast %sub3A_363 : f32 to vector<16xf32>
      %sub3A_365 = arith.subf %sub3A_364, %mul3A_362 : vector<16xf32>
      %mul3A_366 = arith.mulf %mul3A_357, %sub3A_365 : vector<16xf32>
      %get3A_367 = arith.index_cast %add3A_330 : i32 to index
      %get3A_368 = arith.constant 0 : index
      %get3A_369 = tpu.vector_load %arg15[%get3A_367, %get3A_368] {strides = array<i32>} : memref<632x16xf32, #tpu.memory_space<vmem>>, vector<16xf32>,
      %mul3A_370 = arith.mulf %get3A_369, %mul3A_366 : vector<16xf32>
      %swap3A_371 = arith.index_cast %add3A_330 : i32 to index
      %swap3A_372 = arith.constant 0 : index
      %swap3A_373 = tpu.vector_load %arg13[%swap3A_371, %swap3A_372] {strides = array<i32>} : memref<632x16xf32, #tpu.memory_space<vmem>>, vector<16xf32>,
      tpu.vector_store %arg13[%swap3A_371, %swap3A_372], %mul3A_370 {strides = array<i32>} : memref<632x16xf32, #tpu.memory_space<vmem>>, vector<16xf32>,
      %swap3A_374 = arith.index_cast %add3A_330 : i32 to index
      %swap3A_375 = arith.constant 0 : index
      %swap3A_376 = tpu.vector_load %arg14[%swap3A_374, %swap3A_375] {strides = array<i32>} : memref<632x16xf32, #tpu.memory_space<vmem>>, vector<16xf32>,
      tpu.vector_store %arg14[%swap3A_374, %swap3A_375], %mul3A_366 {strides = array<i32>} : memref<632x16xf32, #tpu.memory_space<vmem>>, vector<16xf32>,
      %mul3A_377 = arith.constant 8 : i32
      %mul3A_378 = arith.muli %scan3A_179, %mul3A_377 : i32
      %add3A_379 = arith.constant 4 : i32
      %add3A_380 = arith.addi %mul3A_378, %add3A_379 : i32
      %get3A_381 = arith.index_cast %add3A_380 : i32 to index
      %get3A_382 = arith.constant 0 : index
      %get3A_383 = tpu.vector_load %arg13[%get3A_381, %get3A_382] {strides = array<i32>} : memref<632x16xf32, #tpu.memory_space<vmem>>, vector<16xf32>,
      %get3A_384 = arith.index_cast %add3A_380 : i32 to index
      %get3A_385 = arith.constant 0 : index
      %get3A_386 = tpu.vector_load %arg14[%get3A_384, %get3A_385] {strides = array<i32>} : memref<632x16xf32, #tpu.memory_space<vmem>>, vector<16xf32>,
      %add3A_387 = arith.addf %get3A_383, %get3A_386 : vector<16xf32>
      %add3A_388 = arith.constant 1.000000e+00 : f32
      %add3A_389 = vector.broadcast %add3A_388 : f32 to vector<16xf32>
      %add3A_390 = arith.addf %add3A_387, %add3A_389 : vector<16xf32>
      %bitcast3A_391 = vector.bitcast %add3A_390 : vector<16xf32> to vector<16xi32>
      %shift_right_logical3A_392 = arith.constant 1 : i32
      %shift_right_logical3A_393 = vector.broadcast %shift_right_logical3A_392 : i32 to vector<16xi32>
      %shift_right_logical3A_394 = arith.shrui %bitcast3A_391, %shift_right_logical3A_393 : vector<16xi32>
      %sub3A_395 = arith.constant 1597463007 : i32
      %sub3A_396 = vector.broadcast %sub3A_395 : i32 to vector<16xi32>
      %sub3A_397 = arith.subi %sub3A_396, %shift_right_logical3A_394 : vector<16xi32>
      %bitcast3A_398 = vector.bitcast %sub3A_397 : vector<16xi32> to vector<16xf32>
      %mul3A_399 = arith.constant 5.000000e-01 : f32
      %mul3A_400 = vector.broadcast %mul3A_399 : f32 to vector<16xf32>
      %mul3A_401 = arith.mulf %mul3A_400, %add3A_390 : vector<16xf32>
      %mul3A_402 = arith.mulf %mul3A_401, %bitcast3A_398 : vector<16xf32>
      %mul3A_403 = arith.mulf %mul3A_402, %bitcast3A_398 : vector<16xf32>
      %sub3A_404 = arith.constant 1.500000e+00 : f32
      %sub3A_405 = vector.broadcast %sub3A_404 : f32 to vector<16xf32>
      %sub3A_406 = arith.subf %sub3A_405, %mul3A_403 : vector<16xf32>
      %mul3A_407 = arith.mulf %bitcast3A_398, %sub3A_406 : vector<16xf32>
      %mul3A_408 = arith.constant 5.000000e-01 : f32
      %mul3A_409 = vector.broadcast %mul3A_408 : f32 to vector<16xf32>
      %mul3A_410 = arith.mulf %mul3A_409, %add3A_390 : vector<16xf32>
      %mul3A_411 = arith.mulf %mul3A_410, %mul3A_407 : vector<16xf32>
      %mul3A_412 = arith.mulf %mul3A_411, %mul3A_407 : vector<16xf32>
      %sub3A_413 = arith.constant 1.500000e+00 : f32
      %sub3A_414 = vector.broadcast %sub3A_413 : f32 to vector<16xf32>
      %sub3A_415 = arith.subf %sub3A_414, %mul3A_412 : vector<16xf32>
      %mul3A_416 = arith.mulf %mul3A_407, %sub3A_415 : vector<16xf32>
      %get3A_417 = arith.index_cast %add3A_380 : i32 to index
      %get3A_418 = arith.constant 0 : index
      %get3A_419 = tpu.vector_load %arg15[%get3A_417, %get3A_418] {strides = array<i32>} : memref<632x16xf32, #tpu.memory_space<vmem>>, vector<16xf32>,
      %mul3A_420 = arith.mulf %get3A_419, %mul3A_416 : vector<16xf32>
      %swap3A_421 = arith.index_cast %add3A_380 : i32 to index
      %swap3A_422 = arith.constant 0 : index
      %swap3A_423 = tpu.vector_load %arg13[%swap3A_421, %swap3A_422] {strides = array<i32>} : memref<632x16xf32, #tpu.memory_space<vmem>>, vector<16xf32>,
      tpu.vector_store %arg13[%swap3A_421, %swap3A_422], %mul3A_420 {strides = array<i32>} : memref<632x16xf32, #tpu.memory_space<vmem>>, vector<16xf32>,
      %swap3A_424 = arith.index_cast %add3A_380 : i32 to index
      %swap3A_425 = arith.constant 0 : index
      %swap3A_426 = tpu.vector_load %arg14[%swap3A_424, %swap3A_425] {strides = array<i32>} : memref<632x16xf32, #tpu.memory_space<vmem>>, vector<16xf32>,
      tpu.vector_store %arg14[%swap3A_424, %swap3A_425], %mul3A_416 {strides = array<i32>} : memref<632x16xf32, #tpu.memory_space<vmem>>, vector<16xf32>,
      %mul3A_427 = arith.constant 8 : i32
      %mul3A_428 = arith.muli %scan3A_179, %mul3A_427 : i32
      %add3A_429 = arith.constant 5 : i32
      %add3A_430 = arith.addi %mul3A_428, %add3A_429 : i32
      %get3A_431 = arith.index_cast %add3A_430 : i32 to index
      %get3A_432 = arith.constant 0 : index
      %get3A_433 = tpu.vector_load %arg13[%get3A_431, %get3A_432] {strides = array<i32>} : memref<632x16xf32, #tpu.memory_space<vmem>>, vector<16xf32>,
      %get3A_434 = arith.index_cast %add3A_430 : i32 to index
      %get3A_435 = arith.constant 0 : index
      %get3A_436 = tpu.vector_load %arg14[%get3A_434, %get3A_435] {strides = array<i32>} : memref<632x16xf32, #tpu.memory_space<vmem>>, vector<16xf32>,
      %add3A_437 = arith.addf %get3A_433, %get3A_436 : vector<16xf32>
      %add3A_438 = arith.constant 1.000000e+00 : f32
      %add3A_439 = vector.broadcast %add3A_438 : f32 to vector<16xf32>
      %add3A_440 = arith.addf %add3A_437, %add3A_439 : vector<16xf32>
      %bitcast3A_441 = vector.bitcast %add3A_440 : vector<16xf32> to vector<16xi32>
      %shift_right_logical3A_442 = arith.constant 1 : i32
      %shift_right_logical3A_443 = vector.broadcast %shift_right_logical3A_442 : i32 to vector<16xi32>
      %shift_right_logical3A_444 = arith.shrui %bitcast3A_441, %shift_right_logical3A_443 : vector<16xi32>
      %sub3A_445 = arith.constant 1597463007 : i32
      %sub3A_446 = vector.broadcast %sub3A_445 : i32 to vector<16xi32>
      %sub3A_447 = arith.subi %sub3A_446, %shift_right_logical3A_444 : vector<16xi32>
      %bitcast3A_448 = vector.bitcast %sub3A_447 : vector<16xi32> to vector<16xf32>
      %mul3A_449 = arith.constant 5.000000e-01 : f32
      %mul3A_450 = vector.broadcast %mul3A_449 : f32 to vector<16xf32>
      %mul3A_451 = arith.mulf %mul3A_450, %add3A_440 : vector<16xf32>
      %mul3A_452 = arith.mulf %mul3A_451, %bitcast3A_448 : vector<16xf32>
      %mul3A_453 = arith.mulf %mul3A_452, %bitcast3A_448 : vector<16xf32>
      %sub3A_454 = arith.constant 1.500000e+00 : f32
      %sub3A_455 = vector.broadcast %sub3A_454 : f32 to vector<16xf32>
      %sub3A_456 = arith.subf %sub3A_455, %mul3A_453 : vector<16xf32>
      %mul3A_457 = arith.mulf %bitcast3A_448, %sub3A_456 : vector<16xf32>
      %mul3A_458 = arith.constant 5.000000e-01 : f32
      %mul3A_459 = vector.broadcast %mul3A_458 : f32 to vector<16xf32>
      %mul3A_460 = arith.mulf %mul3A_459, %add3A_440 : vector<16xf32>
      %mul3A_461 = arith.mulf %mul3A_460, %mul3A_457 : vector<16xf32>
      %mul3A_462 = arith.mulf %mul3A_461, %mul3A_457 : vector<16xf32>
      %sub3A_463 = arith.constant 1.500000e+00 : f32
      %sub3A_464 = vector.broadcast %sub3A_463 : f32 to vector<16xf32>
      %sub3A_465 = arith.subf %sub3A_464, %mul3A_462 : vector<16xf32>
      %mul3A_466 = arith.mulf %mul3A_457, %sub3A_465 : vector<16xf32>
      %get3A_467 = arith.index_cast %add3A_430 : i32 to index
      %get3A_468 = arith.constant 0 : index
      %get3A_469 = tpu.vector_load %arg15[%get3A_467, %get3A_468] {strides = array<i32>} : memref<632x16xf32, #tpu.memory_space<vmem>>, vector<16xf32>,
      %mul3A_470 = arith.mulf %get3A_469, %mul3A_466 : vector<16xf32>
      %swap3A_471 = arith.index_cast %add3A_430 : i32 to index
      %swap3A_472 = arith.constant 0 : index
      %swap3A_473 = tpu.vector_load %arg13[%swap3A_471, %swap3A_472] {strides = array<i32>} : memref<632x16xf32, #tpu.memory_space<vmem>>, vector<16xf32>,
      tpu.vector_store %arg13[%swap3A_471, %swap3A_472], %mul3A_470 {strides = array<i32>} : memref<632x16xf32, #tpu.memory_space<vmem>>, vector<16xf32>,
      %swap3A_474 = arith.index_cast %add3A_430 : i32 to index
      %swap3A_475 = arith.constant 0 : index
      %swap3A_476 = tpu.vector_load %arg14[%swap3A_474, %swap3A_475] {strides = array<i32>} : memref<632x16xf32, #tpu.memory_space<vmem>>, vector<16xf32>,
      tpu.vector_store %arg14[%swap3A_474, %swap3A_475], %mul3A_466 {strides = array<i32>} : memref<632x16xf32, #tpu.memory_space<vmem>>, vector<16xf32>,
      %mul3A_477 = arith.constant 8 : i32
      %mul3A_478 = arith.muli %scan3A_179, %mul3A_477 : i32
      %add3A_479 = arith.constant 6 : i32
      %add3A_480 = arith.addi %mul3A_478, %add3A_479 : i32
      %get3A_481 = arith.index_cast %add3A_480 : i32 to index
      %get3A_482 = arith.constant 0 : index
      %get3A_483 = tpu.vector_load %arg13[%get3A_481, %get3A_482] {strides = array<i32>} : memref<632x16xf32, #tpu.memory_space<vmem>>, vector<16xf32>,
      %get3A_484 = arith.index_cast %add3A_480 : i32 to index
      %get3A_485 = arith.constant 0 : index
      %get3A_486 = tpu.vector_load %arg14[%get3A_484, %get3A_485] {strides = array<i32>} : memref<632x16xf32, #tpu.memory_space<vmem>>, vector<16xf32>,
      %add3A_487 = arith.addf %get3A_483, %get3A_486 : vector<16xf32>
      %add3A_488 = arith.constant 1.000000e+00 : f32
      %add3A_489 = vector.broadcast %add3A_488 : f32 to vector<16xf32>
      %add3A_490 = arith.addf %add3A_487, %add3A_489 : vector<16xf32>
      %bitcast3A_491 = vector.bitcast %add3A_490 : vector<16xf32> to vector<16xi32>
      %shift_right_logical3A_492 = arith.constant 1 : i32
      %shift_right_logical3A_493 = vector.broadcast %shift_right_logical3A_492 : i32 to vector<16xi32>
      %shift_right_logical3A_494 = arith.shrui %bitcast3A_491, %shift_right_logical3A_493 : vector<16xi32>
      %sub3A_495 = arith.constant 1597463007 : i32
      %sub3A_496 = vector.broadcast %sub3A_495 : i32 to vector<16xi32>
      %sub3A_497 = arith.subi %sub3A_496, %shift_right_logical3A_494 : vector<16xi32>
      %bitcast3A_498 = vector.bitcast %sub3A_497 : vector<16xi32> to vector<16xf32>
      %mul3A_499 = arith.constant 5.000000e-01 : f32
      %mul3A_500 = vector.broadcast %mul3A_499 : f32 to vector<16xf32>
      %mul3A_501 = arith.mulf %mul3A_500, %add3A_490 : vector<16xf32>
      %mul3A_502 = arith.mulf %mul3A_501, %bitcast3A_498 : vector<16xf32>
      %mul3A_503 = arith.mulf %mul3A_502, %bitcast3A_498 : vector<16xf32>
      %sub3A_504 = arith.constant 1.500000e+00 : f32
      %sub3A_505 = vector.broadcast %sub3A_504 : f32 to vector<16xf32>
      %sub3A_506 = arith.subf %sub3A_505, %mul3A_503 : vector<16xf32>
      %mul3A_507 = arith.mulf %bitcast3A_498, %sub3A_506 : vector<16xf32>
      %mul3A_508 = arith.constant 5.000000e-01 : f32
      %mul3A_509 = vector.broadcast %mul3A_508 : f32 to vector<16xf32>
      %mul3A_510 = arith.mulf %mul3A_509, %add3A_490 : vector<16xf32>
      %mul3A_511 = arith.mulf %mul3A_510, %mul3A_507 : vector<16xf32>
      %mul3A_512 = arith.mulf %mul3A_511, %mul3A_507 : vector<16xf32>
      %sub3A_513 = arith.constant 1.500000e+00 : f32
      %sub3A_514 = vector.broadcast %sub3A_513 : f32 to vector<16xf32>
      %sub3A_515 = arith.subf %sub3A_514, %mul3A_512 : vector<16xf32>
      %mul3A_516 = arith.mulf %mul3A_507, %sub3A_515 : vector<16xf32>
      %get3A_517 = arith.index_cast %add3A_480 : i32 to index
      %get3A_518 = arith.constant 0 : index
      %get3A_519 = tpu.vector_load %arg15[%get3A_517, %get3A_518] {strides = array<i32>} : memref<632x16xf32, #tpu.memory_space<vmem>>, vector<16xf32>,
      %mul3A_520 = arith.mulf %get3A_519, %mul3A_516 : vector<16xf32>
      %swap3A_521 = arith.index_cast %add3A_480 : i32 to index
      %swap3A_522 = arith.constant 0 : index
      %swap3A_523 = tpu.vector_load %arg13[%swap3A_521, %swap3A_522] {strides = array<i32>} : memref<632x16xf32, #tpu.memory_space<vmem>>, vector<16xf32>,
      tpu.vector_store %arg13[%swap3A_521, %swap3A_522], %mul3A_520 {strides = array<i32>} : memref<632x16xf32, #tpu.memory_space<vmem>>, vector<16xf32>,
      %swap3A_524 = arith.index_cast %add3A_480 : i32 to index
      %swap3A_525 = arith.constant 0 : index
      %swap3A_526 = tpu.vector_load %arg14[%swap3A_524, %swap3A_525] {strides = array<i32>} : memref<632x16xf32, #tpu.memory_space<vmem>>, vector<16xf32>,
      tpu.vector_store %arg14[%swap3A_524, %swap3A_525], %mul3A_516 {strides = array<i32>} : memref<632x16xf32, #tpu.memory_space<vmem>>, vector<16xf32>,
      %mul3A_527 = arith.constant 8 : i32
      %mul3A_528 = arith.muli %scan3A_179, %mul3A_527 : i32
      %add3A_529 = arith.constant 7 : i32
      %add3A_530 = arith.addi %mul3A_528, %add3A_529 : i32
      %get3A_531 = arith.index_cast %add3A_530 : i32 to index
      %get3A_532 = arith.constant 0 : index
      %get3A_533 = tpu.vector_load %arg13[%get3A_531, %get3A_532] {strides = array<i32>} : memref<632x16xf32, #tpu.memory_space<vmem>>, vector<16xf32>,
      %get3A_534 = arith.index_cast %add3A_530 : i32 to index
      %get3A_535 = arith.constant 0 : index
      %get3A_536 = tpu.vector_load %arg14[%get3A_534, %get3A_535] {strides = array<i32>} : memref<632x16xf32, #tpu.memory_space<vmem>>, vector<16xf32>,
      %add3A_537 = arith.addf %get3A_533, %get3A_536 : vector<16xf32>
      %add3A_538 = arith.constant 1.000000e+00 : f32
      %add3A_539 = vector.broadcast %add3A_538 : f32 to vector<16xf32>
      %add3A_540 = arith.addf %add3A_537, %add3A_539 : vector<16xf32>
      %bitcast3A_541 = vector.bitcast %add3A_540 : vector<16xf32> to vector<16xi32>
      %shift_right_logical3A_542 = arith.constant 1 : i32
      %shift_right_logical3A_543 = vector.broadcast %shift_right_logical3A_542 : i32 to vector<16xi32>
      %shift_right_logical3A_544 = arith.shrui %bitcast3A_541, %shift_right_logical3A_543 : vector<16xi32>
      %sub3A_545 = arith.constant 1597463007 : i32
      %sub3A_546 = vector.broadcast %sub3A_545 : i32 to vector<16xi32>
      %sub3A_547 = arith.subi %sub3A_546, %shift_right_logical3A_544 : vector<16xi32>
      %bitcast3A_548 = vector.bitcast %sub3A_547 : vector<16xi32> to vector<16xf32>
      %mul3A_549 = arith.constant 5.000000e-01 : f32
      %mul3A_550 = vector.broadcast %mul3A_549 : f32 to vector<16xf32>
      %mul3A_551 = arith.mulf %mul3A_550, %add3A_540 : vector<16xf32>
      %mul3A_552 = arith.mulf %mul3A_551, %bitcast3A_548 : vector<16xf32>
      %mul3A_553 = arith.mulf %mul3A_552, %bitcast3A_548 : vector<16xf32>
      %sub3A_554 = arith.constant 1.500000e+00 : f32
      %sub3A_555 = vector.broadcast %sub3A_554 : f32 to vector<16xf32>
      %sub3A_556 = arith.subf %sub3A_555, %mul3A_553 : vector<16xf32>
      %mul3A_557 = arith.mulf %bitcast3A_548, %sub3A_556 : vector<16xf32>
      %mul3A_558 = arith.constant 5.000000e-01 : f32
      %mul3A_559 = vector.broadcast %mul3A_558 : f32 to vector<16xf32>
      %mul3A_560 = arith.mulf %mul3A_559, %add3A_540 : vector<16xf32>
      %mul3A_561 = arith.mulf %mul3A_560, %mul3A_557 : vector<16xf32>
      %mul3A_562 = arith.mulf %mul3A_561, %mul3A_557 : vector<16xf32>
      %sub3A_563 = arith.constant 1.500000e+00 : f32
      %sub3A_564 = vector.broadcast %sub3A_563 : f32 to vector<16xf32>
      %sub3A_565 = arith.subf %sub3A_564, %mul3A_562 : vector<16xf32>
      %mul3A_566 = arith.mulf %mul3A_557, %sub3A_565 : vector<16xf32>
      %get3A_567 = arith.index_cast %add3A_530 : i32 to index
      %get3A_568 = arith.constant 0 : index
      %get3A_569 = tpu.vector_load %arg15[%get3A_567, %get3A_568] {strides = array<i32>} : memref<632x16xf32, #tpu.memory_space<vmem>>, vector<16xf32>,
      %mul3A_570 = arith.mulf %get3A_569, %mul3A_566 : vector<16xf32>
      %swap3A_571 = arith.index_cast %add3A_530 : i32 to index
      %swap3A_572 = arith.constant 0 : index
      %swap3A_573 = tpu.vector_load %arg13[%swap3A_571, %swap3A_572] {strides = array<i32>} : memref<632x16xf32, #tpu.memory_space<vmem>>, vector<16xf32>,
      tpu.vector_store %arg13[%swap3A_571, %swap3A_572], %mul3A_570 {strides = array<i32>} : memref<632x16xf32, #tpu.memory_space<vmem>>, vector<16xf32>,
      %swap3A_574 = arith.index_cast %add3A_530 : i32 to index
      %swap3A_575 = arith.constant 0 : index
      %swap3A_576 = tpu.vector_load %arg14[%swap3A_574, %swap3A_575] {strides = array<i32>} : memref<632x16xf32, #tpu.memory_space<vmem>>, vector<16xf32>,
      tpu.vector_store %arg14[%swap3A_574, %swap3A_575], %mul3A_566 {strides = array<i32>} : memref<632x16xf32, #tpu.memory_space<vmem>>, vector<16xf32>,
      %scan3A_577 = arith.constant 0 : i32
      scf.yield %scan3A_577 : i32
    }
    %scan3A_126 = arith.constant 79 : i32
    "tpu.region"() ({
      %run_scoped3A = tpu.sem_alloc : memref<!tpu.dma_semaphore, #tpu.memory_space<semaphore_mem>>
      %dma_start3A_179 = arith.constant 0 : i32
      %dma_start3A_180 = tpu.memref_slice %arg8[%mul3A_2, %dma_start3A_179] : memref<10112x16xf32, #tpu.memory_space<vmem_shared>> -> memref<632x16xf32, #tpu.memory_space<vmem_shared>>
      %dma_start3A_181 = arith.constant 0 : i32
      %dma_start3A_182 = tpu.memref_slice %arg8[%mul3A_2, %dma_start3A_181] : memref<10112x16xf32, #tpu.memory_space<vmem_shared>> -> memref<632x16xf32, #tpu.memory_space<vmem_shared>>
      tpu.enqueue_dma source(%arg13 : memref<632x16xf32, #tpu.memory_space<vmem>>) target(%dma_start3A_182 : memref<632x16xf32, #tpu.memory_space<vmem_shared>>) target_semaphore(%run_scoped3A : memref<!tpu.dma_semaphore, #tpu.memory_space<semaphore_mem>>)
      %dma_wait3A_183 = arith.constant 0 : i32
      %dma_wait3A_184 = tpu.memref_slice %arg8[%mul3A_2, %dma_wait3A_183] : memref<10112x16xf32, #tpu.memory_space<vmem_shared>> -> memref<632x16xf32, #tpu.memory_space<vmem_shared>>
      %dma_wait3A_185 = arith.constant 0 : i32
      %dma_wait3A_186 = tpu.memref_slice %arg8[%mul3A_2, %dma_wait3A_185] : memref<10112x16xf32, #tpu.memory_space<vmem_shared>> -> memref<632x16xf32, #tpu.memory_space<vmem_shared>>
      tpu.wait_dma2 semaphore(%run_scoped3A : memref<!tpu.dma_semaphore, #tpu.memory_space<semaphore_mem>>) src(%arg13 : memref<632x16xf32, #tpu.memory_space<vmem>>) dst(%dma_wait3A_186 : memref<632x16xf32, #tpu.memory_space<vmem_shared>>)
      tpu.yield
    }) : () -> ()
    %eq3A = arith.constant 0 : i32
    %eq3A_127 = arith.cmpi eq, %arg0, %eq3A : i32
    %convert_element_type3A = arith.extui %eq3A_127 : i1 to i32
    %cond3A = arith.constant 0 : i32
    %cond3A_128 = arith.cmpi ne, %convert_element_type3A, %cond3A : i32
    scf.if %cond3A_128 {
      "tpu.region"() ({
        %run_scoped3A = tpu.sem_alloc : memref<!tpu.dma_semaphore, #tpu.memory_space<semaphore_mem>>
        %dma_start3A_179 = arith.constant 0 : i32
        %dma_start3A_180 = tpu.memref_slice %arg7[%mul3A_2, %dma_start3A_179] : memref<10112x16xf32, #tpu.memory_space<vmem_shared>> -> memref<632x16xf32, #tpu.memory_space<vmem_shared>>
        %dma_start3A_181 = arith.constant 0 : i32
        %dma_start3A_182 = tpu.memref_slice %arg7[%mul3A_2, %dma_start3A_181] : memref<10112x16xf32, #tpu.memory_space<vmem_shared>> -> memref<632x16xf32, #tpu.memory_space<vmem_shared>>
        tpu.enqueue_dma source(%arg13 : memref<632x16xf32, #tpu.memory_space<vmem>>) target(%dma_start3A_182 : memref<632x16xf32, #tpu.memory_space<vmem_shared>>) target_semaphore(%run_scoped3A : memref<!tpu.dma_semaphore, #tpu.memory_space<semaphore_mem>>)
        %dma_wait3A_183 = arith.constant 0 : i32
        %dma_wait3A_184 = tpu.memref_slice %arg7[%mul3A_2, %dma_wait3A_183] : memref<10112x16xf32, #tpu.memory_space<vmem_shared>> -> memref<632x16xf32, #tpu.memory_space<vmem_shared>>
        %dma_wait3A_185 = arith.constant 0 : i32
        %dma_wait3A_186 = tpu.memref_slice %arg7[%mul3A_2, %dma_wait3A_185] : memref<10112x16xf32, #tpu.memory_space<vmem_shared>> -> memref<632x16xf32, #tpu.memory_space<vmem_shared>>
        tpu.wait_dma2 semaphore(%run_scoped3A : memref<!tpu.dma_semaphore, #tpu.memory_space<semaphore_mem>>) src(%arg13 : memref<632x16xf32, #tpu.memory_space<vmem>>) dst(%dma_wait3A_186 : memref<632x16xf32, #tpu.memory_space<vmem_shared>>)
        tpu.yield
      }) : () -> ()
      "tpu.region"() ({
        %run_scoped3A = tpu.sem_alloc : memref<!tpu.dma_semaphore, #tpu.memory_space<semaphore_mem>>
        %dma_start3A_179 = arith.constant 0 : i32
        %dma_start3A_180 = tpu.memref_slice %arg6[%mul3A_2, %dma_start3A_179] : memref<10112x16xf32, #tpu.memory_space<hbm>> -> memref<632x16xf32, #tpu.memory_space<hbm>>
        %dma_start3A_181 = arith.constant 0 : i32
        %dma_start3A_182 = tpu.memref_slice %arg6[%mul3A_2, %dma_start3A_181] : memref<10112x16xf32, #tpu.memory_space<hbm>> -> memref<632x16xf32, #tpu.memory_space<hbm>>
        tpu.enqueue_dma source(%arg14 : memref<632x16xf32, #tpu.memory_space<vmem>>) target(%dma_start3A_182 : memref<632x16xf32, #tpu.memory_space<hbm>>) target_semaphore(%run_scoped3A : memref<!tpu.dma_semaphore, #tpu.memory_space<semaphore_mem>>)
        %dma_wait3A_183 = arith.constant 0 : i32
        %dma_wait3A_184 = tpu.memref_slice %arg6[%mul3A_2, %dma_wait3A_183] : memref<10112x16xf32, #tpu.memory_space<hbm>> -> memref<632x16xf32, #tpu.memory_space<hbm>>
        %dma_wait3A_185 = arith.constant 0 : i32
        %dma_wait3A_186 = tpu.memref_slice %arg6[%mul3A_2, %dma_wait3A_185] : memref<10112x16xf32, #tpu.memory_space<hbm>> -> memref<632x16xf32, #tpu.memory_space<hbm>>
        tpu.wait_dma2 semaphore(%run_scoped3A : memref<!tpu.dma_semaphore, #tpu.memory_space<semaphore_mem>>) src(%arg14 : memref<632x16xf32, #tpu.memory_space<vmem>>) dst(%dma_wait3A_186 : memref<632x16xf32, #tpu.memory_space<hbm>>)
        tpu.yield
      }) : () -> ()
    } else {
    }
    %ne3A = arith.constant 0 : i32
    %ne3A_129 = arith.cmpi ne, %arg0, %ne3A : i32
    %convert_element_type3A_130 = arith.extui %ne3A_129 : i1 to i32
    %cond3A_131 = arith.constant 0 : i32
    %cond3A_132 = arith.cmpi ne, %convert_element_type3A_130, %cond3A_131 : i32
    scf.if %cond3A_132 {
      %scan3A_179 = arith.constant 0 : i32
      %scan3A_180 = arith.constant 0 : i32
      %scan3A_181 = arith.constant 632 : i32
      %scan3A_182 = arith.addi %scan3A_180, %scan3A_181 : i32
      %scan3A_183 = arith.constant 1 : i32
      %scan3A_184 = scf.for %scan3A_186 = %scan3A_180 to %scan3A_182 step %scan3A_183 iter_args(%scan3A_187 = %scan3A_179) -> (i32)  : i32 {
        %broadcast_in_dim3A_188 = arith.constant 0.000000e+00 : f32
        %broadcast_in_dim3A_189 = vector.broadcast %broadcast_in_dim3A_188 : f32 to vector<16xf32>
        %swap3A_190 = arith.index_cast %scan3A_186 : i32 to index
        %swap3A_191 = arith.constant 0 : index
        %swap3A_192 = tpu.vector_load %arg15[%swap3A_190, %swap3A_191] {strides = array<i32>} : memref<632x16xf32, #tpu.memory_space<vmem>>, vector<16xf32>,
        tpu.vector_store %arg15[%swap3A_190, %swap3A_191], %broadcast_in_dim3A_189 {strides = array<i32>} : memref<632x16xf32, #tpu.memory_space<vmem>>, vector<16xf32>,
        %scan3A_193 = arith.constant 0 : i32
        scf.yield %scan3A_193 : i32
      }
      %scan3A_185 = arith.constant 632 : i32
      "tpu.region"() ({
        %run_scoped3A = tpu.sem_alloc : memref<!tpu.dma_semaphore, #tpu.memory_space<semaphore_mem>>
        %dma_start3A_186 = arith.constant 0 : i32
        %dma_start3A_187 = tpu.memref_slice %arg7[%mul3A_2, %dma_start3A_186] : memref<10112x16xf32, #tpu.memory_space<vmem_shared>> -> memref<632x16xf32, #tpu.memory_space<vmem_shared>>
        %dma_start3A_188 = arith.constant 0 : i32
        %dma_start3A_189 = tpu.memref_slice %arg7[%mul3A_2, %dma_start3A_188] : memref<10112x16xf32, #tpu.memory_space<vmem_shared>> -> memref<632x16xf32, #tpu.memory_space<vmem_shared>>
        tpu.enqueue_dma source(%arg15 : memref<632x16xf32, #tpu.memory_space<vmem>>) target(%dma_start3A_189 : memref<632x16xf32, #tpu.memory_space<vmem_shared>>) target_semaphore(%run_scoped3A : memref<!tpu.dma_semaphore, #tpu.memory_space<semaphore_mem>>)
        %dma_wait3A_190 = arith.constant 0 : i32
        %dma_wait3A_191 = tpu.memref_slice %arg7[%mul3A_2, %dma_wait3A_190] : memref<10112x16xf32, #tpu.memory_space<vmem_shared>> -> memref<632x16xf32, #tpu.memory_space<vmem_shared>>
        %dma_wait3A_192 = arith.constant 0 : i32
        %dma_wait3A_193 = tpu.memref_slice %arg7[%mul3A_2, %dma_wait3A_192] : memref<10112x16xf32, #tpu.memory_space<vmem_shared>> -> memref<632x16xf32, #tpu.memory_space<vmem_shared>>
        tpu.wait_dma2 semaphore(%run_scoped3A : memref<!tpu.dma_semaphore, #tpu.memory_space<semaphore_mem>>) src(%arg15 : memref<632x16xf32, #tpu.memory_space<vmem>>) dst(%dma_wait3A_193 : memref<632x16xf32, #tpu.memory_space<vmem_shared>>)
        tpu.yield
      }) : () -> ()
    } else {
    }
    %dma_wait3A_133 = arith.constant 0 : i32
    %dma_wait3A_134 = arith.constant 0 : i32
    %dma_wait3A_135 = tpu.memref_slice %arg9[%dma_wait3A_134] : memref<10240xi32, #tpu.memory_space<vmem>> -> memref<10000xi32, #tpu.memory_space<vmem>>
    %dma_wait3A_136 = tpu.memref_slice %arg4[%dma_wait3A_133, %mul3A_34] : memref<2x320000xi32, #tpu.memory_space<hbm>> -> memref<1x10000xi32, #tpu.memory_space<hbm>>
    %dma_wait3A_137 = tpu.memref_squeeze %dma_wait3A_136 : memref<1x10000xi32, #tpu.memory_space<hbm>> -> memref<10000xi32, #tpu.memory_space<hbm>>
    %dma_wait3A_138 = arith.constant 0 : i32
    %dma_wait3A_139 = tpu.memref_slice %arg9[%dma_wait3A_138] : memref<10240xi32, #tpu.memory_space<vmem>> -> memref<10000xi32, #tpu.memory_space<vmem>>
    %dma_wait3A_140 = tpu.memref_slice %arg4[%dma_wait3A_133, %mul3A_34] : memref<2x320000xi32, #tpu.memory_space<hbm>> -> memref<1x10000xi32, #tpu.memory_space<hbm>>
    %dma_wait3A_141 = tpu.memref_squeeze %dma_wait3A_140 : memref<1x10000xi32, #tpu.memory_space<hbm>> -> memref<10000xi32, #tpu.memory_space<hbm>>
    tpu.wait_dma2 semaphore(%arg16 : memref<!tpu.dma_semaphore, #tpu.memory_space<semaphore_mem>>) src(%dma_wait3A_141 : memref<10000xi32, #tpu.memory_space<hbm>>) dst(%dma_wait3A_139 : memref<10000xi32, #tpu.memory_space<vmem>>)
    %dma_wait3A_142 = arith.constant 1 : i32
    %dma_wait3A_143 = arith.constant 0 : i32
    %dma_wait3A_144 = tpu.memref_slice %arg10[%dma_wait3A_143] : memref<10240xi32, #tpu.memory_space<vmem>> -> memref<10000xi32, #tpu.memory_space<vmem>>
    %dma_wait3A_145 = tpu.memref_slice %arg4[%dma_wait3A_142, %mul3A_76] : memref<2x320000xi32, #tpu.memory_space<hbm>> -> memref<1x10000xi32, #tpu.memory_space<hbm>>
    %dma_wait3A_146 = tpu.memref_squeeze %dma_wait3A_145 : memref<1x10000xi32, #tpu.memory_space<hbm>> -> memref<10000xi32, #tpu.memory_space<hbm>>
    %dma_wait3A_147 = arith.constant 0 : i32
    %dma_wait3A_148 = tpu.memref_slice %arg10[%dma_wait3A_147] : memref<10240xi32, #tpu.memory_space<vmem>> -> memref<10000xi32, #tpu.memory_space<vmem>>
    %dma_wait3A_149 = tpu.memref_slice %arg4[%dma_wait3A_142, %mul3A_76] : memref<2x320000xi32, #tpu.memory_space<hbm>> -> memref<1x10000xi32, #tpu.memory_space<hbm>>
    %dma_wait3A_150 = tpu.memref_squeeze %dma_wait3A_149 : memref<1x10000xi32, #tpu.memory_space<hbm>> -> memref<10000xi32, #tpu.memory_space<hbm>>
    tpu.wait_dma2 semaphore(%arg16 : memref<!tpu.dma_semaphore, #tpu.memory_space<semaphore_mem>>) src(%dma_wait3A_150 : memref<10000xi32, #tpu.memory_space<hbm>>) dst(%dma_wait3A_148 : memref<10000xi32, #tpu.memory_space<vmem>>)
    %barrier3A = arith.constant 0 : index
    tpu.barrier barrier_id(%barrier3A)
    %dma_start3A_151 = arith.constant 0 : i32
    %dma_start3A_152 = arith.constant 0 : i32
    %dma_start3A_153 = tpu.memref_slice %arg11[%dma_start3A_151, %dma_start3A_152] : memref<512x16xf32, #tpu.memory_space<vmem>> -> memref<256x16xf32, #tpu.memory_space<vmem>>
    %dma_start3A_154 = arith.constant 0 : i32
    %dma_start3A_155 = tpu.memref_slice %arg9[%dma_start3A_154] : memref<10240xi32, #tpu.memory_space<vmem>> -> memref<256xi32, #tpu.memory_space<vmem>>
    %dma_start3A_156 = arith.constant 0 : i32
    %dma_start3A_157 = arith.constant 0 : i32
    %dma_start3A_158 = tpu.memref_slice %arg8[%dma_start3A_156, %dma_start3A_157] : memref<10112x16xf32, #tpu.memory_space<vmem_shared>> -> memref<10112x16xf32, #tpu.memory_space<vmem_shared>>
    tpu.enqueue_indirect_dma source(%dma_start3A_158 : memref<10112x16xf32, #tpu.memory_space<vmem_shared>>) target(%dma_start3A_153 : memref<256x16xf32, #tpu.memory_space<vmem>>) offsets(%dma_start3A_155 : memref<256xi32, #tpu.memory_space<vmem>>) semaphore(%arg16 : memref<!tpu.dma_semaphore, #tpu.memory_space<semaphore_mem>>)
    %dma_start3A_159 = arith.constant 256 : i32
    %dma_start3A_160 = arith.constant 0 : i32
    %dma_start3A_161 = tpu.memref_slice %arg11[%dma_start3A_159, %dma_start3A_160] : memref<512x16xf32, #tpu.memory_space<vmem>> -> memref<256x16xf32, #tpu.memory_space<vmem>>
    %dma_start3A_162 = arith.constant 256 : i32
    %dma_start3A_163 = tpu.memref_slice %arg9[%dma_start3A_162] : memref<10240xi32, #tpu.memory_space<vmem>> -> memref<256xi32, #tpu.memory_space<vmem>>
    %dma_start3A_164 = arith.constant 0 : i32
    %dma_start3A_165 = arith.constant 0 : i32
    %dma_start3A_166 = tpu.memref_slice %arg8[%dma_start3A_164, %dma_start3A_165] : memref<10112x16xf32, #tpu.memory_space<vmem_shared>> -> memref<10112x16xf32, #tpu.memory_space<vmem_shared>>
    tpu.enqueue_indirect_dma source(%dma_start3A_166 : memref<10112x16xf32, #tpu.memory_space<vmem_shared>>) target(%dma_start3A_161 : memref<256x16xf32, #tpu.memory_space<vmem>>) offsets(%dma_start3A_163 : memref<256xi32, #tpu.memory_space<vmem>>) semaphore(%arg16 : memref<!tpu.dma_semaphore, #tpu.memory_space<semaphore_mem>>)
    %scan3A_167 = arith.constant 0 : i32
    %scan3A_168 = arith.constant 0 : i32
    %scan3A_169 = arith.constant 10 : i32
    %scan3A_170 = arith.addi %scan3A_168, %scan3A_169 : i32
    %scan3A_171 = arith.constant 1 : i32
    %scan3A_172 = scf.for %scan3A_179 = %scan3A_168 to %scan3A_170 step %scan3A_171 iter_args(%scan3A_180 = %scan3A_167) -> (i32)  : i32 {
      %mul3A_181 = arith.constant 2 : i32
      %mul3A_182 = arith.muli %mul3A_181, %scan3A_179 : i32
      %mul3A_183 = arith.constant 2 : i32
      %mul3A_184 = arith.muli %mul3A_182, %mul3A_183 : i32
      %add3A_185 = arith.constant 0 : i32
      %add3A_186 = arith.addi %mul3A_184, %add3A_185 : i32
      %mul3A_187 = arith.constant 256 : i32
      %mul3A_188 = arith.muli %add3A_186, %mul3A_187 : i32
      %dma_wait3A_189 = arith.constant 0 : i32
      %dma_wait3A_190 = arith.constant 0 : i32
      %dma_wait3A_191 = tpu.memref_slice %arg11[%dma_wait3A_189, %dma_wait3A_190] : memref<512x16xf32, #tpu.memory_space<vmem>> -> memref<256x16xf32, #tpu.memory_space<vmem>>
      %dma_wait3A_192 = tpu.memref_slice %arg9[%mul3A_188] : memref<10240xi32, #tpu.memory_space<vmem>> -> memref<256xi32, #tpu.memory_space<vmem>>
      %dma_wait3A_193 = arith.constant 0 : i32
      %dma_wait3A_194 = arith.constant 0 : i32
      %dma_wait3A_195 = tpu.memref_slice %arg8[%dma_wait3A_193, %dma_wait3A_194] : memref<10112x16xf32, #tpu.memory_space<vmem_shared>> -> memref<10112x16xf32, #tpu.memory_space<vmem_shared>>
      tpu.wait_indirect_dma semaphore(%arg16 : memref<!tpu.dma_semaphore, #tpu.memory_space<semaphore_mem>>) src(%dma_wait3A_195 : memref<10112x16xf32, #tpu.memory_space<vmem_shared>>) dst(%dma_wait3A_191 : memref<256x16xf32, #tpu.memory_space<vmem>>)
      %mul3A_196 = arith.constant 2 : i32
      %mul3A_197 = arith.muli %mul3A_182, %mul3A_196 : i32
      %add3A_198 = arith.constant 1 : i32
      %add3A_199 = arith.addi %mul3A_197, %add3A_198 : i32
      %mul3A_200 = arith.constant 256 : i32
      %mul3A_201 = arith.muli %add3A_199, %mul3A_200 : i32
      %dma_wait3A_202 = arith.constant 256 : i32
      %dma_wait3A_203 = arith.constant 0 : i32
      %dma_wait3A_204 = tpu.memref_slice %arg11[%dma_wait3A_202, %dma_wait3A_203] : memref<512x16xf32, #tpu.memory_space<vmem>> -> memref<256x16xf32, #tpu.memory_space<vmem>>
      %dma_wait3A_205 = tpu.memref_slice %arg9[%mul3A_201] : memref<10240xi32, #tpu.memory_space<vmem>> -> memref<256xi32, #tpu.memory_space<vmem>>
      %dma_wait3A_206 = arith.constant 0 : i32
      %dma_wait3A_207 = arith.constant 0 : i32
      %dma_wait3A_208 = tpu.memref_slice %arg8[%dma_wait3A_206, %dma_wait3A_207] : memref<10112x16xf32, #tpu.memory_space<vmem_shared>> -> memref<10112x16xf32, #tpu.memory_space<vmem_shared>>
      tpu.wait_indirect_dma semaphore(%arg16 : memref<!tpu.dma_semaphore, #tpu.memory_space<semaphore_mem>>) src(%dma_wait3A_208 : memref<10112x16xf32, #tpu.memory_space<vmem_shared>>) dst(%dma_wait3A_204 : memref<256x16xf32, #tpu.memory_space<vmem>>)
      %add3A_209 = arith.constant 1 : i32
      %add3A_210 = arith.addi %mul3A_182, %add3A_209 : i32
      %mul3A_211 = arith.constant 2 : i32
      %mul3A_212 = arith.muli %add3A_210, %mul3A_211 : i32
      %add3A_213 = arith.constant 0 : i32
      %add3A_214 = arith.addi %mul3A_212, %add3A_213 : i32
      %mul3A_215 = arith.constant 256 : i32
      %mul3A_216 = arith.muli %add3A_214, %mul3A_215 : i32
      %dma_start3A_217 = arith.constant 0 : i32
      %dma_start3A_218 = arith.constant 0 : i32
      %dma_start3A_219 = tpu.memref_slice %arg12[%dma_start3A_217, %dma_start3A_218] : memref<512x16xf32, #tpu.memory_space<vmem>> -> memref<256x16xf32, #tpu.memory_space<vmem>>
      %dma_start3A_220 = tpu.memref_slice %arg9[%mul3A_216] : memref<10240xi32, #tpu.memory_space<vmem>> -> memref<256xi32, #tpu.memory_space<vmem>>
      %dma_start3A_221 = arith.constant 0 : i32
      %dma_start3A_222 = arith.constant 0 : i32
      %dma_start3A_223 = tpu.memref_slice %arg8[%dma_start3A_221, %dma_start3A_222] : memref<10112x16xf32, #tpu.memory_space<vmem_shared>> -> memref<10112x16xf32, #tpu.memory_space<vmem_shared>>
      tpu.enqueue_indirect_dma source(%dma_start3A_223 : memref<10112x16xf32, #tpu.memory_space<vmem_shared>>) target(%dma_start3A_219 : memref<256x16xf32, #tpu.memory_space<vmem>>) offsets(%dma_start3A_220 : memref<256xi32, #tpu.memory_space<vmem>>) semaphore(%arg17 : memref<!tpu.dma_semaphore, #tpu.memory_space<semaphore_mem>>)
      %add3A_224 = arith.constant 1 : i32
      %add3A_225 = arith.addi %mul3A_182, %add3A_224 : i32
      %mul3A_226 = arith.constant 2 : i32
      %mul3A_227 = arith.muli %add3A_225, %mul3A_226 : i32
      %add3A_228 = arith.constant 1 : i32
      %add3A_229 = arith.addi %mul3A_227, %add3A_228 : i32
      %mul3A_230 = arith.constant 256 : i32
      %mul3A_231 = arith.muli %add3A_229, %mul3A_230 : i32
      %dma_start3A_232 = arith.constant 256 : i32
      %dma_start3A_233 = arith.constant 0 : i32
      %dma_start3A_234 = tpu.memref_slice %arg12[%dma_start3A_232, %dma_start3A_233] : memref<512x16xf32, #tpu.memory_space<vmem>> -> memref<256x16xf32, #tpu.memory_space<vmem>>
      %dma_start3A_235 = tpu.memref_slice %arg9[%mul3A_231] : memref<10240xi32, #tpu.memory_space<vmem>> -> memref<256xi32, #tpu.memory_space<vmem>>
      %dma_start3A_236 = arith.constant 0 : i32
      %dma_start3A_237 = arith.constant 0 : i32
      %dma_start3A_238 = tpu.memref_slice %arg8[%dma_start3A_236, %dma_start3A_237] : memref<10112x16xf32, #tpu.memory_space<vmem_shared>> -> memref<10112x16xf32, #tpu.memory_space<vmem_shared>>
      tpu.enqueue_indirect_dma source(%dma_start3A_238 : memref<10112x16xf32, #tpu.memory_space<vmem_shared>>) target(%dma_start3A_234 : memref<256x16xf32, #tpu.memory_space<vmem>>) offsets(%dma_start3A_235 : memref<256xi32, #tpu.memory_space<vmem>>) semaphore(%arg17 : memref<!tpu.dma_semaphore, #tpu.memory_space<semaphore_mem>>)
      %mul3A_239 = arith.constant 512 : i32
      %mul3A_240 = arith.muli %mul3A_182, %mul3A_239 : i32
      "tpu.region"() ({
        %run_scoped3A = tpu.sem_alloc : memref<!tpu.dma_semaphore, #tpu.memory_space<semaphore_mem>>
        %dma_start3A_282 = tpu.memref_slice %arg10[%mul3A_240] : memref<10240xi32, #tpu.memory_space<vmem>> -> memref<512xi32, #tpu.memory_space<vmem>>
        %dma_start3A_283 = arith.constant 0 : i32
        %dma_start3A_284 = arith.constant 0 : i32
        %dma_start3A_285 = tpu.memref_slice %arg7[%dma_start3A_283, %dma_start3A_284] : memref<10112x16xf32, #tpu.memory_space<vmem_shared>> -> memref<10112x16xf32, #tpu.memory_space<vmem_shared>>
        tpu.enqueue_indirect_dma source(%arg11 : memref<512x16xf32, #tpu.memory_space<vmem>>) target(%dma_start3A_285 : memref<10112x16xf32, #tpu.memory_space<vmem_shared>>) offsets(%dma_start3A_282 : memref<512xi32, #tpu.memory_space<vmem>>) semaphore(%run_scoped3A : memref<!tpu.dma_semaphore, #tpu.memory_space<semaphore_mem>>) {add = true}
        %dma_wait3A_286 = tpu.memref_slice %arg10[%mul3A_240] : memref<10240xi32, #tpu.memory_space<vmem>> -> memref<512xi32, #tpu.memory_space<vmem>>
        %dma_wait3A_287 = arith.constant 0 : i32
        %dma_wait3A_288 = arith.constant 0 : i32
        %dma_wait3A_289 = tpu.memref_slice %arg7[%dma_wait3A_287, %dma_wait3A_288] : memref<10112x16xf32, #tpu.memory_space<vmem_shared>> -> memref<10112x16xf32, #tpu.memory_space<vmem_shared>>
        tpu.wait_indirect_dma semaphore(%run_scoped3A : memref<!tpu.dma_semaphore, #tpu.memory_space<semaphore_mem>>) src(%arg11 : memref<512x16xf32, #tpu.memory_space<vmem>>) dst(%dma_wait3A_289 : memref<10112x16xf32, #tpu.memory_space<vmem_shared>>)
        tpu.yield
      }) : () -> ()
      %add3A_241 = arith.constant 1 : i32
      %add3A_242 = arith.addi %mul3A_182, %add3A_241 : i32
      %mul3A_243 = arith.constant 2 : i32
      %mul3A_244 = arith.muli %add3A_242, %mul3A_243 : i32
      %add3A_245 = arith.constant 0 : i32
      %add3A_246 = arith.addi %mul3A_244, %add3A_245 : i32
      %mul3A_247 = arith.constant 256 : i32
      %mul3A_248 = arith.muli %add3A_246, %mul3A_247 : i32
      %dma_wait3A_249 = arith.constant 0 : i32
      %dma_wait3A_250 = arith.constant 0 : i32
      %dma_wait3A_251 = tpu.memref_slice %arg12[%dma_wait3A_249, %dma_wait3A_250] : memref<512x16xf32, #tpu.memory_space<vmem>> -> memref<256x16xf32, #tpu.memory_space<vmem>>
      %dma_wait3A_252 = tpu.memref_slice %arg9[%mul3A_248] : memref<10240xi32, #tpu.memory_space<vmem>> -> memref<256xi32, #tpu.memory_space<vmem>>
      %dma_wait3A_253 = arith.constant 0 : i32
      %dma_wait3A_254 = arith.constant 0 : i32
      %dma_wait3A_255 = tpu.memref_slice %arg8[%dma_wait3A_253, %dma_wait3A_254] : memref<10112x16xf32, #tpu.memory_space<vmem_shared>> -> memref<10112x16xf32, #tpu.memory_space<vmem_shared>>
      tpu.wait_indirect_dma semaphore(%arg17 : memref<!tpu.dma_semaphore, #tpu.memory_space<semaphore_mem>>) src(%dma_wait3A_255 : memref<10112x16xf32, #tpu.memory_space<vmem_shared>>) dst(%dma_wait3A_251 : memref<256x16xf32, #tpu.memory_space<vmem>>)
      %add3A_256 = arith.constant 1 : i32
      %add3A_257 = arith.addi %mul3A_182, %add3A_256 : i32
      %mul3A_258 = arith.constant 2 : i32
      %mul3A_259 = arith.muli %add3A_257, %mul3A_258 : i32
      %add3A_260 = arith.constant 1 : i32
      %add3A_261 = arith.addi %mul3A_259, %add3A_260 : i32
      %mul3A_262 = arith.constant 256 : i32
      %mul3A_263 = arith.muli %add3A_261, %mul3A_262 : i32
      %dma_wait3A_264 = arith.constant 256 : i32
      %dma_wait3A_265 = arith.constant 0 : i32
      %dma_wait3A_266 = tpu.memref_slice %arg12[%dma_wait3A_264, %dma_wait3A_265] : memref<512x16xf32, #tpu.memory_space<vmem>> -> memref<256x16xf32, #tpu.memory_space<vmem>>
      %dma_wait3A_267 = tpu.memref_slice %arg9[%mul3A_263] : memref<10240xi32, #tpu.memory_space<vmem>> -> memref<256xi32, #tpu.memory_space<vmem>>
      %dma_wait3A_268 = arith.constant 0 : i32
      %dma_wait3A_269 = arith.constant 0 : i32
      %dma_wait3A_270 = tpu.memref_slice %arg8[%dma_wait3A_268, %dma_wait3A_269] : memref<10112x16xf32, #tpu.memory_space<vmem_shared>> -> memref<10112x16xf32, #tpu.memory_space<vmem_shared>>
      tpu.wait_indirect_dma semaphore(%arg17 : memref<!tpu.dma_semaphore, #tpu.memory_space<semaphore_mem>>) src(%dma_wait3A_270 : memref<10112x16xf32, #tpu.memory_space<vmem_shared>>) dst(%dma_wait3A_266 : memref<256x16xf32, #tpu.memory_space<vmem>>)
      %add3A_271 = arith.constant 2 : i32
      %add3A_272 = arith.addi %mul3A_182, %add3A_271 : i32
      %lt3A = arith.constant 20 : i32
      %lt3A_273 = arith.cmpi slt, %add3A_272, %lt3A : i32
      %convert_element_type3A_274 = arith.extui %lt3A_273 : i1 to i32
      %cond3A_275 = arith.constant 0 : i32
      %cond3A_276 = arith.cmpi ne, %convert_element_type3A_274, %cond3A_275 : i32
      scf.if %cond3A_276 {
        %add3A_282 = arith.constant 2 : i32
        %add3A_283 = arith.addi %mul3A_182, %add3A_282 : i32
        %mul3A_284 = arith.constant 2 : i32
        %mul3A_285 = arith.muli %add3A_283, %mul3A_284 : i32
        %add3A_286 = arith.constant 0 : i32
        %add3A_287 = arith.addi %mul3A_285, %add3A_286 : i32
        %mul3A_288 = arith.constant 256 : i32
        %mul3A_289 = arith.muli %add3A_287, %mul3A_288 : i32
        %dma_start3A_290 = arith.constant 0 : i32
        %dma_start3A_291 = arith.constant 0 : i32
        %dma_start3A_292 = tpu.memref_slice %arg11[%dma_start3A_290, %dma_start3A_291] : memref<512x16xf32, #tpu.memory_space<vmem>> -> memref<256x16xf32, #tpu.memory_space<vmem>>
        %dma_start3A_293 = tpu.memref_slice %arg9[%mul3A_289] : memref<10240xi32, #tpu.memory_space<vmem>> -> memref<256xi32, #tpu.memory_space<vmem>>
        %dma_start3A_294 = arith.constant 0 : i32
        %dma_start3A_295 = arith.constant 0 : i32
        %dma_start3A_296 = tpu.memref_slice %arg8[%dma_start3A_294, %dma_start3A_295] : memref<10112x16xf32, #tpu.memory_space<vmem_shared>> -> memref<10112x16xf32, #tpu.memory_space<vmem_shared>>
        tpu.enqueue_indirect_dma source(%dma_start3A_296 : memref<10112x16xf32, #tpu.memory_space<vmem_shared>>) target(%dma_start3A_292 : memref<256x16xf32, #tpu.memory_space<vmem>>) offsets(%dma_start3A_293 : memref<256xi32, #tpu.memory_space<vmem>>) semaphore(%arg16 : memref<!tpu.dma_semaphore, #tpu.memory_space<semaphore_mem>>)
        %add3A_297 = arith.constant 2 : i32
        %add3A_298 = arith.addi %mul3A_182, %add3A_297 : i32
        %mul3A_299 = arith.constant 2 : i32
        %mul3A_300 = arith.muli %add3A_298, %mul3A_299 : i32
        %add3A_301 = arith.constant 1 : i32
        %add3A_302 = arith.addi %mul3A_300, %add3A_301 : i32
        %mul3A_303 = arith.constant 256 : i32
        %mul3A_304 = arith.muli %add3A_302, %mul3A_303 : i32
        %dma_start3A_305 = arith.constant 256 : i32
        %dma_start3A_306 = arith.constant 0 : i32
        %dma_start3A_307 = tpu.memref_slice %arg11[%dma_start3A_305, %dma_start3A_306] : memref<512x16xf32, #tpu.memory_space<vmem>> -> memref<256x16xf32, #tpu.memory_space<vmem>>
        %dma_start3A_308 = tpu.memref_slice %arg9[%mul3A_304] : memref<10240xi32, #tpu.memory_space<vmem>> -> memref<256xi32, #tpu.memory_space<vmem>>
        %dma_start3A_309 = arith.constant 0 : i32
        %dma_start3A_310 = arith.constant 0 : i32
        %dma_start3A_311 = tpu.memref_slice %arg8[%dma_start3A_309, %dma_start3A_310] : memref<10112x16xf32, #tpu.memory_space<vmem_shared>> -> memref<10112x16xf32, #tpu.memory_space<vmem_shared>>
        tpu.enqueue_indirect_dma source(%dma_start3A_311 : memref<10112x16xf32, #tpu.memory_space<vmem_shared>>) target(%dma_start3A_307 : memref<256x16xf32, #tpu.memory_space<vmem>>) offsets(%dma_start3A_308 : memref<256xi32, #tpu.memory_space<vmem>>) semaphore(%arg16 : memref<!tpu.dma_semaphore, #tpu.memory_space<semaphore_mem>>)
      } else {
      }
      %add3A_277 = arith.constant 1 : i32
      %add3A_278 = arith.addi %mul3A_182, %add3A_277 : i32
      %mul3A_279 = arith.constant 512 : i32
      %mul3A_280 = arith.muli %add3A_278, %mul3A_279 : i32
      "tpu.region"() ({
        %run_scoped3A = tpu.sem_alloc : memref<!tpu.dma_semaphore, #tpu.memory_space<semaphore_mem>>
        %dma_start3A_282 = tpu.memref_slice %arg10[%mul3A_280] : memref<10240xi32, #tpu.memory_space<vmem>> -> memref<512xi32, #tpu.memory_space<vmem>>
        %dma_start3A_283 = arith.constant 0 : i32
        %dma_start3A_284 = arith.constant 0 : i32
        %dma_start3A_285 = tpu.memref_slice %arg7[%dma_start3A_283, %dma_start3A_284] : memref<10112x16xf32, #tpu.memory_space<vmem_shared>> -> memref<10112x16xf32, #tpu.memory_space<vmem_shared>>
        tpu.enqueue_indirect_dma source(%arg12 : memref<512x16xf32, #tpu.memory_space<vmem>>) target(%dma_start3A_285 : memref<10112x16xf32, #tpu.memory_space<vmem_shared>>) offsets(%dma_start3A_282 : memref<512xi32, #tpu.memory_space<vmem>>) semaphore(%run_scoped3A : memref<!tpu.dma_semaphore, #tpu.memory_space<semaphore_mem>>) {add = true}
        %dma_wait3A_286 = tpu.memref_slice %arg10[%mul3A_280] : memref<10240xi32, #tpu.memory_space<vmem>> -> memref<512xi32, #tpu.memory_space<vmem>>
        %dma_wait3A_287 = arith.constant 0 : i32
        %dma_wait3A_288 = arith.constant 0 : i32
        %dma_wait3A_289 = tpu.memref_slice %arg7[%dma_wait3A_287, %dma_wait3A_288] : memref<10112x16xf32, #tpu.memory_space<vmem_shared>> -> memref<10112x16xf32, #tpu.memory_space<vmem_shared>>
        tpu.wait_indirect_dma semaphore(%run_scoped3A : memref<!tpu.dma_semaphore, #tpu.memory_space<semaphore_mem>>) src(%arg12 : memref<512x16xf32, #tpu.memory_space<vmem>>) dst(%dma_wait3A_289 : memref<10112x16xf32, #tpu.memory_space<vmem_shared>>)
        tpu.yield
      }) : () -> ()
      %scan3A_281 = arith.constant 0 : i32
      scf.yield %scan3A_281 : i32
    }
    %scan3A_173 = arith.constant 10 : i32
    %barrier3A_174 = arith.constant 0 : index
    tpu.barrier barrier_id(%barrier3A_174)
    %mul3A_175 = arith.constant 632 : i32
    %mul3A_176 = arith.muli %arg1, %mul3A_175 : i32
    %mul3A_177 = arith.constant 632 : i32
    %mul3A_178 = arith.muli %arg1, %mul3A_177 : i32
    "tpu.region"() ({
      %run_scoped3A = tpu.sem_alloc : memref<!tpu.dma_semaphore, #tpu.memory_space<semaphore_mem>>
      %dma_start3A_179 = arith.constant 0 : i32
      %dma_start3A_180 = tpu.memref_slice %arg5[%arg0, %mul3A_178, %dma_start3A_179] : memref<2x10112x16xf32, #tpu.memory_space<hbm>> -> memref<1x632x16xf32, #tpu.memory_space<hbm>>
      %dma_start3A_181 = tpu.memref_squeeze %dma_start3A_180 : memref<1x632x16xf32, #tpu.memory_space<hbm>> -> memref<632x16xf32, #tpu.memory_space<hbm>>
      %dma_start3A_182 = arith.constant 0 : i32
      %dma_start3A_183 = tpu.memref_slice %arg7[%mul3A_176, %dma_start3A_182] : memref<10112x16xf32, #tpu.memory_space<vmem_shared>> -> memref<632x16xf32, #tpu.memory_space<vmem_shared>>
      tpu.enqueue_dma source(%dma_start3A_183 : memref<632x16xf32, #tpu.memory_space<vmem_shared>>) target(%dma_start3A_181 : memref<632x16xf32, #tpu.memory_space<hbm>>) target_semaphore(%run_scoped3A : memref<!tpu.dma_semaphore, #tpu.memory_space<semaphore_mem>>)
      %dma_wait3A_184 = arith.constant 0 : i32
      %dma_wait3A_185 = tpu.memref_slice %arg5[%arg0, %mul3A_178, %dma_wait3A_184] : memref<2x10112x16xf32, #tpu.memory_space<hbm>> -> memref<1x632x16xf32, #tpu.memory_space<hbm>>
      %dma_wait3A_186 = tpu.memref_squeeze %dma_wait3A_185 : memref<1x632x16xf32, #tpu.memory_space<hbm>> -> memref<632x16xf32, #tpu.memory_space<hbm>>
      %dma_wait3A_187 = arith.constant 0 : i32
      %dma_wait3A_188 = tpu.memref_slice %arg7[%mul3A_176, %dma_wait3A_187] : memref<10112x16xf32, #tpu.memory_space<vmem_shared>> -> memref<632x16xf32, #tpu.memory_space<vmem_shared>>
      tpu.wait_dma2 semaphore(%run_scoped3A : memref<!tpu.dma_semaphore, #tpu.memory_space<semaphore_mem>>) src(%dma_wait3A_188 : memref<632x16xf32, #tpu.memory_space<vmem_shared>>) dst(%dma_wait3A_186 : memref<632x16xf32, #tpu.memory_space<hbm>>)
      tpu.yield
    }) : () -> ()
    return
  }
}

#map = affine_map<(d0, d1) -> (0, 0)>
#map1 = affine_map<(d0, d1) -> (0, 0, 0)>
module attributes {stable_mosaic.version = 14 : i64} {
  func.func @_sc_deg_body(%arg0: i32, %arg1: i32, %arg2: memref<2x320000xi32, #tpu.memory_space<hbm>>, %arg3: memref<2x10112x16xf32, #tpu.memory_space<hbm>>, %arg4: memref<10112x16xf32, #tpu.memory_space<vmem_shared>>, %arg5: memref<10240xi32, #tpu.memory_space<vmem>>, %arg6: memref<256x16xf32, #tpu.memory_space<vmem>>, %arg7: memref<632x16xf32, #tpu.memory_space<vmem>>, %arg8: memref<!tpu.dma_semaphore, #tpu.memory_space<semaphore_mem>>) attributes {dimension_semantics = [#tpu.dimension_semantics<core_parallel>, #tpu.dimension_semantics<subcore_parallel>], iteration_bounds = array<i64: 2, 16>, scalar_prefetch = 0 : i64, scratch_operands = 5 : i64, tpu.core_type = #tpu.core_type<sc_vector_subcore>, window_params = [{transform_indices = #map}, {transform_indices = #map1}]} {
    %mul3A = arith.constant 16 : i32
    %mul3A_0 = arith.muli %arg0, %mul3A : i32
    %add3A = arith.addi %mul3A_0, %arg1 : i32
    %broadcast_in_dim3A = arith.constant 10000 : i32
    %broadcast_in_dim3A_1 = vector.broadcast %broadcast_in_dim3A : i32 to vector<16xi32>
    %swap3A = arith.constant 10000 : index
    %swap3A_2 = tpu.vector_load %arg5[%swap3A] {strides = array<i32>} : memref<10240xi32, #tpu.memory_space<vmem>>, vector<16xi32>,
    tpu.vector_store %arg5[%swap3A], %broadcast_in_dim3A_1 {strides = array<i32>} : memref<10240xi32, #tpu.memory_space<vmem>>, vector<16xi32>,
    %swap3A_3 = arith.constant 10016 : index
    %swap3A_4 = tpu.vector_load %arg5[%swap3A_3] {strides = array<i32>} : memref<10240xi32, #tpu.memory_space<vmem>>, vector<16xi32>,
    tpu.vector_store %arg5[%swap3A_3], %broadcast_in_dim3A_1 {strides = array<i32>} : memref<10240xi32, #tpu.memory_space<vmem>>, vector<16xi32>,
    %swap3A_5 = arith.constant 10032 : index
    %swap3A_6 = tpu.vector_load %arg5[%swap3A_5] {strides = array<i32>} : memref<10240xi32, #tpu.memory_space<vmem>>, vector<16xi32>,
    tpu.vector_store %arg5[%swap3A_5], %broadcast_in_dim3A_1 {strides = array<i32>} : memref<10240xi32, #tpu.memory_space<vmem>>, vector<16xi32>,
    %swap3A_7 = arith.constant 10048 : index
    %swap3A_8 = tpu.vector_load %arg5[%swap3A_7] {strides = array<i32>} : memref<10240xi32, #tpu.memory_space<vmem>>, vector<16xi32>,
    tpu.vector_store %arg5[%swap3A_7], %broadcast_in_dim3A_1 {strides = array<i32>} : memref<10240xi32, #tpu.memory_space<vmem>>, vector<16xi32>,
    %swap3A_9 = arith.constant 10064 : index
    %swap3A_10 = tpu.vector_load %arg5[%swap3A_9] {strides = array<i32>} : memref<10240xi32, #tpu.memory_space<vmem>>, vector<16xi32>,
    tpu.vector_store %arg5[%swap3A_9], %broadcast_in_dim3A_1 {strides = array<i32>} : memref<10240xi32, #tpu.memory_space<vmem>>, vector<16xi32>,
    %swap3A_11 = arith.constant 10080 : index
    %swap3A_12 = tpu.vector_load %arg5[%swap3A_11] {strides = array<i32>} : memref<10240xi32, #tpu.memory_space<vmem>>, vector<16xi32>,
    tpu.vector_store %arg5[%swap3A_11], %broadcast_in_dim3A_1 {strides = array<i32>} : memref<10240xi32, #tpu.memory_space<vmem>>, vector<16xi32>,
    %swap3A_13 = arith.constant 10096 : index
    %swap3A_14 = tpu.vector_load %arg5[%swap3A_13] {strides = array<i32>} : memref<10240xi32, #tpu.memory_space<vmem>>, vector<16xi32>,
    tpu.vector_store %arg5[%swap3A_13], %broadcast_in_dim3A_1 {strides = array<i32>} : memref<10240xi32, #tpu.memory_space<vmem>>, vector<16xi32>,
    %swap3A_15 = arith.constant 10112 : index
    %swap3A_16 = tpu.vector_load %arg5[%swap3A_15] {strides = array<i32>} : memref<10240xi32, #tpu.memory_space<vmem>>, vector<16xi32>,
    tpu.vector_store %arg5[%swap3A_15], %broadcast_in_dim3A_1 {strides = array<i32>} : memref<10240xi32, #tpu.memory_space<vmem>>, vector<16xi32>,
    %swap3A_17 = arith.constant 10128 : index
    %swap3A_18 = tpu.vector_load %arg5[%swap3A_17] {strides = array<i32>} : memref<10240xi32, #tpu.memory_space<vmem>>, vector<16xi32>,
    tpu.vector_store %arg5[%swap3A_17], %broadcast_in_dim3A_1 {strides = array<i32>} : memref<10240xi32, #tpu.memory_space<vmem>>, vector<16xi32>,
    %swap3A_19 = arith.constant 10144 : index
    %swap3A_20 = tpu.vector_load %arg5[%swap3A_19] {strides = array<i32>} : memref<10240xi32, #tpu.memory_space<vmem>>, vector<16xi32>,
    tpu.vector_store %arg5[%swap3A_19], %broadcast_in_dim3A_1 {strides = array<i32>} : memref<10240xi32, #tpu.memory_space<vmem>>, vector<16xi32>,
    %swap3A_21 = arith.constant 10160 : index
    %swap3A_22 = tpu.vector_load %arg5[%swap3A_21] {strides = array<i32>} : memref<10240xi32, #tpu.memory_space<vmem>>, vector<16xi32>,
    tpu.vector_store %arg5[%swap3A_21], %broadcast_in_dim3A_1 {strides = array<i32>} : memref<10240xi32, #tpu.memory_space<vmem>>, vector<16xi32>,
    %swap3A_23 = arith.constant 10176 : index
    %swap3A_24 = tpu.vector_load %arg5[%swap3A_23] {strides = array<i32>} : memref<10240xi32, #tpu.memory_space<vmem>>, vector<16xi32>,
    tpu.vector_store %arg5[%swap3A_23], %broadcast_in_dim3A_1 {strides = array<i32>} : memref<10240xi32, #tpu.memory_space<vmem>>, vector<16xi32>,
    %swap3A_25 = arith.constant 10192 : index
    %swap3A_26 = tpu.vector_load %arg5[%swap3A_25] {strides = array<i32>} : memref<10240xi32, #tpu.memory_space<vmem>>, vector<16xi32>,
    tpu.vector_store %arg5[%swap3A_25], %broadcast_in_dim3A_1 {strides = array<i32>} : memref<10240xi32, #tpu.memory_space<vmem>>, vector<16xi32>,
    %swap3A_27 = arith.constant 10208 : index
    %swap3A_28 = tpu.vector_load %arg5[%swap3A_27] {strides = array<i32>} : memref<10240xi32, #tpu.memory_space<vmem>>, vector<16xi32>,
    tpu.vector_store %arg5[%swap3A_27], %broadcast_in_dim3A_1 {strides = array<i32>} : memref<10240xi32, #tpu.memory_space<vmem>>, vector<16xi32>,
    %swap3A_29 = arith.constant 10224 : index
    %swap3A_30 = tpu.vector_load %arg5[%swap3A_29] {strides = array<i32>} : memref<10240xi32, #tpu.memory_space<vmem>>, vector<16xi32>,
    tpu.vector_store %arg5[%swap3A_29], %broadcast_in_dim3A_1 {strides = array<i32>} : memref<10240xi32, #tpu.memory_space<vmem>>, vector<16xi32>,
    %mul3A_31 = arith.constant 10000 : i32
    %mul3A_32 = arith.muli %add3A, %mul3A_31 : i32
    %dma_start3A = arith.constant 1 : i32
    %dma_start3A_33 = arith.constant 0 : i32
    %dma_start3A_34 = tpu.memref_slice %arg5[%dma_start3A_33] : memref<10240xi32, #tpu.memory_space<vmem>> -> memref<10000xi32, #tpu.memory_space<vmem>>
    %dma_start3A_35 = tpu.memref_slice %arg2[%dma_start3A, %mul3A_32] : memref<2x320000xi32, #tpu.memory_space<hbm>> -> memref<1x10000xi32, #tpu.memory_space<hbm>>
    %dma_start3A_36 = tpu.memref_squeeze %dma_start3A_35 : memref<1x10000xi32, #tpu.memory_space<hbm>> -> memref<10000xi32, #tpu.memory_space<hbm>>
    %dma_start3A_37 = arith.constant 0 : i32
    %dma_start3A_38 = tpu.memref_slice %arg5[%dma_start3A_37] : memref<10240xi32, #tpu.memory_space<vmem>> -> memref<10000xi32, #tpu.memory_space<vmem>>
    %dma_start3A_39 = tpu.memref_slice %arg2[%dma_start3A, %mul3A_32] : memref<2x320000xi32, #tpu.memory_space<hbm>> -> memref<1x10000xi32, #tpu.memory_space<hbm>>
    %dma_start3A_40 = tpu.memref_squeeze %dma_start3A_39 : memref<1x10000xi32, #tpu.memory_space<hbm>> -> memref<10000xi32, #tpu.memory_space<hbm>>
    tpu.enqueue_dma source(%dma_start3A_40 : memref<10000xi32, #tpu.memory_space<hbm>>) target(%dma_start3A_38 : memref<10000xi32, #tpu.memory_space<vmem>>) target_semaphore(%arg8 : memref<!tpu.dma_semaphore, #tpu.memory_space<semaphore_mem>>)
    %scan3A = arith.constant 0 : i32
    %scan3A_41 = arith.constant 0 : i32
    %scan3A_42 = arith.constant 632 : i32
    %scan3A_43 = arith.addi %scan3A_41, %scan3A_42 : i32
    %scan3A_44 = arith.constant 1 : i32
    %scan3A_45 = scf.for %scan3A_83 = %scan3A_41 to %scan3A_43 step %scan3A_44 iter_args(%scan3A_84 = %scan3A) -> (i32)  : i32 {
      %broadcast_in_dim3A_85 = arith.constant 0.000000e+00 : f32
      %broadcast_in_dim3A_86 = vector.broadcast %broadcast_in_dim3A_85 : f32 to vector<16xf32>
      %swap3A_87 = arith.index_cast %scan3A_83 : i32 to index
      %swap3A_88 = arith.constant 0 : index
      %swap3A_89 = tpu.vector_load %arg7[%swap3A_87, %swap3A_88] {strides = array<i32>} : memref<632x16xf32, #tpu.memory_space<vmem>>, vector<16xf32>,
      tpu.vector_store %arg7[%swap3A_87, %swap3A_88], %broadcast_in_dim3A_86 {strides = array<i32>} : memref<632x16xf32, #tpu.memory_space<vmem>>, vector<16xf32>,
      %scan3A_90 = arith.constant 0 : i32
      scf.yield %scan3A_90 : i32
    }
    %scan3A_46 = arith.constant 632 : i32
    %mul3A_47 = arith.constant 632 : i32
    %mul3A_48 = arith.muli %arg1, %mul3A_47 : i32
    "tpu.region"() ({
      %run_scoped3A = tpu.sem_alloc : memref<!tpu.dma_semaphore, #tpu.memory_space<semaphore_mem>>
      %dma_start3A_83 = arith.constant 0 : i32
      %dma_start3A_84 = tpu.memref_slice %arg4[%mul3A_48, %dma_start3A_83] : memref<10112x16xf32, #tpu.memory_space<vmem_shared>> -> memref<632x16xf32, #tpu.memory_space<vmem_shared>>
      %dma_start3A_85 = arith.constant 0 : i32
      %dma_start3A_86 = tpu.memref_slice %arg4[%mul3A_48, %dma_start3A_85] : memref<10112x16xf32, #tpu.memory_space<vmem_shared>> -> memref<632x16xf32, #tpu.memory_space<vmem_shared>>
      tpu.enqueue_dma source(%arg7 : memref<632x16xf32, #tpu.memory_space<vmem>>) target(%dma_start3A_86 : memref<632x16xf32, #tpu.memory_space<vmem_shared>>) target_semaphore(%run_scoped3A : memref<!tpu.dma_semaphore, #tpu.memory_space<semaphore_mem>>)
      %dma_wait3A_87 = arith.constant 0 : i32
      %dma_wait3A_88 = tpu.memref_slice %arg4[%mul3A_48, %dma_wait3A_87] : memref<10112x16xf32, #tpu.memory_space<vmem_shared>> -> memref<632x16xf32, #tpu.memory_space<vmem_shared>>
      %dma_wait3A_89 = arith.constant 0 : i32
      %dma_wait3A_90 = tpu.memref_slice %arg4[%mul3A_48, %dma_wait3A_89] : memref<10112x16xf32, #tpu.memory_space<vmem_shared>> -> memref<632x16xf32, #tpu.memory_space<vmem_shared>>
      tpu.wait_dma2 semaphore(%run_scoped3A : memref<!tpu.dma_semaphore, #tpu.memory_space<semaphore_mem>>) src(%arg7 : memref<632x16xf32, #tpu.memory_space<vmem>>) dst(%dma_wait3A_90 : memref<632x16xf32, #tpu.memory_space<vmem_shared>>)
      tpu.yield
    }) : () -> ()
    %scan3A_49 = arith.constant 0 : i32
    %scan3A_50 = arith.constant 0 : i32
    %scan3A_51 = arith.constant 256 : i32
    %scan3A_52 = arith.addi %scan3A_50, %scan3A_51 : i32
    %scan3A_53 = arith.constant 1 : i32
    %scan3A_54 = scf.for %scan3A_83 = %scan3A_50 to %scan3A_52 step %scan3A_53 iter_args(%scan3A_84 = %scan3A_49) -> (i32)  : i32 {
      %broadcast_in_dim3A_85 = arith.constant 1.000000e+00 : f32
      %broadcast_in_dim3A_86 = vector.broadcast %broadcast_in_dim3A_85 : f32 to vector<16xf32>
      %swap3A_87 = arith.index_cast %scan3A_83 : i32 to index
      %swap3A_88 = arith.constant 0 : index
      %swap3A_89 = tpu.vector_load %arg6[%swap3A_87, %swap3A_88] {strides = array<i32>} : memref<256x16xf32, #tpu.memory_space<vmem>>, vector<16xf32>,
      tpu.vector_store %arg6[%swap3A_87, %swap3A_88], %broadcast_in_dim3A_86 {strides = array<i32>} : memref<256x16xf32, #tpu.memory_space<vmem>>, vector<16xf32>,
      %scan3A_90 = arith.constant 0 : i32
      scf.yield %scan3A_90 : i32
    }
    %scan3A_55 = arith.constant 256 : i32
    %dma_wait3A = arith.constant 1 : i32
    %dma_wait3A_56 = arith.constant 0 : i32
    %dma_wait3A_57 = tpu.memref_slice %arg5[%dma_wait3A_56] : memref<10240xi32, #tpu.memory_space<vmem>> -> memref<10000xi32, #tpu.memory_space<vmem>>
    %dma_wait3A_58 = tpu.memref_slice %arg2[%dma_wait3A, %mul3A_32] : memref<2x320000xi32, #tpu.memory_space<hbm>> -> memref<1x10000xi32, #tpu.memory_space<hbm>>
    %dma_wait3A_59 = tpu.memref_squeeze %dma_wait3A_58 : memref<1x10000xi32, #tpu.memory_space<hbm>> -> memref<10000xi32, #tpu.memory_space<hbm>>
    %dma_wait3A_60 = arith.constant 0 : i32
    %dma_wait3A_61 = tpu.memref_slice %arg5[%dma_wait3A_60] : memref<10240xi32, #tpu.memory_space<vmem>> -> memref<10000xi32, #tpu.memory_space<vmem>>
    %dma_wait3A_62 = tpu.memref_slice %arg2[%dma_wait3A, %mul3A_32] : memref<2x320000xi32, #tpu.memory_space<hbm>> -> memref<1x10000xi32, #tpu.memory_space<hbm>>
    %dma_wait3A_63 = tpu.memref_squeeze %dma_wait3A_62 : memref<1x10000xi32, #tpu.memory_space<hbm>> -> memref<10000xi32, #tpu.memory_space<hbm>>
    tpu.wait_dma2 semaphore(%arg8 : memref<!tpu.dma_semaphore, #tpu.memory_space<semaphore_mem>>) src(%dma_wait3A_63 : memref<10000xi32, #tpu.memory_space<hbm>>) dst(%dma_wait3A_61 : memref<10000xi32, #tpu.memory_space<vmem>>)
    %barrier3A = arith.constant 0 : index
    tpu.barrier barrier_id(%barrier3A)
    %scan3A_64 = arith.constant 0 : i32
    %scan3A_65 = arith.constant 0 : i32
    %scan3A_66 = arith.constant 40 : i32
    %scan3A_67 = arith.addi %scan3A_65, %scan3A_66 : i32
    %scan3A_68 = arith.constant 1 : i32
    %scan3A_69 = scf.for %scan3A_83 = %scan3A_65 to %scan3A_67 step %scan3A_68 iter_args(%scan3A_84 = %scan3A_64) -> (i32)  : i32 {
      %mul3A_85 = arith.constant 256 : i32
      %mul3A_86 = arith.muli %scan3A_83, %mul3A_85 : i32
      %dma_start3A_87 = tpu.memref_slice %arg5[%mul3A_86] : memref<10240xi32, #tpu.memory_space<vmem>> -> memref<256xi32, #tpu.memory_space<vmem>>
      %dma_start3A_88 = arith.constant 0 : i32
      %dma_start3A_89 = arith.constant 0 : i32
      %dma_start3A_90 = tpu.memref_slice %arg4[%dma_start3A_88, %dma_start3A_89] : memref<10112x16xf32, #tpu.memory_space<vmem_shared>> -> memref<10112x16xf32, #tpu.memory_space<vmem_shared>>
      tpu.enqueue_indirect_dma source(%arg6 : memref<256x16xf32, #tpu.memory_space<vmem>>) target(%dma_start3A_90 : memref<10112x16xf32, #tpu.memory_space<vmem_shared>>) offsets(%dma_start3A_87 : memref<256xi32, #tpu.memory_space<vmem>>) semaphore(%arg8 : memref<!tpu.dma_semaphore, #tpu.memory_space<semaphore_mem>>) {add = true}
      %scan3A_91 = arith.constant 0 : i32
      scf.yield %scan3A_91 : i32
    }
    %scan3A_70 = arith.constant 40 : i32
    %scan3A_71 = arith.constant 0 : i32
    %scan3A_72 = arith.constant 0 : i32
    %scan3A_73 = arith.constant 40 : i32
    %scan3A_74 = arith.addi %scan3A_72, %scan3A_73 : i32
    %scan3A_75 = arith.constant 1 : i32
    %scan3A_76 = scf.for %scan3A_83 = %scan3A_72 to %scan3A_74 step %scan3A_75 iter_args(%scan3A_84 = %scan3A_71) -> (i32)  : i32 {
      %mul3A_85 = arith.constant 256 : i32
      %mul3A_86 = arith.muli %scan3A_83, %mul3A_85 : i32
      %dma_wait3A_87 = tpu.memref_slice %arg5[%mul3A_86] : memref<10240xi32, #tpu.memory_space<vmem>> -> memref<256xi32, #tpu.memory_space<vmem>>
      %dma_wait3A_88 = arith.constant 0 : i32
      %dma_wait3A_89 = arith.constant 0 : i32
      %dma_wait3A_90 = tpu.memref_slice %arg4[%dma_wait3A_88, %dma_wait3A_89] : memref<10112x16xf32, #tpu.memory_space<vmem_shared>> -> memref<10112x16xf32, #tpu.memory_space<vmem_shared>>
      tpu.wait_indirect_dma semaphore(%arg8 : memref<!tpu.dma_semaphore, #tpu.memory_space<semaphore_mem>>) src(%arg6 : memref<256x16xf32, #tpu.memory_space<vmem>>) dst(%dma_wait3A_90 : memref<10112x16xf32, #tpu.memory_space<vmem_shared>>)
      %scan3A_91 = arith.constant 0 : i32
      scf.yield %scan3A_91 : i32
    }
    %scan3A_77 = arith.constant 40 : i32
    %barrier3A_78 = arith.constant 0 : index
    tpu.barrier barrier_id(%barrier3A_78)
    %mul3A_79 = arith.constant 632 : i32
    %mul3A_80 = arith.muli %arg1, %mul3A_79 : i32
    %mul3A_81 = arith.constant 632 : i32
    %mul3A_82 = arith.muli %arg1, %mul3A_81 : i32
    "tpu.region"() ({
      %run_scoped3A = tpu.sem_alloc : memref<!tpu.dma_semaphore, #tpu.memory_space<semaphore_mem>>
      %dma_start3A_83 = arith.constant 0 : i32
      %dma_start3A_84 = tpu.memref_slice %arg3[%arg0, %mul3A_82, %dma_start3A_83] : memref<2x10112x16xf32, #tpu.memory_space<hbm>> -> memref<1x632x16xf32, #tpu.memory_space<hbm>>
      %dma_start3A_85 = tpu.memref_squeeze %dma_start3A_84 : memref<1x632x16xf32, #tpu.memory_space<hbm>> -> memref<632x16xf32, #tpu.memory_space<hbm>>
      %dma_start3A_86 = arith.constant 0 : i32
      %dma_start3A_87 = tpu.memref_slice %arg4[%mul3A_80, %dma_start3A_86] : memref<10112x16xf32, #tpu.memory_space<vmem_shared>> -> memref<632x16xf32, #tpu.memory_space<vmem_shared>>
      tpu.enqueue_dma source(%dma_start3A_87 : memref<632x16xf32, #tpu.memory_space<vmem_shared>>) target(%dma_start3A_85 : memref<632x16xf32, #tpu.memory_space<hbm>>) target_semaphore(%run_scoped3A : memref<!tpu.dma_semaphore, #tpu.memory_space<semaphore_mem>>)
      %dma_wait3A_88 = arith.constant 0 : i32
      %dma_wait3A_89 = tpu.memref_slice %arg3[%arg0, %mul3A_82, %dma_wait3A_88] : memref<2x10112x16xf32, #tpu.memory_space<hbm>> -> memref<1x632x16xf32, #tpu.memory_space<hbm>>
      %dma_wait3A_90 = tpu.memref_squeeze %dma_wait3A_89 : memref<1x632x16xf32, #tpu.memory_space<hbm>> -> memref<632x16xf32, #tpu.memory_space<hbm>>
      %dma_wait3A_91 = arith.constant 0 : i32
      %dma_wait3A_92 = tpu.memref_slice %arg4[%mul3A_80, %dma_wait3A_91] : memref<10112x16xf32, #tpu.memory_space<vmem_shared>> -> memref<632x16xf32, #tpu.memory_space<vmem_shared>>
      tpu.wait_dma2 semaphore(%run_scoped3A : memref<!tpu.dma_semaphore, #tpu.memory_space<semaphore_mem>>) src(%dma_wait3A_92 : memref<632x16xf32, #tpu.memory_space<vmem_shared>>) dst(%dma_wait3A_90 : memref<632x16xf32, #tpu.memory_space<hbm>>)
      tpu.yield
    }) : () -> ()
    return
  }
}

#map = affine_map<(d0, d1) -> (0, 0, 0)>
#map1 = affine_map<(d0, d1) -> (0, 0)>
#map2 = affine_map<(d0, d1) -> (0)>
module attributes {stable_mosaic.version = 14 : i64} {
  func.func @_sc_l2_body(%arg0: i32, %arg1: i32, %arg2: memref<2x10112x16xf32, #tpu.memory_space<hbm>>, %arg3: memref<10112x16xf32, #tpu.memory_space<hbm>>, %arg4: memref<16xf32, #tpu.memory_space<hbm>>, %arg5: memref<2x320000xi32, #tpu.memory_space<hbm>>, %arg6: memref<2x10112x16xf32, #tpu.memory_space<hbm>>, %arg7: memref<10112x16xf32, #tpu.memory_space<vmem_shared>>, %arg8: memref<10112x16xf32, #tpu.memory_space<vmem_shared>>, %arg9: memref<10240xi32, #tpu.memory_space<vmem>>, %arg10: memref<10240xi32, #tpu.memory_space<vmem>>, %arg11: memref<512x16xf32, #tpu.memory_space<vmem>>, %arg12: memref<512x16xf32, #tpu.memory_space<vmem>>, %arg13: memref<632x16xf32, #tpu.memory_space<vmem>>, %arg14: memref<632x16xf32, #tpu.memory_space<vmem>>, %arg15: memref<632x16xf32, #tpu.memory_space<vmem>>, %arg16: memref<16xf32, #tpu.memory_space<vmem>>, %arg17: memref<!tpu.dma_semaphore, #tpu.memory_space<semaphore_mem>>, %arg18: memref<!tpu.dma_semaphore, #tpu.memory_space<semaphore_mem>>) attributes {dimension_semantics = [#tpu.dimension_semantics<core_parallel>, #tpu.dimension_semantics<subcore_parallel>], iteration_bounds = array<i64: 2, 16>, scalar_prefetch = 0 : i64, scratch_operands = 12 : i64, tpu.core_type = #tpu.core_type<sc_vector_subcore>, window_params = [{transform_indices = #map}, {transform_indices = #map1}, {transform_indices = #map2}, {transform_indices = #map1}, {transform_indices = #map}]} {
    %mul3A = arith.constant 16 : i32
    %mul3A_0 = arith.muli %arg0, %mul3A : i32
    %add3A = arith.addi %mul3A_0, %arg1 : i32
    %mul3A_1 = arith.constant 632 : i32
    %mul3A_2 = arith.muli %arg1, %mul3A_1 : i32
    %broadcast_in_dim3A = arith.constant 0 : i32
    %broadcast_in_dim3A_3 = vector.broadcast %broadcast_in_dim3A : i32 to vector<16xi32>
    %swap3A = arith.constant 10000 : index
    %swap3A_4 = tpu.vector_load %arg9[%swap3A] {strides = array<i32>} : memref<10240xi32, #tpu.memory_space<vmem>>, vector<16xi32>,
    tpu.vector_store %arg9[%swap3A], %broadcast_in_dim3A_3 {strides = array<i32>} : memref<10240xi32, #tpu.memory_space<vmem>>, vector<16xi32>,
    %swap3A_5 = arith.constant 10016 : index
    %swap3A_6 = tpu.vector_load %arg9[%swap3A_5] {strides = array<i32>} : memref<10240xi32, #tpu.memory_space<vmem>>, vector<16xi32>,
    tpu.vector_store %arg9[%swap3A_5], %broadcast_in_dim3A_3 {strides = array<i32>} : memref<10240xi32, #tpu.memory_space<vmem>>, vector<16xi32>,
    %swap3A_7 = arith.constant 10032 : index
    %swap3A_8 = tpu.vector_load %arg9[%swap3A_7] {strides = array<i32>} : memref<10240xi32, #tpu.memory_space<vmem>>, vector<16xi32>,
    tpu.vector_store %arg9[%swap3A_7], %broadcast_in_dim3A_3 {strides = array<i32>} : memref<10240xi32, #tpu.memory_space<vmem>>, vector<16xi32>,
    %swap3A_9 = arith.constant 10048 : index
    %swap3A_10 = tpu.vector_load %arg9[%swap3A_9] {strides = array<i32>} : memref<10240xi32, #tpu.memory_space<vmem>>, vector<16xi32>,
    tpu.vector_store %arg9[%swap3A_9], %broadcast_in_dim3A_3 {strides = array<i32>} : memref<10240xi32, #tpu.memory_space<vmem>>, vector<16xi32>,
    %swap3A_11 = arith.constant 10064 : index
    %swap3A_12 = tpu.vector_load %arg9[%swap3A_11] {strides = array<i32>} : memref<10240xi32, #tpu.memory_space<vmem>>, vector<16xi32>,
    tpu.vector_store %arg9[%swap3A_11], %broadcast_in_dim3A_3 {strides = array<i32>} : memref<10240xi32, #tpu.memory_space<vmem>>, vector<16xi32>,
    %swap3A_13 = arith.constant 10080 : index
    %swap3A_14 = tpu.vector_load %arg9[%swap3A_13] {strides = array<i32>} : memref<10240xi32, #tpu.memory_space<vmem>>, vector<16xi32>,
    tpu.vector_store %arg9[%swap3A_13], %broadcast_in_dim3A_3 {strides = array<i32>} : memref<10240xi32, #tpu.memory_space<vmem>>, vector<16xi32>,
    %swap3A_15 = arith.constant 10096 : index
    %swap3A_16 = tpu.vector_load %arg9[%swap3A_15] {strides = array<i32>} : memref<10240xi32, #tpu.memory_space<vmem>>, vector<16xi32>,
    tpu.vector_store %arg9[%swap3A_15], %broadcast_in_dim3A_3 {strides = array<i32>} : memref<10240xi32, #tpu.memory_space<vmem>>, vector<16xi32>,
    %swap3A_17 = arith.constant 10112 : index
    %swap3A_18 = tpu.vector_load %arg9[%swap3A_17] {strides = array<i32>} : memref<10240xi32, #tpu.memory_space<vmem>>, vector<16xi32>,
    tpu.vector_store %arg9[%swap3A_17], %broadcast_in_dim3A_3 {strides = array<i32>} : memref<10240xi32, #tpu.memory_space<vmem>>, vector<16xi32>,
    %swap3A_19 = arith.constant 10128 : index
    %swap3A_20 = tpu.vector_load %arg9[%swap3A_19] {strides = array<i32>} : memref<10240xi32, #tpu.memory_space<vmem>>, vector<16xi32>,
    tpu.vector_store %arg9[%swap3A_19], %broadcast_in_dim3A_3 {strides = array<i32>} : memref<10240xi32, #tpu.memory_space<vmem>>, vector<16xi32>,
    %swap3A_21 = arith.constant 10144 : index
    %swap3A_22 = tpu.vector_load %arg9[%swap3A_21] {strides = array<i32>} : memref<10240xi32, #tpu.memory_space<vmem>>, vector<16xi32>,
    tpu.vector_store %arg9[%swap3A_21], %broadcast_in_dim3A_3 {strides = array<i32>} : memref<10240xi32, #tpu.memory_space<vmem>>, vector<16xi32>,
    %swap3A_23 = arith.constant 10160 : index
    %swap3A_24 = tpu.vector_load %arg9[%swap3A_23] {strides = array<i32>} : memref<10240xi32, #tpu.memory_space<vmem>>, vector<16xi32>,
    tpu.vector_store %arg9[%swap3A_23], %broadcast_in_dim3A_3 {strides = array<i32>} : memref<10240xi32, #tpu.memory_space<vmem>>, vector<16xi32>,
    %swap3A_25 = arith.constant 10176 : index
    %swap3A_26 = tpu.vector_load %arg9[%swap3A_25] {strides = array<i32>} : memref<10240xi32, #tpu.memory_space<vmem>>, vector<16xi32>,
    tpu.vector_store %arg9[%swap3A_25], %broadcast_in_dim3A_3 {strides = array<i32>} : memref<10240xi32, #tpu.memory_space<vmem>>, vector<16xi32>,
    %swap3A_27 = arith.constant 10192 : index
    %swap3A_28 = tpu.vector_load %arg9[%swap3A_27] {strides = array<i32>} : memref<10240xi32, #tpu.memory_space<vmem>>, vector<16xi32>,
    tpu.vector_store %arg9[%swap3A_27], %broadcast_in_dim3A_3 {strides = array<i32>} : memref<10240xi32, #tpu.memory_space<vmem>>, vector<16xi32>,
    %swap3A_29 = arith.constant 10208 : index
    %swap3A_30 = tpu.vector_load %arg9[%swap3A_29] {strides = array<i32>} : memref<10240xi32, #tpu.memory_space<vmem>>, vector<16xi32>,
    tpu.vector_store %arg9[%swap3A_29], %broadcast_in_dim3A_3 {strides = array<i32>} : memref<10240xi32, #tpu.memory_space<vmem>>, vector<16xi32>,
    %swap3A_31 = arith.constant 10224 : index
    %swap3A_32 = tpu.vector_load %arg9[%swap3A_31] {strides = array<i32>} : memref<10240xi32, #tpu.memory_space<vmem>>, vector<16xi32>,
    tpu.vector_store %arg9[%swap3A_31], %broadcast_in_dim3A_3 {strides = array<i32>} : memref<10240xi32, #tpu.memory_space<vmem>>, vector<16xi32>,
    %mul3A_33 = arith.constant 10000 : i32
    %mul3A_34 = arith.muli %add3A, %mul3A_33 : i32
    %dma_start3A = arith.constant 0 : i32
    %dma_start3A_35 = arith.constant 0 : i32
    %dma_start3A_36 = tpu.memref_slice %arg9[%dma_start3A_35] : memref<10240xi32, #tpu.memory_space<vmem>> -> memref<10000xi32, #tpu.memory_space<vmem>>
    %dma_start3A_37 = tpu.memref_slice %arg5[%dma_start3A, %mul3A_34] : memref<2x320000xi32, #tpu.memory_space<hbm>> -> memref<1x10000xi32, #tpu.memory_space<hbm>>
    %dma_start3A_38 = tpu.memref_squeeze %dma_start3A_37 : memref<1x10000xi32, #tpu.memory_space<hbm>> -> memref<10000xi32, #tpu.memory_space<hbm>>
    %dma_start3A_39 = arith.constant 0 : i32
    %dma_start3A_40 = tpu.memref_slice %arg9[%dma_start3A_39] : memref<10240xi32, #tpu.memory_space<vmem>> -> memref<10000xi32, #tpu.memory_space<vmem>>
    %dma_start3A_41 = tpu.memref_slice %arg5[%dma_start3A, %mul3A_34] : memref<2x320000xi32, #tpu.memory_space<hbm>> -> memref<1x10000xi32, #tpu.memory_space<hbm>>
    %dma_start3A_42 = tpu.memref_squeeze %dma_start3A_41 : memref<1x10000xi32, #tpu.memory_space<hbm>> -> memref<10000xi32, #tpu.memory_space<hbm>>
    tpu.enqueue_dma source(%dma_start3A_42 : memref<10000xi32, #tpu.memory_space<hbm>>) target(%dma_start3A_40 : memref<10000xi32, #tpu.memory_space<vmem>>) target_semaphore(%arg17 : memref<!tpu.dma_semaphore, #tpu.memory_space<semaphore_mem>>)
    %broadcast_in_dim3A_43 = arith.constant 10000 : i32
    %broadcast_in_dim3A_44 = vector.broadcast %broadcast_in_dim3A_43 : i32 to vector<16xi32>
    %swap3A_45 = arith.constant 10000 : index
    %swap3A_46 = tpu.vector_load %arg10[%swap3A_45] {strides = array<i32>} : memref<10240xi32, #tpu.memory_space<vmem>>, vector<16xi32>,
    tpu.vector_store %arg10[%swap3A_45], %broadcast_in_dim3A_44 {strides = array<i32>} : memref<10240xi32, #tpu.memory_space<vmem>>, vector<16xi32>,
    %swap3A_47 = arith.constant 10016 : index
    %swap3A_48 = tpu.vector_load %arg10[%swap3A_47] {strides = array<i32>} : memref<10240xi32, #tpu.memory_space<vmem>>, vector<16xi32>,
    tpu.vector_store %arg10[%swap3A_47], %broadcast_in_dim3A_44 {strides = array<i32>} : memref<10240xi32, #tpu.memory_space<vmem>>, vector<16xi32>,
    %swap3A_49 = arith.constant 10032 : index
    %swap3A_50 = tpu.vector_load %arg10[%swap3A_49] {strides = array<i32>} : memref<10240xi32, #tpu.memory_space<vmem>>, vector<16xi32>,
    tpu.vector_store %arg10[%swap3A_49], %broadcast_in_dim3A_44 {strides = array<i32>} : memref<10240xi32, #tpu.memory_space<vmem>>, vector<16xi32>,
    %swap3A_51 = arith.constant 10048 : index
    %swap3A_52 = tpu.vector_load %arg10[%swap3A_51] {strides = array<i32>} : memref<10240xi32, #tpu.memory_space<vmem>>, vector<16xi32>,
    tpu.vector_store %arg10[%swap3A_51], %broadcast_in_dim3A_44 {strides = array<i32>} : memref<10240xi32, #tpu.memory_space<vmem>>, vector<16xi32>,
    %swap3A_53 = arith.constant 10064 : index
    %swap3A_54 = tpu.vector_load %arg10[%swap3A_53] {strides = array<i32>} : memref<10240xi32, #tpu.memory_space<vmem>>, vector<16xi32>,
    tpu.vector_store %arg10[%swap3A_53], %broadcast_in_dim3A_44 {strides = array<i32>} : memref<10240xi32, #tpu.memory_space<vmem>>, vector<16xi32>,
    %swap3A_55 = arith.constant 10080 : index
    %swap3A_56 = tpu.vector_load %arg10[%swap3A_55] {strides = array<i32>} : memref<10240xi32, #tpu.memory_space<vmem>>, vector<16xi32>,
    tpu.vector_store %arg10[%swap3A_55], %broadcast_in_dim3A_44 {strides = array<i32>} : memref<10240xi32, #tpu.memory_space<vmem>>, vector<16xi32>,
    %swap3A_57 = arith.constant 10096 : index
    %swap3A_58 = tpu.vector_load %arg10[%swap3A_57] {strides = array<i32>} : memref<10240xi32, #tpu.memory_space<vmem>>, vector<16xi32>,
    tpu.vector_store %arg10[%swap3A_57], %broadcast_in_dim3A_44 {strides = array<i32>} : memref<10240xi32, #tpu.memory_space<vmem>>, vector<16xi32>,
    %swap3A_59 = arith.constant 10112 : index
    %swap3A_60 = tpu.vector_load %arg10[%swap3A_59] {strides = array<i32>} : memref<10240xi32, #tpu.memory_space<vmem>>, vector<16xi32>,
    tpu.vector_store %arg10[%swap3A_59], %broadcast_in_dim3A_44 {strides = array<i32>} : memref<10240xi32, #tpu.memory_space<vmem>>, vector<16xi32>,
    %swap3A_61 = arith.constant 10128 : index
    %swap3A_62 = tpu.vector_load %arg10[%swap3A_61] {strides = array<i32>} : memref<10240xi32, #tpu.memory_space<vmem>>, vector<16xi32>,
    tpu.vector_store %arg10[%swap3A_61], %broadcast_in_dim3A_44 {strides = array<i32>} : memref<10240xi32, #tpu.memory_space<vmem>>, vector<16xi32>,
    %swap3A_63 = arith.constant 10144 : index
    %swap3A_64 = tpu.vector_load %arg10[%swap3A_63] {strides = array<i32>} : memref<10240xi32, #tpu.memory_space<vmem>>, vector<16xi32>,
    tpu.vector_store %arg10[%swap3A_63], %broadcast_in_dim3A_44 {strides = array<i32>} : memref<10240xi32, #tpu.memory_space<vmem>>, vector<16xi32>,
    %swap3A_65 = arith.constant 10160 : index
    %swap3A_66 = tpu.vector_load %arg10[%swap3A_65] {strides = array<i32>} : memref<10240xi32, #tpu.memory_space<vmem>>, vector<16xi32>,
    tpu.vector_store %arg10[%swap3A_65], %broadcast_in_dim3A_44 {strides = array<i32>} : memref<10240xi32, #tpu.memory_space<vmem>>, vector<16xi32>,
    %swap3A_67 = arith.constant 10176 : index
    %swap3A_68 = tpu.vector_load %arg10[%swap3A_67] {strides = array<i32>} : memref<10240xi32, #tpu.memory_space<vmem>>, vector<16xi32>,
    tpu.vector_store %arg10[%swap3A_67], %broadcast_in_dim3A_44 {strides = array<i32>} : memref<10240xi32, #tpu.memory_space<vmem>>, vector<16xi32>,
    %swap3A_69 = arith.constant 10192 : index
    %swap3A_70 = tpu.vector_load %arg10[%swap3A_69] {strides = array<i32>} : memref<10240xi32, #tpu.memory_space<vmem>>, vector<16xi32>,
    tpu.vector_store %arg10[%swap3A_69], %broadcast_in_dim3A_44 {strides = array<i32>} : memref<10240xi32, #tpu.memory_space<vmem>>, vector<16xi32>,
    %swap3A_71 = arith.constant 10208 : index
    %swap3A_72 = tpu.vector_load %arg10[%swap3A_71] {strides = array<i32>} : memref<10240xi32, #tpu.memory_space<vmem>>, vector<16xi32>,
    tpu.vector_store %arg10[%swap3A_71], %broadcast_in_dim3A_44 {strides = array<i32>} : memref<10240xi32, #tpu.memory_space<vmem>>, vector<16xi32>,
    %swap3A_73 = arith.constant 10224 : index
    %swap3A_74 = tpu.vector_load %arg10[%swap3A_73] {strides = array<i32>} : memref<10240xi32, #tpu.memory_space<vmem>>, vector<16xi32>,
    tpu.vector_store %arg10[%swap3A_73], %broadcast_in_dim3A_44 {strides = array<i32>} : memref<10240xi32, #tpu.memory_space<vmem>>, vector<16xi32>,
    %mul3A_75 = arith.constant 10000 : i32
    %mul3A_76 = arith.muli %add3A, %mul3A_75 : i32
    %dma_start3A_77 = arith.constant 1 : i32
    %dma_start3A_78 = arith.constant 0 : i32
    %dma_start3A_79 = tpu.memref_slice %arg10[%dma_start3A_78] : memref<10240xi32, #tpu.memory_space<vmem>> -> memref<10000xi32, #tpu.memory_space<vmem>>
    %dma_start3A_80 = tpu.memref_slice %arg5[%dma_start3A_77, %mul3A_76] : memref<2x320000xi32, #tpu.memory_space<hbm>> -> memref<1x10000xi32, #tpu.memory_space<hbm>>
    %dma_start3A_81 = tpu.memref_squeeze %dma_start3A_80 : memref<1x10000xi32, #tpu.memory_space<hbm>> -> memref<10000xi32, #tpu.memory_space<hbm>>
    %dma_start3A_82 = arith.constant 0 : i32
    %dma_start3A_83 = tpu.memref_slice %arg10[%dma_start3A_82] : memref<10240xi32, #tpu.memory_space<vmem>> -> memref<10000xi32, #tpu.memory_space<vmem>>
    %dma_start3A_84 = tpu.memref_slice %arg5[%dma_start3A_77, %mul3A_76] : memref<2x320000xi32, #tpu.memory_space<hbm>> -> memref<1x10000xi32, #tpu.memory_space<hbm>>
    %dma_start3A_85 = tpu.memref_squeeze %dma_start3A_84 : memref<1x10000xi32, #tpu.memory_space<hbm>> -> memref<10000xi32, #tpu.memory_space<hbm>>
    tpu.enqueue_dma source(%dma_start3A_85 : memref<10000xi32, #tpu.memory_space<hbm>>) target(%dma_start3A_83 : memref<10000xi32, #tpu.memory_space<vmem>>) target_semaphore(%arg17 : memref<!tpu.dma_semaphore, #tpu.memory_space<semaphore_mem>>)
    %dma_start3A_86 = arith.constant 0 : i32
    %dma_start3A_87 = arith.constant 0 : i32
    %dma_start3A_88 = tpu.memref_slice %arg2[%dma_start3A_86, %mul3A_2, %dma_start3A_87] : memref<2x10112x16xf32, #tpu.memory_space<hbm>> -> memref<1x632x16xf32, #tpu.memory_space<hbm>>
    %dma_start3A_89 = tpu.memref_squeeze %dma_start3A_88 : memref<1x632x16xf32, #tpu.memory_space<hbm>> -> memref<632x16xf32, #tpu.memory_space<hbm>>
    %dma_start3A_90 = arith.constant 0 : i32
    %dma_start3A_91 = tpu.memref_slice %arg2[%dma_start3A_86, %mul3A_2, %dma_start3A_90] : memref<2x10112x16xf32, #tpu.memory_space<hbm>> -> memref<1x632x16xf32, #tpu.memory_space<hbm>>
    %dma_start3A_92 = tpu.memref_squeeze %dma_start3A_91 : memref<1x632x16xf32, #tpu.memory_space<hbm>> -> memref<632x16xf32, #tpu.memory_space<hbm>>
    tpu.enqueue_dma source(%dma_start3A_92 : memref<632x16xf32, #tpu.memory_space<hbm>>) target(%arg13 : memref<632x16xf32, #tpu.memory_space<vmem>>) target_semaphore(%arg18 : memref<!tpu.dma_semaphore, #tpu.memory_space<semaphore_mem>>)
    %dma_start3A_93 = arith.constant 1 : i32
    %dma_start3A_94 = arith.constant 0 : i32
    %dma_start3A_95 = tpu.memref_slice %arg2[%dma_start3A_93, %mul3A_2, %dma_start3A_94] : memref<2x10112x16xf32, #tpu.memory_space<hbm>> -> memref<1x632x16xf32, #tpu.memory_space<hbm>>
    %dma_start3A_96 = tpu.memref_squeeze %dma_start3A_95 : memref<1x632x16xf32, #tpu.memory_space<hbm>> -> memref<632x16xf32, #tpu.memory_space<hbm>>
    %dma_start3A_97 = arith.constant 0 : i32
    %dma_start3A_98 = tpu.memref_slice %arg2[%dma_start3A_93, %mul3A_2, %dma_start3A_97] : memref<2x10112x16xf32, #tpu.memory_space<hbm>> -> memref<1x632x16xf32, #tpu.memory_space<hbm>>
    %dma_start3A_99 = tpu.memref_squeeze %dma_start3A_98 : memref<1x632x16xf32, #tpu.memory_space<hbm>> -> memref<632x16xf32, #tpu.memory_space<hbm>>
    tpu.enqueue_dma source(%dma_start3A_99 : memref<632x16xf32, #tpu.memory_space<hbm>>) target(%arg14 : memref<632x16xf32, #tpu.memory_space<vmem>>) target_semaphore(%arg18 : memref<!tpu.dma_semaphore, #tpu.memory_space<semaphore_mem>>)
    %dma_start3A_100 = arith.constant 0 : i32
    %dma_start3A_101 = tpu.memref_slice %arg3[%mul3A_2, %dma_start3A_100] : memref<10112x16xf32, #tpu.memory_space<hbm>> -> memref<632x16xf32, #tpu.memory_space<hbm>>
    %dma_start3A_102 = arith.constant 0 : i32
    %dma_start3A_103 = tpu.memref_slice %arg3[%mul3A_2, %dma_start3A_102] : memref<10112x16xf32, #tpu.memory_space<hbm>> -> memref<632x16xf32, #tpu.memory_space<hbm>>
    tpu.enqueue_dma source(%dma_start3A_103 : memref<632x16xf32, #tpu.memory_space<hbm>>) target(%arg15 : memref<632x16xf32, #tpu.memory_space<vmem>>) target_semaphore(%arg18 : memref<!tpu.dma_semaphore, #tpu.memory_space<semaphore_mem>>)
    "tpu.region"() ({
      %run_scoped3A = tpu.sem_alloc : memref<!tpu.dma_semaphore, #tpu.memory_space<semaphore_mem>>
      tpu.enqueue_dma source(%arg4 : memref<16xf32, #tpu.memory_space<hbm>>) target(%arg16 : memref<16xf32, #tpu.memory_space<vmem>>) target_semaphore(%run_scoped3A : memref<!tpu.dma_semaphore, #tpu.memory_space<semaphore_mem>>)
      tpu.wait_dma2 semaphore(%run_scoped3A : memref<!tpu.dma_semaphore, #tpu.memory_space<semaphore_mem>>) src(%arg4 : memref<16xf32, #tpu.memory_space<hbm>>) dst(%arg16 : memref<16xf32, #tpu.memory_space<vmem>>)
      tpu.yield
    }) : () -> ()
    %dma_wait3A = arith.constant 0 : i32
    %dma_wait3A_104 = arith.constant 0 : i32
    %dma_wait3A_105 = tpu.memref_slice %arg2[%dma_wait3A, %mul3A_2, %dma_wait3A_104] : memref<2x10112x16xf32, #tpu.memory_space<hbm>> -> memref<1x632x16xf32, #tpu.memory_space<hbm>>
    %dma_wait3A_106 = tpu.memref_squeeze %dma_wait3A_105 : memref<1x632x16xf32, #tpu.memory_space<hbm>> -> memref<632x16xf32, #tpu.memory_space<hbm>>
    %dma_wait3A_107 = arith.constant 0 : i32
    %dma_wait3A_108 = tpu.memref_slice %arg2[%dma_wait3A, %mul3A_2, %dma_wait3A_107] : memref<2x10112x16xf32, #tpu.memory_space<hbm>> -> memref<1x632x16xf32, #tpu.memory_space<hbm>>
    %dma_wait3A_109 = tpu.memref_squeeze %dma_wait3A_108 : memref<1x632x16xf32, #tpu.memory_space<hbm>> -> memref<632x16xf32, #tpu.memory_space<hbm>>
    tpu.wait_dma2 semaphore(%arg18 : memref<!tpu.dma_semaphore, #tpu.memory_space<semaphore_mem>>) src(%dma_wait3A_109 : memref<632x16xf32, #tpu.memory_space<hbm>>) dst(%arg13 : memref<632x16xf32, #tpu.memory_space<vmem>>)
    %dma_wait3A_110 = arith.constant 1 : i32
    %dma_wait3A_111 = arith.constant 0 : i32
    %dma_wait3A_112 = tpu.memref_slice %arg2[%dma_wait3A_110, %mul3A_2, %dma_wait3A_111] : memref<2x10112x16xf32, #tpu.memory_space<hbm>> -> memref<1x632x16xf32, #tpu.memory_space<hbm>>
    %dma_wait3A_113 = tpu.memref_squeeze %dma_wait3A_112 : memref<1x632x16xf32, #tpu.memory_space<hbm>> -> memref<632x16xf32, #tpu.memory_space<hbm>>
    %dma_wait3A_114 = arith.constant 0 : i32
    %dma_wait3A_115 = tpu.memref_slice %arg2[%dma_wait3A_110, %mul3A_2, %dma_wait3A_114] : memref<2x10112x16xf32, #tpu.memory_space<hbm>> -> memref<1x632x16xf32, #tpu.memory_space<hbm>>
    %dma_wait3A_116 = tpu.memref_squeeze %dma_wait3A_115 : memref<1x632x16xf32, #tpu.memory_space<hbm>> -> memref<632x16xf32, #tpu.memory_space<hbm>>
    tpu.wait_dma2 semaphore(%arg18 : memref<!tpu.dma_semaphore, #tpu.memory_space<semaphore_mem>>) src(%dma_wait3A_116 : memref<632x16xf32, #tpu.memory_space<hbm>>) dst(%arg14 : memref<632x16xf32, #tpu.memory_space<vmem>>)
    %dma_wait3A_117 = arith.constant 0 : i32
    %dma_wait3A_118 = tpu.memref_slice %arg3[%mul3A_2, %dma_wait3A_117] : memref<10112x16xf32, #tpu.memory_space<hbm>> -> memref<632x16xf32, #tpu.memory_space<hbm>>
    %dma_wait3A_119 = arith.constant 0 : i32
    %dma_wait3A_120 = tpu.memref_slice %arg3[%mul3A_2, %dma_wait3A_119] : memref<10112x16xf32, #tpu.memory_space<hbm>> -> memref<632x16xf32, #tpu.memory_space<hbm>>
    tpu.wait_dma2 semaphore(%arg18 : memref<!tpu.dma_semaphore, #tpu.memory_space<semaphore_mem>>) src(%dma_wait3A_120 : memref<632x16xf32, #tpu.memory_space<hbm>>) dst(%arg15 : memref<632x16xf32, #tpu.memory_space<vmem>>)
    %scan3A = arith.constant 0 : i32
    %scan3A_121 = arith.constant 0 : i32
    %scan3A_122 = arith.constant 79 : i32
    %scan3A_123 = arith.addi %scan3A_121, %scan3A_122 : i32
    %scan3A_124 = arith.constant 1 : i32
    %scan3A_125 = scf.for %scan3A_179 = %scan3A_121 to %scan3A_123 step %scan3A_124 iter_args(%scan3A_180 = %scan3A) -> (i32)  : i32 {
      %mul3A_181 = arith.constant 8 : i32
      %mul3A_182 = arith.muli %scan3A_179, %mul3A_181 : i32
      %add3A_183 = arith.constant 0 : i32
      %add3A_184 = arith.addi %mul3A_182, %add3A_183 : i32
      %get3A = arith.index_cast %add3A_184 : i32 to index
      %get3A_185 = arith.constant 0 : index
      %get3A_186 = tpu.vector_load %arg15[%get3A, %get3A_185] {strides = array<i32>} : memref<632x16xf32, #tpu.memory_space<vmem>>, vector<16xf32>,
      %get3A_187 = arith.index_cast %add3A_184 : i32 to index
      %get3A_188 = arith.constant 0 : index
      %get3A_189 = tpu.vector_load %arg13[%get3A_187, %get3A_188] {strides = array<i32>} : memref<632x16xf32, #tpu.memory_space<vmem>>, vector<16xf32>,
      %get3A_190 = arith.index_cast %add3A_184 : i32 to index
      %get3A_191 = arith.constant 0 : index
      %get3A_192 = tpu.vector_load %arg14[%get3A_190, %get3A_191] {strides = array<i32>} : memref<632x16xf32, #tpu.memory_space<vmem>>, vector<16xf32>,
      %add3A_193 = arith.addf %get3A_189, %get3A_192 : vector<16xf32>
      %mul3A_194 = arith.mulf %get3A_186, %add3A_193 : vector<16xf32>
      %get3A_195 = arith.constant 0 : index
      %get3A_196 = tpu.vector_load %arg16[%get3A_195] {strides = array<i32>} : memref<16xf32, #tpu.memory_space<vmem>>, vector<16xf32>,
      %add3A_197 = arith.addf %mul3A_194, %get3A_196 : vector<16xf32>
      %max3A = arith.constant 0.000000e+00 : f32
      %max3A_198 = vector.broadcast %max3A : f32 to vector<16xf32>
      %max3A_199 = arith.maximumf %add3A_197, %max3A_198 : vector<16xf32>
      %mul3A_200 = arith.mulf %max3A_199, %get3A_186 : vector<16xf32>
      %swap3A_201 = arith.index_cast %add3A_184 : i32 to index
      %swap3A_202 = arith.constant 0 : index
      %swap3A_203 = tpu.vector_load %arg13[%swap3A_201, %swap3A_202] {strides = array<i32>} : memref<632x16xf32, #tpu.memory_space<vmem>>, vector<16xf32>,
      tpu.vector_store %arg13[%swap3A_201, %swap3A_202], %mul3A_200 {strides = array<i32>} : memref<632x16xf32, #tpu.memory_space<vmem>>, vector<16xf32>,
      %mul3A_204 = arith.constant 8 : i32
      %mul3A_205 = arith.muli %scan3A_179, %mul3A_204 : i32
      %add3A_206 = arith.constant 1 : i32
      %add3A_207 = arith.addi %mul3A_205, %add3A_206 : i32
      %get3A_208 = arith.index_cast %add3A_207 : i32 to index
      %get3A_209 = arith.constant 0 : index
      %get3A_210 = tpu.vector_load %arg15[%get3A_208, %get3A_209] {strides = array<i32>} : memref<632x16xf32, #tpu.memory_space<vmem>>, vector<16xf32>,
      %get3A_211 = arith.index_cast %add3A_207 : i32 to index
      %get3A_212 = arith.constant 0 : index
      %get3A_213 = tpu.vector_load %arg13[%get3A_211, %get3A_212] {strides = array<i32>} : memref<632x16xf32, #tpu.memory_space<vmem>>, vector<16xf32>,
      %get3A_214 = arith.index_cast %add3A_207 : i32 to index
      %get3A_215 = arith.constant 0 : index
      %get3A_216 = tpu.vector_load %arg14[%get3A_214, %get3A_215] {strides = array<i32>} : memref<632x16xf32, #tpu.memory_space<vmem>>, vector<16xf32>,
      %add3A_217 = arith.addf %get3A_213, %get3A_216 : vector<16xf32>
      %mul3A_218 = arith.mulf %get3A_210, %add3A_217 : vector<16xf32>
      %get3A_219 = arith.constant 0 : index
      %get3A_220 = tpu.vector_load %arg16[%get3A_219] {strides = array<i32>} : memref<16xf32, #tpu.memory_space<vmem>>, vector<16xf32>,
      %add3A_221 = arith.addf %mul3A_218, %get3A_220 : vector<16xf32>
      %max3A_222 = arith.constant 0.000000e+00 : f32
      %max3A_223 = vector.broadcast %max3A_222 : f32 to vector<16xf32>
      %max3A_224 = arith.maximumf %add3A_221, %max3A_223 : vector<16xf32>
      %mul3A_225 = arith.mulf %max3A_224, %get3A_210 : vector<16xf32>
      %swap3A_226 = arith.index_cast %add3A_207 : i32 to index
      %swap3A_227 = arith.constant 0 : index
      %swap3A_228 = tpu.vector_load %arg13[%swap3A_226, %swap3A_227] {strides = array<i32>} : memref<632x16xf32, #tpu.memory_space<vmem>>, vector<16xf32>,
      tpu.vector_store %arg13[%swap3A_226, %swap3A_227], %mul3A_225 {strides = array<i32>} : memref<632x16xf32, #tpu.memory_space<vmem>>, vector<16xf32>,
      %mul3A_229 = arith.constant 8 : i32
      %mul3A_230 = arith.muli %scan3A_179, %mul3A_229 : i32
      %add3A_231 = arith.constant 2 : i32
      %add3A_232 = arith.addi %mul3A_230, %add3A_231 : i32
      %get3A_233 = arith.index_cast %add3A_232 : i32 to index
      %get3A_234 = arith.constant 0 : index
      %get3A_235 = tpu.vector_load %arg15[%get3A_233, %get3A_234] {strides = array<i32>} : memref<632x16xf32, #tpu.memory_space<vmem>>, vector<16xf32>,
      %get3A_236 = arith.index_cast %add3A_232 : i32 to index
      %get3A_237 = arith.constant 0 : index
      %get3A_238 = tpu.vector_load %arg13[%get3A_236, %get3A_237] {strides = array<i32>} : memref<632x16xf32, #tpu.memory_space<vmem>>, vector<16xf32>,
      %get3A_239 = arith.index_cast %add3A_232 : i32 to index
      %get3A_240 = arith.constant 0 : index
      %get3A_241 = tpu.vector_load %arg14[%get3A_239, %get3A_240] {strides = array<i32>} : memref<632x16xf32, #tpu.memory_space<vmem>>, vector<16xf32>,
      %add3A_242 = arith.addf %get3A_238, %get3A_241 : vector<16xf32>
      %mul3A_243 = arith.mulf %get3A_235, %add3A_242 : vector<16xf32>
      %get3A_244 = arith.constant 0 : index
      %get3A_245 = tpu.vector_load %arg16[%get3A_244] {strides = array<i32>} : memref<16xf32, #tpu.memory_space<vmem>>, vector<16xf32>,
      %add3A_246 = arith.addf %mul3A_243, %get3A_245 : vector<16xf32>
      %max3A_247 = arith.constant 0.000000e+00 : f32
      %max3A_248 = vector.broadcast %max3A_247 : f32 to vector<16xf32>
      %max3A_249 = arith.maximumf %add3A_246, %max3A_248 : vector<16xf32>
      %mul3A_250 = arith.mulf %max3A_249, %get3A_235 : vector<16xf32>
      %swap3A_251 = arith.index_cast %add3A_232 : i32 to index
      %swap3A_252 = arith.constant 0 : index
      %swap3A_253 = tpu.vector_load %arg13[%swap3A_251, %swap3A_252] {strides = array<i32>} : memref<632x16xf32, #tpu.memory_space<vmem>>, vector<16xf32>,
      tpu.vector_store %arg13[%swap3A_251, %swap3A_252], %mul3A_250 {strides = array<i32>} : memref<632x16xf32, #tpu.memory_space<vmem>>, vector<16xf32>,
      %mul3A_254 = arith.constant 8 : i32
      %mul3A_255 = arith.muli %scan3A_179, %mul3A_254 : i32
      %add3A_256 = arith.constant 3 : i32
      %add3A_257 = arith.addi %mul3A_255, %add3A_256 : i32
      %get3A_258 = arith.index_cast %add3A_257 : i32 to index
      %get3A_259 = arith.constant 0 : index
      %get3A_260 = tpu.vector_load %arg15[%get3A_258, %get3A_259] {strides = array<i32>} : memref<632x16xf32, #tpu.memory_space<vmem>>, vector<16xf32>,
      %get3A_261 = arith.index_cast %add3A_257 : i32 to index
      %get3A_262 = arith.constant 0 : index
      %get3A_263 = tpu.vector_load %arg13[%get3A_261, %get3A_262] {strides = array<i32>} : memref<632x16xf32, #tpu.memory_space<vmem>>, vector<16xf32>,
      %get3A_264 = arith.index_cast %add3A_257 : i32 to index
      %get3A_265 = arith.constant 0 : index
      %get3A_266 = tpu.vector_load %arg14[%get3A_264, %get3A_265] {strides = array<i32>} : memref<632x16xf32, #tpu.memory_space<vmem>>, vector<16xf32>,
      %add3A_267 = arith.addf %get3A_263, %get3A_266 : vector<16xf32>
      %mul3A_268 = arith.mulf %get3A_260, %add3A_267 : vector<16xf32>
      %get3A_269 = arith.constant 0 : index
      %get3A_270 = tpu.vector_load %arg16[%get3A_269] {strides = array<i32>} : memref<16xf32, #tpu.memory_space<vmem>>, vector<16xf32>,
      %add3A_271 = arith.addf %mul3A_268, %get3A_270 : vector<16xf32>
      %max3A_272 = arith.constant 0.000000e+00 : f32
      %max3A_273 = vector.broadcast %max3A_272 : f32 to vector<16xf32>
      %max3A_274 = arith.maximumf %add3A_271, %max3A_273 : vector<16xf32>
      %mul3A_275 = arith.mulf %max3A_274, %get3A_260 : vector<16xf32>
      %swap3A_276 = arith.index_cast %add3A_257 : i32 to index
      %swap3A_277 = arith.constant 0 : index
      %swap3A_278 = tpu.vector_load %arg13[%swap3A_276, %swap3A_277] {strides = array<i32>} : memref<632x16xf32, #tpu.memory_space<vmem>>, vector<16xf32>,
      tpu.vector_store %arg13[%swap3A_276, %swap3A_277], %mul3A_275 {strides = array<i32>} : memref<632x16xf32, #tpu.memory_space<vmem>>, vector<16xf32>,
      %mul3A_279 = arith.constant 8 : i32
      %mul3A_280 = arith.muli %scan3A_179, %mul3A_279 : i32
      %add3A_281 = arith.constant 4 : i32
      %add3A_282 = arith.addi %mul3A_280, %add3A_281 : i32
      %get3A_283 = arith.index_cast %add3A_282 : i32 to index
      %get3A_284 = arith.constant 0 : index
      %get3A_285 = tpu.vector_load %arg15[%get3A_283, %get3A_284] {strides = array<i32>} : memref<632x16xf32, #tpu.memory_space<vmem>>, vector<16xf32>,
      %get3A_286 = arith.index_cast %add3A_282 : i32 to index
      %get3A_287 = arith.constant 0 : index
      %get3A_288 = tpu.vector_load %arg13[%get3A_286, %get3A_287] {strides = array<i32>} : memref<632x16xf32, #tpu.memory_space<vmem>>, vector<16xf32>,
      %get3A_289 = arith.index_cast %add3A_282 : i32 to index
      %get3A_290 = arith.constant 0 : index
      %get3A_291 = tpu.vector_load %arg14[%get3A_289, %get3A_290] {strides = array<i32>} : memref<632x16xf32, #tpu.memory_space<vmem>>, vector<16xf32>,
      %add3A_292 = arith.addf %get3A_288, %get3A_291 : vector<16xf32>
      %mul3A_293 = arith.mulf %get3A_285, %add3A_292 : vector<16xf32>
      %get3A_294 = arith.constant 0 : index
      %get3A_295 = tpu.vector_load %arg16[%get3A_294] {strides = array<i32>} : memref<16xf32, #tpu.memory_space<vmem>>, vector<16xf32>,
      %add3A_296 = arith.addf %mul3A_293, %get3A_295 : vector<16xf32>
      %max3A_297 = arith.constant 0.000000e+00 : f32
      %max3A_298 = vector.broadcast %max3A_297 : f32 to vector<16xf32>
      %max3A_299 = arith.maximumf %add3A_296, %max3A_298 : vector<16xf32>
      %mul3A_300 = arith.mulf %max3A_299, %get3A_285 : vector<16xf32>
      %swap3A_301 = arith.index_cast %add3A_282 : i32 to index
      %swap3A_302 = arith.constant 0 : index
      %swap3A_303 = tpu.vector_load %arg13[%swap3A_301, %swap3A_302] {strides = array<i32>} : memref<632x16xf32, #tpu.memory_space<vmem>>, vector<16xf32>,
      tpu.vector_store %arg13[%swap3A_301, %swap3A_302], %mul3A_300 {strides = array<i32>} : memref<632x16xf32, #tpu.memory_space<vmem>>, vector<16xf32>,
      %mul3A_304 = arith.constant 8 : i32
      %mul3A_305 = arith.muli %scan3A_179, %mul3A_304 : i32
      %add3A_306 = arith.constant 5 : i32
      %add3A_307 = arith.addi %mul3A_305, %add3A_306 : i32
      %get3A_308 = arith.index_cast %add3A_307 : i32 to index
      %get3A_309 = arith.constant 0 : index
      %get3A_310 = tpu.vector_load %arg15[%get3A_308, %get3A_309] {strides = array<i32>} : memref<632x16xf32, #tpu.memory_space<vmem>>, vector<16xf32>,
      %get3A_311 = arith.index_cast %add3A_307 : i32 to index
      %get3A_312 = arith.constant 0 : index
      %get3A_313 = tpu.vector_load %arg13[%get3A_311, %get3A_312] {strides = array<i32>} : memref<632x16xf32, #tpu.memory_space<vmem>>, vector<16xf32>,
      %get3A_314 = arith.index_cast %add3A_307 : i32 to index
      %get3A_315 = arith.constant 0 : index
      %get3A_316 = tpu.vector_load %arg14[%get3A_314, %get3A_315] {strides = array<i32>} : memref<632x16xf32, #tpu.memory_space<vmem>>, vector<16xf32>,
      %add3A_317 = arith.addf %get3A_313, %get3A_316 : vector<16xf32>
      %mul3A_318 = arith.mulf %get3A_310, %add3A_317 : vector<16xf32>
      %get3A_319 = arith.constant 0 : index
      %get3A_320 = tpu.vector_load %arg16[%get3A_319] {strides = array<i32>} : memref<16xf32, #tpu.memory_space<vmem>>, vector<16xf32>,
      %add3A_321 = arith.addf %mul3A_318, %get3A_320 : vector<16xf32>
      %max3A_322 = arith.constant 0.000000e+00 : f32
      %max3A_323 = vector.broadcast %max3A_322 : f32 to vector<16xf32>
      %max3A_324 = arith.maximumf %add3A_321, %max3A_323 : vector<16xf32>
      %mul3A_325 = arith.mulf %max3A_324, %get3A_310 : vector<16xf32>
      %swap3A_326 = arith.index_cast %add3A_307 : i32 to index
      %swap3A_327 = arith.constant 0 : index
      %swap3A_328 = tpu.vector_load %arg13[%swap3A_326, %swap3A_327] {strides = array<i32>} : memref<632x16xf32, #tpu.memory_space<vmem>>, vector<16xf32>,
      tpu.vector_store %arg13[%swap3A_326, %swap3A_327], %mul3A_325 {strides = array<i32>} : memref<632x16xf32, #tpu.memory_space<vmem>>, vector<16xf32>,
      %mul3A_329 = arith.constant 8 : i32
      %mul3A_330 = arith.muli %scan3A_179, %mul3A_329 : i32
      %add3A_331 = arith.constant 6 : i32
      %add3A_332 = arith.addi %mul3A_330, %add3A_331 : i32
      %get3A_333 = arith.index_cast %add3A_332 : i32 to index
      %get3A_334 = arith.constant 0 : index
      %get3A_335 = tpu.vector_load %arg15[%get3A_333, %get3A_334] {strides = array<i32>} : memref<632x16xf32, #tpu.memory_space<vmem>>, vector<16xf32>,
      %get3A_336 = arith.index_cast %add3A_332 : i32 to index
      %get3A_337 = arith.constant 0 : index
      %get3A_338 = tpu.vector_load %arg13[%get3A_336, %get3A_337] {strides = array<i32>} : memref<632x16xf32, #tpu.memory_space<vmem>>, vector<16xf32>,
      %get3A_339 = arith.index_cast %add3A_332 : i32 to index
      %get3A_340 = arith.constant 0 : index
      %get3A_341 = tpu.vector_load %arg14[%get3A_339, %get3A_340] {strides = array<i32>} : memref<632x16xf32, #tpu.memory_space<vmem>>, vector<16xf32>,
      %add3A_342 = arith.addf %get3A_338, %get3A_341 : vector<16xf32>
      %mul3A_343 = arith.mulf %get3A_335, %add3A_342 : vector<16xf32>
      %get3A_344 = arith.constant 0 : index
      %get3A_345 = tpu.vector_load %arg16[%get3A_344] {strides = array<i32>} : memref<16xf32, #tpu.memory_space<vmem>>, vector<16xf32>,
      %add3A_346 = arith.addf %mul3A_343, %get3A_345 : vector<16xf32>
      %max3A_347 = arith.constant 0.000000e+00 : f32
      %max3A_348 = vector.broadcast %max3A_347 : f32 to vector<16xf32>
      %max3A_349 = arith.maximumf %add3A_346, %max3A_348 : vector<16xf32>
      %mul3A_350 = arith.mulf %max3A_349, %get3A_335 : vector<16xf32>
      %swap3A_351 = arith.index_cast %add3A_332 : i32 to index
      %swap3A_352 = arith.constant 0 : index
      %swap3A_353 = tpu.vector_load %arg13[%swap3A_351, %swap3A_352] {strides = array<i32>} : memref<632x16xf32, #tpu.memory_space<vmem>>, vector<16xf32>,
      tpu.vector_store %arg13[%swap3A_351, %swap3A_352], %mul3A_350 {strides = array<i32>} : memref<632x16xf32, #tpu.memory_space<vmem>>, vector<16xf32>,
      %mul3A_354 = arith.constant 8 : i32
      %mul3A_355 = arith.muli %scan3A_179, %mul3A_354 : i32
      %add3A_356 = arith.constant 7 : i32
      %add3A_357 = arith.addi %mul3A_355, %add3A_356 : i32
      %get3A_358 = arith.index_cast %add3A_357 : i32 to index
      %get3A_359 = arith.constant 0 : index
      %get3A_360 = tpu.vector_load %arg15[%get3A_358, %get3A_359] {strides = array<i32>} : memref<632x16xf32, #tpu.memory_space<vmem>>, vector<16xf32>,
      %get3A_361 = arith.index_cast %add3A_357 : i32 to index
      %get3A_362 = arith.constant 0 : index
      %get3A_363 = tpu.vector_load %arg13[%get3A_361, %get3A_362] {strides = array<i32>} : memref<632x16xf32, #tpu.memory_space<vmem>>, vector<16xf32>,
      %get3A_364 = arith.index_cast %add3A_357 : i32 to index
      %get3A_365 = arith.constant 0 : index
      %get3A_366 = tpu.vector_load %arg14[%get3A_364, %get3A_365] {strides = array<i32>} : memref<632x16xf32, #tpu.memory_space<vmem>>, vector<16xf32>,
      %add3A_367 = arith.addf %get3A_363, %get3A_366 : vector<16xf32>
      %mul3A_368 = arith.mulf %get3A_360, %add3A_367 : vector<16xf32>
      %get3A_369 = arith.constant 0 : index
      %get3A_370 = tpu.vector_load %arg16[%get3A_369] {strides = array<i32>} : memref<16xf32, #tpu.memory_space<vmem>>, vector<16xf32>,
      %add3A_371 = arith.addf %mul3A_368, %get3A_370 : vector<16xf32>
      %max3A_372 = arith.constant 0.000000e+00 : f32
      %max3A_373 = vector.broadcast %max3A_372 : f32 to vector<16xf32>
      %max3A_374 = arith.maximumf %add3A_371, %max3A_373 : vector<16xf32>
      %mul3A_375 = arith.mulf %max3A_374, %get3A_360 : vector<16xf32>
      %swap3A_376 = arith.index_cast %add3A_357 : i32 to index
      %swap3A_377 = arith.constant 0 : index
      %swap3A_378 = tpu.vector_load %arg13[%swap3A_376, %swap3A_377] {strides = array<i32>} : memref<632x16xf32, #tpu.memory_space<vmem>>, vector<16xf32>,
      tpu.vector_store %arg13[%swap3A_376, %swap3A_377], %mul3A_375 {strides = array<i32>} : memref<632x16xf32, #tpu.memory_space<vmem>>, vector<16xf32>,
      %scan3A_379 = arith.constant 0 : i32
      scf.yield %scan3A_379 : i32
    }
    %scan3A_126 = arith.constant 79 : i32
    "tpu.region"() ({
      %run_scoped3A = tpu.sem_alloc : memref<!tpu.dma_semaphore, #tpu.memory_space<semaphore_mem>>
      %dma_start3A_179 = arith.constant 0 : i32
      %dma_start3A_180 = tpu.memref_slice %arg8[%mul3A_2, %dma_start3A_179] : memref<10112x16xf32, #tpu.memory_space<vmem_shared>> -> memref<632x16xf32, #tpu.memory_space<vmem_shared>>
      %dma_start3A_181 = arith.constant 0 : i32
      %dma_start3A_182 = tpu.memref_slice %arg8[%mul3A_2, %dma_start3A_181] : memref<10112x16xf32, #tpu.memory_space<vmem_shared>> -> memref<632x16xf32, #tpu.memory_space<vmem_shared>>
      tpu.enqueue_dma source(%arg13 : memref<632x16xf32, #tpu.memory_space<vmem>>) target(%dma_start3A_182 : memref<632x16xf32, #tpu.memory_space<vmem_shared>>) target_semaphore(%run_scoped3A : memref<!tpu.dma_semaphore, #tpu.memory_space<semaphore_mem>>)
      %dma_wait3A_183 = arith.constant 0 : i32
      %dma_wait3A_184 = tpu.memref_slice %arg8[%mul3A_2, %dma_wait3A_183] : memref<10112x16xf32, #tpu.memory_space<vmem_shared>> -> memref<632x16xf32, #tpu.memory_space<vmem_shared>>
      %dma_wait3A_185 = arith.constant 0 : i32
      %dma_wait3A_186 = tpu.memref_slice %arg8[%mul3A_2, %dma_wait3A_185] : memref<10112x16xf32, #tpu.memory_space<vmem_shared>> -> memref<632x16xf32, #tpu.memory_space<vmem_shared>>
      tpu.wait_dma2 semaphore(%run_scoped3A : memref<!tpu.dma_semaphore, #tpu.memory_space<semaphore_mem>>) src(%arg13 : memref<632x16xf32, #tpu.memory_space<vmem>>) dst(%dma_wait3A_186 : memref<632x16xf32, #tpu.memory_space<vmem_shared>>)
      tpu.yield
    }) : () -> ()
    %eq3A = arith.constant 0 : i32
    %eq3A_127 = arith.cmpi eq, %arg0, %eq3A : i32
    %convert_element_type3A = arith.extui %eq3A_127 : i1 to i32
    %cond3A = arith.constant 0 : i32
    %cond3A_128 = arith.cmpi ne, %convert_element_type3A, %cond3A : i32
    scf.if %cond3A_128 {
      "tpu.region"() ({
        %run_scoped3A = tpu.sem_alloc : memref<!tpu.dma_semaphore, #tpu.memory_space<semaphore_mem>>
        %dma_start3A_179 = arith.constant 0 : i32
        %dma_start3A_180 = tpu.memref_slice %arg7[%mul3A_2, %dma_start3A_179] : memref<10112x16xf32, #tpu.memory_space<vmem_shared>> -> memref<632x16xf32, #tpu.memory_space<vmem_shared>>
        %dma_start3A_181 = arith.constant 0 : i32
        %dma_start3A_182 = tpu.memref_slice %arg7[%mul3A_2, %dma_start3A_181] : memref<10112x16xf32, #tpu.memory_space<vmem_shared>> -> memref<632x16xf32, #tpu.memory_space<vmem_shared>>
        tpu.enqueue_dma source(%arg13 : memref<632x16xf32, #tpu.memory_space<vmem>>) target(%dma_start3A_182 : memref<632x16xf32, #tpu.memory_space<vmem_shared>>) target_semaphore(%run_scoped3A : memref<!tpu.dma_semaphore, #tpu.memory_space<semaphore_mem>>)
        %dma_wait3A_183 = arith.constant 0 : i32
        %dma_wait3A_184 = tpu.memref_slice %arg7[%mul3A_2, %dma_wait3A_183] : memref<10112x16xf32, #tpu.memory_space<vmem_shared>> -> memref<632x16xf32, #tpu.memory_space<vmem_shared>>
        %dma_wait3A_185 = arith.constant 0 : i32
        %dma_wait3A_186 = tpu.memref_slice %arg7[%mul3A_2, %dma_wait3A_185] : memref<10112x16xf32, #tpu.memory_space<vmem_shared>> -> memref<632x16xf32, #tpu.memory_space<vmem_shared>>
        tpu.wait_dma2 semaphore(%run_scoped3A : memref<!tpu.dma_semaphore, #tpu.memory_space<semaphore_mem>>) src(%arg13 : memref<632x16xf32, #tpu.memory_space<vmem>>) dst(%dma_wait3A_186 : memref<632x16xf32, #tpu.memory_space<vmem_shared>>)
        tpu.yield
      }) : () -> ()
    } else {
    }
    %ne3A = arith.constant 0 : i32
    %ne3A_129 = arith.cmpi ne, %arg0, %ne3A : i32
    %convert_element_type3A_130 = arith.extui %ne3A_129 : i1 to i32
    %cond3A_131 = arith.constant 0 : i32
    %cond3A_132 = arith.cmpi ne, %convert_element_type3A_130, %cond3A_131 : i32
    scf.if %cond3A_132 {
      %scan3A_179 = arith.constant 0 : i32
      %scan3A_180 = arith.constant 0 : i32
      %scan3A_181 = arith.constant 632 : i32
      %scan3A_182 = arith.addi %scan3A_180, %scan3A_181 : i32
      %scan3A_183 = arith.constant 1 : i32
      %scan3A_184 = scf.for %scan3A_186 = %scan3A_180 to %scan3A_182 step %scan3A_183 iter_args(%scan3A_187 = %scan3A_179) -> (i32)  : i32 {
        %broadcast_in_dim3A_188 = arith.constant 0.000000e+00 : f32
        %broadcast_in_dim3A_189 = vector.broadcast %broadcast_in_dim3A_188 : f32 to vector<16xf32>
        %swap3A_190 = arith.index_cast %scan3A_186 : i32 to index
        %swap3A_191 = arith.constant 0 : index
        %swap3A_192 = tpu.vector_load %arg15[%swap3A_190, %swap3A_191] {strides = array<i32>} : memref<632x16xf32, #tpu.memory_space<vmem>>, vector<16xf32>,
        tpu.vector_store %arg15[%swap3A_190, %swap3A_191], %broadcast_in_dim3A_189 {strides = array<i32>} : memref<632x16xf32, #tpu.memory_space<vmem>>, vector<16xf32>,
        %scan3A_193 = arith.constant 0 : i32
        scf.yield %scan3A_193 : i32
      }
      %scan3A_185 = arith.constant 632 : i32
      "tpu.region"() ({
        %run_scoped3A = tpu.sem_alloc : memref<!tpu.dma_semaphore, #tpu.memory_space<semaphore_mem>>
        %dma_start3A_186 = arith.constant 0 : i32
        %dma_start3A_187 = tpu.memref_slice %arg7[%mul3A_2, %dma_start3A_186] : memref<10112x16xf32, #tpu.memory_space<vmem_shared>> -> memref<632x16xf32, #tpu.memory_space<vmem_shared>>
        %dma_start3A_188 = arith.constant 0 : i32
        %dma_start3A_189 = tpu.memref_slice %arg7[%mul3A_2, %dma_start3A_188] : memref<10112x16xf32, #tpu.memory_space<vmem_shared>> -> memref<632x16xf32, #tpu.memory_space<vmem_shared>>
        tpu.enqueue_dma source(%arg15 : memref<632x16xf32, #tpu.memory_space<vmem>>) target(%dma_start3A_189 : memref<632x16xf32, #tpu.memory_space<vmem_shared>>) target_semaphore(%run_scoped3A : memref<!tpu.dma_semaphore, #tpu.memory_space<semaphore_mem>>)
        %dma_wait3A_190 = arith.constant 0 : i32
        %dma_wait3A_191 = tpu.memref_slice %arg7[%mul3A_2, %dma_wait3A_190] : memref<10112x16xf32, #tpu.memory_space<vmem_shared>> -> memref<632x16xf32, #tpu.memory_space<vmem_shared>>
        %dma_wait3A_192 = arith.constant 0 : i32
        %dma_wait3A_193 = tpu.memref_slice %arg7[%mul3A_2, %dma_wait3A_192] : memref<10112x16xf32, #tpu.memory_space<vmem_shared>> -> memref<632x16xf32, #tpu.memory_space<vmem_shared>>
        tpu.wait_dma2 semaphore(%run_scoped3A : memref<!tpu.dma_semaphore, #tpu.memory_space<semaphore_mem>>) src(%arg15 : memref<632x16xf32, #tpu.memory_space<vmem>>) dst(%dma_wait3A_193 : memref<632x16xf32, #tpu.memory_space<vmem_shared>>)
        tpu.yield
      }) : () -> ()
    } else {
    }
    %dma_wait3A_133 = arith.constant 0 : i32
    %dma_wait3A_134 = arith.constant 0 : i32
    %dma_wait3A_135 = tpu.memref_slice %arg9[%dma_wait3A_134] : memref<10240xi32, #tpu.memory_space<vmem>> -> memref<10000xi32, #tpu.memory_space<vmem>>
    %dma_wait3A_136 = tpu.memref_slice %arg5[%dma_wait3A_133, %mul3A_34] : memref<2x320000xi32, #tpu.memory_space<hbm>> -> memref<1x10000xi32, #tpu.memory_space<hbm>>
    %dma_wait3A_137 = tpu.memref_squeeze %dma_wait3A_136 : memref<1x10000xi32, #tpu.memory_space<hbm>> -> memref<10000xi32, #tpu.memory_space<hbm>>
    %dma_wait3A_138 = arith.constant 0 : i32
    %dma_wait3A_139 = tpu.memref_slice %arg9[%dma_wait3A_138] : memref<10240xi32, #tpu.memory_space<vmem>> -> memref<10000xi32, #tpu.memory_space<vmem>>
    %dma_wait3A_140 = tpu.memref_slice %arg5[%dma_wait3A_133, %mul3A_34] : memref<2x320000xi32, #tpu.memory_space<hbm>> -> memref<1x10000xi32, #tpu.memory_space<hbm>>
    %dma_wait3A_141 = tpu.memref_squeeze %dma_wait3A_140 : memref<1x10000xi32, #tpu.memory_space<hbm>> -> memref<10000xi32, #tpu.memory_space<hbm>>
    tpu.wait_dma2 semaphore(%arg17 : memref<!tpu.dma_semaphore, #tpu.memory_space<semaphore_mem>>) src(%dma_wait3A_141 : memref<10000xi32, #tpu.memory_space<hbm>>) dst(%dma_wait3A_139 : memref<10000xi32, #tpu.memory_space<vmem>>)
    %dma_wait3A_142 = arith.constant 1 : i32
    %dma_wait3A_143 = arith.constant 0 : i32
    %dma_wait3A_144 = tpu.memref_slice %arg10[%dma_wait3A_143] : memref<10240xi32, #tpu.memory_space<vmem>> -> memref<10000xi32, #tpu.memory_space<vmem>>
    %dma_wait3A_145 = tpu.memref_slice %arg5[%dma_wait3A_142, %mul3A_76] : memref<2x320000xi32, #tpu.memory_space<hbm>> -> memref<1x10000xi32, #tpu.memory_space<hbm>>
    %dma_wait3A_146 = tpu.memref_squeeze %dma_wait3A_145 : memref<1x10000xi32, #tpu.memory_space<hbm>> -> memref<10000xi32, #tpu.memory_space<hbm>>
    %dma_wait3A_147 = arith.constant 0 : i32
    %dma_wait3A_148 = tpu.memref_slice %arg10[%dma_wait3A_147] : memref<10240xi32, #tpu.memory_space<vmem>> -> memref<10000xi32, #tpu.memory_space<vmem>>
    %dma_wait3A_149 = tpu.memref_slice %arg5[%dma_wait3A_142, %mul3A_76] : memref<2x320000xi32, #tpu.memory_space<hbm>> -> memref<1x10000xi32, #tpu.memory_space<hbm>>
    %dma_wait3A_150 = tpu.memref_squeeze %dma_wait3A_149 : memref<1x10000xi32, #tpu.memory_space<hbm>> -> memref<10000xi32, #tpu.memory_space<hbm>>
    tpu.wait_dma2 semaphore(%arg17 : memref<!tpu.dma_semaphore, #tpu.memory_space<semaphore_mem>>) src(%dma_wait3A_150 : memref<10000xi32, #tpu.memory_space<hbm>>) dst(%dma_wait3A_148 : memref<10000xi32, #tpu.memory_space<vmem>>)
    %barrier3A = arith.constant 0 : index
    tpu.barrier barrier_id(%barrier3A)
    %dma_start3A_151 = arith.constant 0 : i32
    %dma_start3A_152 = arith.constant 0 : i32
    %dma_start3A_153 = tpu.memref_slice %arg11[%dma_start3A_151, %dma_start3A_152] : memref<512x16xf32, #tpu.memory_space<vmem>> -> memref<256x16xf32, #tpu.memory_space<vmem>>
    %dma_start3A_154 = arith.constant 0 : i32
    %dma_start3A_155 = tpu.memref_slice %arg9[%dma_start3A_154] : memref<10240xi32, #tpu.memory_space<vmem>> -> memref<256xi32, #tpu.memory_space<vmem>>
    %dma_start3A_156 = arith.constant 0 : i32
    %dma_start3A_157 = arith.constant 0 : i32
    %dma_start3A_158 = tpu.memref_slice %arg8[%dma_start3A_156, %dma_start3A_157] : memref<10112x16xf32, #tpu.memory_space<vmem_shared>> -> memref<10112x16xf32, #tpu.memory_space<vmem_shared>>
    tpu.enqueue_indirect_dma source(%dma_start3A_158 : memref<10112x16xf32, #tpu.memory_space<vmem_shared>>) target(%dma_start3A_153 : memref<256x16xf32, #tpu.memory_space<vmem>>) offsets(%dma_start3A_155 : memref<256xi32, #tpu.memory_space<vmem>>) semaphore(%arg17 : memref<!tpu.dma_semaphore, #tpu.memory_space<semaphore_mem>>)
    %dma_start3A_159 = arith.constant 256 : i32
    %dma_start3A_160 = arith.constant 0 : i32
    %dma_start3A_161 = tpu.memref_slice %arg11[%dma_start3A_159, %dma_start3A_160] : memref<512x16xf32, #tpu.memory_space<vmem>> -> memref<256x16xf32, #tpu.memory_space<vmem>>
    %dma_start3A_162 = arith.constant 256 : i32
    %dma_start3A_163 = tpu.memref_slice %arg9[%dma_start3A_162] : memref<10240xi32, #tpu.memory_space<vmem>> -> memref<256xi32, #tpu.memory_space<vmem>>
    %dma_start3A_164 = arith.constant 0 : i32
    %dma_start3A_165 = arith.constant 0 : i32
    %dma_start3A_166 = tpu.memref_slice %arg8[%dma_start3A_164, %dma_start3A_165] : memref<10112x16xf32, #tpu.memory_space<vmem_shared>> -> memref<10112x16xf32, #tpu.memory_space<vmem_shared>>
    tpu.enqueue_indirect_dma source(%dma_start3A_166 : memref<10112x16xf32, #tpu.memory_space<vmem_shared>>) target(%dma_start3A_161 : memref<256x16xf32, #tpu.memory_space<vmem>>) offsets(%dma_start3A_163 : memref<256xi32, #tpu.memory_space<vmem>>) semaphore(%arg17 : memref<!tpu.dma_semaphore, #tpu.memory_space<semaphore_mem>>)
    %scan3A_167 = arith.constant 0 : i32
    %scan3A_168 = arith.constant 0 : i32
    %scan3A_169 = arith.constant 10 : i32
    %scan3A_170 = arith.addi %scan3A_168, %scan3A_169 : i32
    %scan3A_171 = arith.constant 1 : i32
    %scan3A_172 = scf.for %scan3A_179 = %scan3A_168 to %scan3A_170 step %scan3A_171 iter_args(%scan3A_180 = %scan3A_167) -> (i32)  : i32 {
      %mul3A_181 = arith.constant 2 : i32
      %mul3A_182 = arith.muli %mul3A_181, %scan3A_179 : i32
      %mul3A_183 = arith.constant 2 : i32
      %mul3A_184 = arith.muli %mul3A_182, %mul3A_183 : i32
      %add3A_185 = arith.constant 0 : i32
      %add3A_186 = arith.addi %mul3A_184, %add3A_185 : i32
      %mul3A_187 = arith.constant 256 : i32
      %mul3A_188 = arith.muli %add3A_186, %mul3A_187 : i32
      %dma_wait3A_189 = arith.constant 0 : i32
      %dma_wait3A_190 = arith.constant 0 : i32
      %dma_wait3A_191 = tpu.memref_slice %arg11[%dma_wait3A_189, %dma_wait3A_190] : memref<512x16xf32, #tpu.memory_space<vmem>> -> memref<256x16xf32, #tpu.memory_space<vmem>>
      %dma_wait3A_192 = tpu.memref_slice %arg9[%mul3A_188] : memref<10240xi32, #tpu.memory_space<vmem>> -> memref<256xi32, #tpu.memory_space<vmem>>
      %dma_wait3A_193 = arith.constant 0 : i32
      %dma_wait3A_194 = arith.constant 0 : i32
      %dma_wait3A_195 = tpu.memref_slice %arg8[%dma_wait3A_193, %dma_wait3A_194] : memref<10112x16xf32, #tpu.memory_space<vmem_shared>> -> memref<10112x16xf32, #tpu.memory_space<vmem_shared>>
      tpu.wait_indirect_dma semaphore(%arg17 : memref<!tpu.dma_semaphore, #tpu.memory_space<semaphore_mem>>) src(%dma_wait3A_195 : memref<10112x16xf32, #tpu.memory_space<vmem_shared>>) dst(%dma_wait3A_191 : memref<256x16xf32, #tpu.memory_space<vmem>>)
      %mul3A_196 = arith.constant 2 : i32
      %mul3A_197 = arith.muli %mul3A_182, %mul3A_196 : i32
      %add3A_198 = arith.constant 1 : i32
      %add3A_199 = arith.addi %mul3A_197, %add3A_198 : i32
      %mul3A_200 = arith.constant 256 : i32
      %mul3A_201 = arith.muli %add3A_199, %mul3A_200 : i32
      %dma_wait3A_202 = arith.constant 256 : i32
      %dma_wait3A_203 = arith.constant 0 : i32
      %dma_wait3A_204 = tpu.memref_slice %arg11[%dma_wait3A_202, %dma_wait3A_203] : memref<512x16xf32, #tpu.memory_space<vmem>> -> memref<256x16xf32, #tpu.memory_space<vmem>>
      %dma_wait3A_205 = tpu.memref_slice %arg9[%mul3A_201] : memref<10240xi32, #tpu.memory_space<vmem>> -> memref<256xi32, #tpu.memory_space<vmem>>
      %dma_wait3A_206 = arith.constant 0 : i32
      %dma_wait3A_207 = arith.constant 0 : i32
      %dma_wait3A_208 = tpu.memref_slice %arg8[%dma_wait3A_206, %dma_wait3A_207] : memref<10112x16xf32, #tpu.memory_space<vmem_shared>> -> memref<10112x16xf32, #tpu.memory_space<vmem_shared>>
      tpu.wait_indirect_dma semaphore(%arg17 : memref<!tpu.dma_semaphore, #tpu.memory_space<semaphore_mem>>) src(%dma_wait3A_208 : memref<10112x16xf32, #tpu.memory_space<vmem_shared>>) dst(%dma_wait3A_204 : memref<256x16xf32, #tpu.memory_space<vmem>>)
      %add3A_209 = arith.constant 1 : i32
      %add3A_210 = arith.addi %mul3A_182, %add3A_209 : i32
      %mul3A_211 = arith.constant 2 : i32
      %mul3A_212 = arith.muli %add3A_210, %mul3A_211 : i32
      %add3A_213 = arith.constant 0 : i32
      %add3A_214 = arith.addi %mul3A_212, %add3A_213 : i32
      %mul3A_215 = arith.constant 256 : i32
      %mul3A_216 = arith.muli %add3A_214, %mul3A_215 : i32
      %dma_start3A_217 = arith.constant 0 : i32
      %dma_start3A_218 = arith.constant 0 : i32
      %dma_start3A_219 = tpu.memref_slice %arg12[%dma_start3A_217, %dma_start3A_218] : memref<512x16xf32, #tpu.memory_space<vmem>> -> memref<256x16xf32, #tpu.memory_space<vmem>>
      %dma_start3A_220 = tpu.memref_slice %arg9[%mul3A_216] : memref<10240xi32, #tpu.memory_space<vmem>> -> memref<256xi32, #tpu.memory_space<vmem>>
      %dma_start3A_221 = arith.constant 0 : i32
      %dma_start3A_222 = arith.constant 0 : i32
      %dma_start3A_223 = tpu.memref_slice %arg8[%dma_start3A_221, %dma_start3A_222] : memref<10112x16xf32, #tpu.memory_space<vmem_shared>> -> memref<10112x16xf32, #tpu.memory_space<vmem_shared>>
      tpu.enqueue_indirect_dma source(%dma_start3A_223 : memref<10112x16xf32, #tpu.memory_space<vmem_shared>>) target(%dma_start3A_219 : memref<256x16xf32, #tpu.memory_space<vmem>>) offsets(%dma_start3A_220 : memref<256xi32, #tpu.memory_space<vmem>>) semaphore(%arg18 : memref<!tpu.dma_semaphore, #tpu.memory_space<semaphore_mem>>)
      %add3A_224 = arith.constant 1 : i32
      %add3A_225 = arith.addi %mul3A_182, %add3A_224 : i32
      %mul3A_226 = arith.constant 2 : i32
      %mul3A_227 = arith.muli %add3A_225, %mul3A_226 : i32
      %add3A_228 = arith.constant 1 : i32
      %add3A_229 = arith.addi %mul3A_227, %add3A_228 : i32
      %mul3A_230 = arith.constant 256 : i32
      %mul3A_231 = arith.muli %add3A_229, %mul3A_230 : i32
      %dma_start3A_232 = arith.constant 256 : i32
      %dma_start3A_233 = arith.constant 0 : i32
      %dma_start3A_234 = tpu.memref_slice %arg12[%dma_start3A_232, %dma_start3A_233] : memref<512x16xf32, #tpu.memory_space<vmem>> -> memref<256x16xf32, #tpu.memory_space<vmem>>
      %dma_start3A_235 = tpu.memref_slice %arg9[%mul3A_231] : memref<10240xi32, #tpu.memory_space<vmem>> -> memref<256xi32, #tpu.memory_space<vmem>>
      %dma_start3A_236 = arith.constant 0 : i32
      %dma_start3A_237 = arith.constant 0 : i32
      %dma_start3A_238 = tpu.memref_slice %arg8[%dma_start3A_236, %dma_start3A_237] : memref<10112x16xf32, #tpu.memory_space<vmem_shared>> -> memref<10112x16xf32, #tpu.memory_space<vmem_shared>>
      tpu.enqueue_indirect_dma source(%dma_start3A_238 : memref<10112x16xf32, #tpu.memory_space<vmem_shared>>) target(%dma_start3A_234 : memref<256x16xf32, #tpu.memory_space<vmem>>) offsets(%dma_start3A_235 : memref<256xi32, #tpu.memory_space<vmem>>) semaphore(%arg18 : memref<!tpu.dma_semaphore, #tpu.memory_space<semaphore_mem>>)
      %mul3A_239 = arith.constant 512 : i32
      %mul3A_240 = arith.muli %mul3A_182, %mul3A_239 : i32
      "tpu.region"() ({
        %run_scoped3A = tpu.sem_alloc : memref<!tpu.dma_semaphore, #tpu.memory_space<semaphore_mem>>
        %dma_start3A_282 = tpu.memref_slice %arg10[%mul3A_240] : memref<10240xi32, #tpu.memory_space<vmem>> -> memref<512xi32, #tpu.memory_space<vmem>>
        %dma_start3A_283 = arith.constant 0 : i32
        %dma_start3A_284 = arith.constant 0 : i32
        %dma_start3A_285 = tpu.memref_slice %arg7[%dma_start3A_283, %dma_start3A_284] : memref<10112x16xf32, #tpu.memory_space<vmem_shared>> -> memref<10112x16xf32, #tpu.memory_space<vmem_shared>>
        tpu.enqueue_indirect_dma source(%arg11 : memref<512x16xf32, #tpu.memory_space<vmem>>) target(%dma_start3A_285 : memref<10112x16xf32, #tpu.memory_space<vmem_shared>>) offsets(%dma_start3A_282 : memref<512xi32, #tpu.memory_space<vmem>>) semaphore(%run_scoped3A : memref<!tpu.dma_semaphore, #tpu.memory_space<semaphore_mem>>) {add = true}
        %dma_wait3A_286 = tpu.memref_slice %arg10[%mul3A_240] : memref<10240xi32, #tpu.memory_space<vmem>> -> memref<512xi32, #tpu.memory_space<vmem>>
        %dma_wait3A_287 = arith.constant 0 : i32
        %dma_wait3A_288 = arith.constant 0 : i32
        %dma_wait3A_289 = tpu.memref_slice %arg7[%dma_wait3A_287, %dma_wait3A_288] : memref<10112x16xf32, #tpu.memory_space<vmem_shared>> -> memref<10112x16xf32, #tpu.memory_space<vmem_shared>>
        tpu.wait_indirect_dma semaphore(%run_scoped3A : memref<!tpu.dma_semaphore, #tpu.memory_space<semaphore_mem>>) src(%arg11 : memref<512x16xf32, #tpu.memory_space<vmem>>) dst(%dma_wait3A_289 : memref<10112x16xf32, #tpu.memory_space<vmem_shared>>)
        tpu.yield
      }) : () -> ()
      %add3A_241 = arith.constant 1 : i32
      %add3A_242 = arith.addi %mul3A_182, %add3A_241 : i32
      %mul3A_243 = arith.constant 2 : i32
      %mul3A_244 = arith.muli %add3A_242, %mul3A_243 : i32
      %add3A_245 = arith.constant 0 : i32
      %add3A_246 = arith.addi %mul3A_244, %add3A_245 : i32
      %mul3A_247 = arith.constant 256 : i32
      %mul3A_248 = arith.muli %add3A_246, %mul3A_247 : i32
      %dma_wait3A_249 = arith.constant 0 : i32
      %dma_wait3A_250 = arith.constant 0 : i32
      %dma_wait3A_251 = tpu.memref_slice %arg12[%dma_wait3A_249, %dma_wait3A_250] : memref<512x16xf32, #tpu.memory_space<vmem>> -> memref<256x16xf32, #tpu.memory_space<vmem>>
      %dma_wait3A_252 = tpu.memref_slice %arg9[%mul3A_248] : memref<10240xi32, #tpu.memory_space<vmem>> -> memref<256xi32, #tpu.memory_space<vmem>>
      %dma_wait3A_253 = arith.constant 0 : i32
      %dma_wait3A_254 = arith.constant 0 : i32
      %dma_wait3A_255 = tpu.memref_slice %arg8[%dma_wait3A_253, %dma_wait3A_254] : memref<10112x16xf32, #tpu.memory_space<vmem_shared>> -> memref<10112x16xf32, #tpu.memory_space<vmem_shared>>
      tpu.wait_indirect_dma semaphore(%arg18 : memref<!tpu.dma_semaphore, #tpu.memory_space<semaphore_mem>>) src(%dma_wait3A_255 : memref<10112x16xf32, #tpu.memory_space<vmem_shared>>) dst(%dma_wait3A_251 : memref<256x16xf32, #tpu.memory_space<vmem>>)
      %add3A_256 = arith.constant 1 : i32
      %add3A_257 = arith.addi %mul3A_182, %add3A_256 : i32
      %mul3A_258 = arith.constant 2 : i32
      %mul3A_259 = arith.muli %add3A_257, %mul3A_258 : i32
      %add3A_260 = arith.constant 1 : i32
      %add3A_261 = arith.addi %mul3A_259, %add3A_260 : i32
      %mul3A_262 = arith.constant 256 : i32
      %mul3A_263 = arith.muli %add3A_261, %mul3A_262 : i32
      %dma_wait3A_264 = arith.constant 256 : i32
      %dma_wait3A_265 = arith.constant 0 : i32
      %dma_wait3A_266 = tpu.memref_slice %arg12[%dma_wait3A_264, %dma_wait3A_265] : memref<512x16xf32, #tpu.memory_space<vmem>> -> memref<256x16xf32, #tpu.memory_space<vmem>>
      %dma_wait3A_267 = tpu.memref_slice %arg9[%mul3A_263] : memref<10240xi32, #tpu.memory_space<vmem>> -> memref<256xi32, #tpu.memory_space<vmem>>
      %dma_wait3A_268 = arith.constant 0 : i32
      %dma_wait3A_269 = arith.constant 0 : i32
      %dma_wait3A_270 = tpu.memref_slice %arg8[%dma_wait3A_268, %dma_wait3A_269] : memref<10112x16xf32, #tpu.memory_space<vmem_shared>> -> memref<10112x16xf32, #tpu.memory_space<vmem_shared>>
      tpu.wait_indirect_dma semaphore(%arg18 : memref<!tpu.dma_semaphore, #tpu.memory_space<semaphore_mem>>) src(%dma_wait3A_270 : memref<10112x16xf32, #tpu.memory_space<vmem_shared>>) dst(%dma_wait3A_266 : memref<256x16xf32, #tpu.memory_space<vmem>>)
      %add3A_271 = arith.constant 2 : i32
      %add3A_272 = arith.addi %mul3A_182, %add3A_271 : i32
      %lt3A = arith.constant 20 : i32
      %lt3A_273 = arith.cmpi slt, %add3A_272, %lt3A : i32
      %convert_element_type3A_274 = arith.extui %lt3A_273 : i1 to i32
      %cond3A_275 = arith.constant 0 : i32
      %cond3A_276 = arith.cmpi ne, %convert_element_type3A_274, %cond3A_275 : i32
      scf.if %cond3A_276 {
        %add3A_282 = arith.constant 2 : i32
        %add3A_283 = arith.addi %mul3A_182, %add3A_282 : i32
        %mul3A_284 = arith.constant 2 : i32
        %mul3A_285 = arith.muli %add3A_283, %mul3A_284 : i32
        %add3A_286 = arith.constant 0 : i32
        %add3A_287 = arith.addi %mul3A_285, %add3A_286 : i32
        %mul3A_288 = arith.constant 256 : i32
        %mul3A_289 = arith.muli %add3A_287, %mul3A_288 : i32
        %dma_start3A_290 = arith.constant 0 : i32
        %dma_start3A_291 = arith.constant 0 : i32
        %dma_start3A_292 = tpu.memref_slice %arg11[%dma_start3A_290, %dma_start3A_291] : memref<512x16xf32, #tpu.memory_space<vmem>> -> memref<256x16xf32, #tpu.memory_space<vmem>>
        %dma_start3A_293 = tpu.memref_slice %arg9[%mul3A_289] : memref<10240xi32, #tpu.memory_space<vmem>> -> memref<256xi32, #tpu.memory_space<vmem>>
        %dma_start3A_294 = arith.constant 0 : i32
        %dma_start3A_295 = arith.constant 0 : i32
        %dma_start3A_296 = tpu.memref_slice %arg8[%dma_start3A_294, %dma_start3A_295] : memref<10112x16xf32, #tpu.memory_space<vmem_shared>> -> memref<10112x16xf32, #tpu.memory_space<vmem_shared>>
        tpu.enqueue_indirect_dma source(%dma_start3A_296 : memref<10112x16xf32, #tpu.memory_space<vmem_shared>>) target(%dma_start3A_292 : memref<256x16xf32, #tpu.memory_space<vmem>>) offsets(%dma_start3A_293 : memref<256xi32, #tpu.memory_space<vmem>>) semaphore(%arg17 : memref<!tpu.dma_semaphore, #tpu.memory_space<semaphore_mem>>)
        %add3A_297 = arith.constant 2 : i32
        %add3A_298 = arith.addi %mul3A_182, %add3A_297 : i32
        %mul3A_299 = arith.constant 2 : i32
        %mul3A_300 = arith.muli %add3A_298, %mul3A_299 : i32
        %add3A_301 = arith.constant 1 : i32
        %add3A_302 = arith.addi %mul3A_300, %add3A_301 : i32
        %mul3A_303 = arith.constant 256 : i32
        %mul3A_304 = arith.muli %add3A_302, %mul3A_303 : i32
        %dma_start3A_305 = arith.constant 256 : i32
        %dma_start3A_306 = arith.constant 0 : i32
        %dma_start3A_307 = tpu.memref_slice %arg11[%dma_start3A_305, %dma_start3A_306] : memref<512x16xf32, #tpu.memory_space<vmem>> -> memref<256x16xf32, #tpu.memory_space<vmem>>
        %dma_start3A_308 = tpu.memref_slice %arg9[%mul3A_304] : memref<10240xi32, #tpu.memory_space<vmem>> -> memref<256xi32, #tpu.memory_space<vmem>>
        %dma_start3A_309 = arith.constant 0 : i32
        %dma_start3A_310 = arith.constant 0 : i32
        %dma_start3A_311 = tpu.memref_slice %arg8[%dma_start3A_309, %dma_start3A_310] : memref<10112x16xf32, #tpu.memory_space<vmem_shared>> -> memref<10112x16xf32, #tpu.memory_space<vmem_shared>>
        tpu.enqueue_indirect_dma source(%dma_start3A_311 : memref<10112x16xf32, #tpu.memory_space<vmem_shared>>) target(%dma_start3A_307 : memref<256x16xf32, #tpu.memory_space<vmem>>) offsets(%dma_start3A_308 : memref<256xi32, #tpu.memory_space<vmem>>) semaphore(%arg17 : memref<!tpu.dma_semaphore, #tpu.memory_space<semaphore_mem>>)
      } else {
      }
      %add3A_277 = arith.constant 1 : i32
      %add3A_278 = arith.addi %mul3A_182, %add3A_277 : i32
      %mul3A_279 = arith.constant 512 : i32
      %mul3A_280 = arith.muli %add3A_278, %mul3A_279 : i32
      "tpu.region"() ({
        %run_scoped3A = tpu.sem_alloc : memref<!tpu.dma_semaphore, #tpu.memory_space<semaphore_mem>>
        %dma_start3A_282 = tpu.memref_slice %arg10[%mul3A_280] : memref<10240xi32, #tpu.memory_space<vmem>> -> memref<512xi32, #tpu.memory_space<vmem>>
        %dma_start3A_283 = arith.constant 0 : i32
        %dma_start3A_284 = arith.constant 0 : i32
        %dma_start3A_285 = tpu.memref_slice %arg7[%dma_start3A_283, %dma_start3A_284] : memref<10112x16xf32, #tpu.memory_space<vmem_shared>> -> memref<10112x16xf32, #tpu.memory_space<vmem_shared>>
        tpu.enqueue_indirect_dma source(%arg12 : memref<512x16xf32, #tpu.memory_space<vmem>>) target(%dma_start3A_285 : memref<10112x16xf32, #tpu.memory_space<vmem_shared>>) offsets(%dma_start3A_282 : memref<512xi32, #tpu.memory_space<vmem>>) semaphore(%run_scoped3A : memref<!tpu.dma_semaphore, #tpu.memory_space<semaphore_mem>>) {add = true}
        %dma_wait3A_286 = tpu.memref_slice %arg10[%mul3A_280] : memref<10240xi32, #tpu.memory_space<vmem>> -> memref<512xi32, #tpu.memory_space<vmem>>
        %dma_wait3A_287 = arith.constant 0 : i32
        %dma_wait3A_288 = arith.constant 0 : i32
        %dma_wait3A_289 = tpu.memref_slice %arg7[%dma_wait3A_287, %dma_wait3A_288] : memref<10112x16xf32, #tpu.memory_space<vmem_shared>> -> memref<10112x16xf32, #tpu.memory_space<vmem_shared>>
        tpu.wait_indirect_dma semaphore(%run_scoped3A : memref<!tpu.dma_semaphore, #tpu.memory_space<semaphore_mem>>) src(%arg12 : memref<512x16xf32, #tpu.memory_space<vmem>>) dst(%dma_wait3A_289 : memref<10112x16xf32, #tpu.memory_space<vmem_shared>>)
        tpu.yield
      }) : () -> ()
      %scan3A_281 = arith.constant 0 : i32
      scf.yield %scan3A_281 : i32
    }
    %scan3A_173 = arith.constant 10 : i32
    %barrier3A_174 = arith.constant 0 : index
    tpu.barrier barrier_id(%barrier3A_174)
    %mul3A_175 = arith.constant 632 : i32
    %mul3A_176 = arith.muli %arg1, %mul3A_175 : i32
    %mul3A_177 = arith.constant 632 : i32
    %mul3A_178 = arith.muli %arg1, %mul3A_177 : i32
    "tpu.region"() ({
      %run_scoped3A = tpu.sem_alloc : memref<!tpu.dma_semaphore, #tpu.memory_space<semaphore_mem>>
      %dma_start3A_179 = arith.constant 0 : i32
      %dma_start3A_180 = tpu.memref_slice %arg6[%arg0, %mul3A_178, %dma_start3A_179] : memref<2x10112x16xf32, #tpu.memory_space<hbm>> -> memref<1x632x16xf32, #tpu.memory_space<hbm>>
      %dma_start3A_181 = tpu.memref_squeeze %dma_start3A_180 : memref<1x632x16xf32, #tpu.memory_space<hbm>> -> memref<632x16xf32, #tpu.memory_space<hbm>>
      %dma_start3A_182 = arith.constant 0 : i32
      %dma_start3A_183 = tpu.memref_slice %arg7[%mul3A_176, %dma_start3A_182] : memref<10112x16xf32, #tpu.memory_space<vmem_shared>> -> memref<632x16xf32, #tpu.memory_space<vmem_shared>>
      tpu.enqueue_dma source(%dma_start3A_183 : memref<632x16xf32, #tpu.memory_space<vmem_shared>>) target(%dma_start3A_181 : memref<632x16xf32, #tpu.memory_space<hbm>>) target_semaphore(%run_scoped3A : memref<!tpu.dma_semaphore, #tpu.memory_space<semaphore_mem>>)
      %dma_wait3A_184 = arith.constant 0 : i32
      %dma_wait3A_185 = tpu.memref_slice %arg6[%arg0, %mul3A_178, %dma_wait3A_184] : memref<2x10112x16xf32, #tpu.memory_space<hbm>> -> memref<1x632x16xf32, #tpu.memory_space<hbm>>
      %dma_wait3A_186 = tpu.memref_squeeze %dma_wait3A_185 : memref<1x632x16xf32, #tpu.memory_space<hbm>> -> memref<632x16xf32, #tpu.memory_space<hbm>>
      %dma_wait3A_187 = arith.constant 0 : i32
      %dma_wait3A_188 = tpu.memref_slice %arg7[%mul3A_176, %dma_wait3A_187] : memref<10112x16xf32, #tpu.memory_space<vmem_shared>> -> memref<632x16xf32, #tpu.memory_space<vmem_shared>>
      tpu.wait_dma2 semaphore(%run_scoped3A : memref<!tpu.dma_semaphore, #tpu.memory_space<semaphore_mem>>) src(%dma_wait3A_188 : memref<632x16xf32, #tpu.memory_space<vmem_shared>>) dst(%dma_wait3A_186 : memref<632x16xf32, #tpu.memory_space<hbm>>)
      tpu.yield
    }) : () -> ()
    return
  }
}

module attributes {stable_mosaic.version = 14 : i64} {
  func.func @_tc_in_body(%arg0: memref<10000x128xf32, #tpu.memory_space<vmem>>, %arg1: memref<128x16xf32, #tpu.memory_space<vmem>>, %arg2: memref<10112x16xf32, #tpu.memory_space<vmem>>) attributes {dimension_semantics = [], scalar_prefetch = 0 : i64, scratch_operands = 0 : i64, tpu.core_type = #tpu.core_type<tc>} {
    %get3A = arith.constant 0 : index
    %get3A_0 = arith.constant 0 : index
    %get3A_1 = vector.load %arg0[%get3A, %get3A_0] : memref<10000x128xf32, #tpu.memory_space<vmem>>, vector<10000x128xf32>
    %get3A_2 = arith.constant 0 : index
    %get3A_3 = arith.constant 0 : index
    %get3A_4 = vector.load %arg1[%get3A_2, %get3A_3] : memref<128x16xf32, #tpu.memory_space<vmem>>, vector<128x16xf32>
    %dot_general3A = arith.constant dense<0.000000e+00> : vector<10000x16xf32>
    %dot_general3A_5 = tpu.matmul %get3A_1, %get3A_4, %dot_general3A {dimension_numbers = #tpu.dot_dimension_numbers<[1], [0], [0], [1], [0, 0, 1, 1], [], []>, transpose_lhs_hint = false} : vector<10000x128xf32>, vector<128x16xf32>, vector<10000x16xf32> -> vector<10000x16xf32>
    %broadcast_in_dim3A = arith.constant 0.000000e+00 : f32
    %broadcast_in_dim3A_6 = vector.broadcast %broadcast_in_dim3A : f32 to vector<112x16xf32>
    %concatenate3A = tpu.concatenate %dot_general3A_5, %broadcast_in_dim3A_6 in 0 : vector<10000x16xf32>, vector<112x16xf32> -> vector<10112x16xf32>
    %swap3A = arith.constant 0 : index
    %swap3A_7 = arith.constant 0 : index
    %swap3A_8 = vector.load %arg2[%swap3A, %swap3A_7] : memref<10112x16xf32, #tpu.memory_space<vmem>>, vector<10112x16xf32>
    tpu.vector_store %arg2[%swap3A, %swap3A_7], %concatenate3A {strides = array<i32>} : memref<10112x16xf32, #tpu.memory_space<vmem>>, vector<10112x16xf32>,
    return
  }
}

module attributes {stable_mosaic.version = 14 : i64} {
  func.func @_tc_out_body(%arg0: memref<2x10112x16xf32, #tpu.memory_space<vmem>>, %arg1: memref<10112x16xf32, #tpu.memory_space<vmem>>, %arg2: memref<16x128xf32, #tpu.memory_space<vmem>>, %arg3: memref<1x128xf32, #tpu.memory_space<vmem>>, %arg4: memref<10000x128xf32, #tpu.memory_space<vmem>>) attributes {dimension_semantics = [], scalar_prefetch = 0 : i64, scratch_operands = 0 : i64, tpu.core_type = #tpu.core_type<tc>} {
    %get3A = arith.constant 0 : index
    %get3A_0 = arith.constant 0 : index
    %get3A_1 = vector.load %arg1[%get3A, %get3A_0] : memref<10112x16xf32, #tpu.memory_space<vmem>>, vector<10112x16xf32>
    %get3A_2 = arith.constant 0 : index
    %get3A_3 = arith.constant 0 : index
    %get3A_4 = arith.constant 0 : index
    %get3A_5 = vector.load %arg0[%get3A_2, %get3A_3, %get3A_4] : memref<2x10112x16xf32, #tpu.memory_space<vmem>>, vector<1x10112x16xf32>
    %get3A_6 = vector.shape_cast %get3A_5 : vector<1x10112x16xf32> to vector<10112x16xf32>
    %get3A_7 = arith.constant 1 : index
    %get3A_8 = arith.constant 0 : index
    %get3A_9 = arith.constant 0 : index
    %get3A_10 = vector.load %arg0[%get3A_7, %get3A_8, %get3A_9] : memref<2x10112x16xf32, #tpu.memory_space<vmem>>, vector<1x10112x16xf32>
    %get3A_11 = vector.shape_cast %get3A_10 : vector<1x10112x16xf32> to vector<10112x16xf32>
    %add3A = arith.addf %get3A_6, %get3A_11 : vector<10112x16xf32>
    %mul3A = arith.mulf %get3A_1, %add3A : vector<10112x16xf32>
    %slice3A = vector.extract_strided_slice %mul3A {offsets = [0, 0], sizes = [10000, 16], strides = [1, 1]} : vector<10112x16xf32> to vector<10000x16xf32>
    %get3A_12 = arith.constant 0 : index
    %get3A_13 = arith.constant 0 : index
    %get3A_14 = vector.load %arg2[%get3A_12, %get3A_13] : memref<16x128xf32, #tpu.memory_space<vmem>>, vector<16x128xf32>
    %dot_general3A = arith.constant dense<0.000000e+00> : vector<10000x128xf32>
    %dot_general3A_15 = tpu.matmul %slice3A, %get3A_14, %dot_general3A {dimension_numbers = #tpu.dot_dimension_numbers<[1], [0], [0], [1], [0, 0, 1, 1], [], []>, transpose_lhs_hint = false} : vector<10000x16xf32>, vector<16x128xf32>, vector<10000x128xf32> -> vector<10000x128xf32>
    %get3A_16 = arith.constant 0 : index
    %get3A_17 = arith.constant 0 : index
    %get3A_18 = vector.load %arg3[%get3A_16, %get3A_17] : memref<1x128xf32, #tpu.memory_space<vmem>>, vector<1x128xf32>
    %add3A_19 = vector.broadcast %get3A_18 : vector<1x128xf32> to vector<10000x128xf32>
    %add3A_20 = arith.addf %dot_general3A_15, %add3A_19 : vector<10000x128xf32>
    %swap3A = arith.constant 0 : index
    %swap3A_21 = arith.constant 0 : index
    %swap3A_22 = vector.load %arg4[%swap3A, %swap3A_21] : memref<10000x128xf32, #tpu.memory_space<vmem>>, vector<10000x128xf32>
    tpu.vector_store %arg4[%swap3A, %swap3A_21], %add3A_20 {strides = array<i32>} : memref<10000x128xf32, #tpu.memory_space<vmem>>, vector<10000x128xf32>,
    return
  }
}

</mosaic_0001>

<sc_bundles>
// kernel: kernel.10.cloned.1.call-start
scs
__scs_entry_jumppad:
0x0: {  	(pc) =	sbr.rel $0x88, $3  }
0x1: {  	(tag) =	ssettag $0x0;
	lr =	simm.s32 $0x1  }
0x2: {  	[smem:$0x3F9B] =	sst lr;
	_ =	strace $0xD0000000  }
0x3: {  	_ = 	snop  }
0x4: {  	_ = 	snop  }
0x5: {  	_ = 	snop  }
0x6: {  	_ = 	snop  }
0x7: {  	_ = 	snop  }
__scs_overlays_trampoline_lowered:
0x8: {  	[smem:$0x3FAA] =	sst s0  }
0x9: {  	[smem:$0x3FAB] =	sst s1  }
0xa: {  	[smem:$0x3FAC] =	sst s2  }
0xb: {  	[smem:$0x3FAD] =	sst s3  }
0xc: {  	[smem:$0x3FAE] =	sst s4  }
0xd: {  	[smem:$0x3FAF] =	sst s5  }
0xe: {  	[smem:$0x3FB0] =	sst s6  }
0xf: {  	[smem:$0x3FB1] =	sst s7  }
0x10: {  	[smem:$0x3FB2] =	sst s8  }
0x11: {  	[smem:$0x3FB3] =	sst s9;
	s0 =	simm.s32 @!p0 $0x0  }
0x12: {  	s1 =	sld [smem:$0x3F99];
	s0 =	simm.s32 @p0 $0x1  }
0x13: {  	[smem:$0x3FB4] =	sst s0;
	s0 =	simm.s32 @!p1 $0x0  }
0x14: {  	s2 =	sld [smem:$0x3F98];
	s0 =	simm.s32 @p1 $0x1  }
0x15: {  	[smem:$0x3FB5] =	sst s0;
	s0 =	simm.s32 @!p2 $0x0  }
0x16: {  	s3 =	sld [smem:$0x3FDB];
	s0 =	simm.s32 @p2 $0x1  }
0x17: {  	s4 =	simm.s32 $0x1BF5;
	[smem:$0x3FB7] =	sst s0  }
0x18: {  	s0 =	sld [smem:$0x3F9A];
	_ =	swait.ge [sflag:s4], $0x0  }
0x19: {  	s7 =	sld [smem:$0x3F9B]  }
0x1a: {  	s8 =	sadd.s32 $0xFFFFE003, lr  }
0x1b: {  	s9 =	sadd.s32 $0xFFFFFEF7, lr;
	s5 =	simm.s32 $0xFFFFFFFF;
	p2 =	slt.u32 s8, $0xFFFFF086  }
0x1c: {  	p1 =	slt.u32 s9, $0xF7A;
	s5 =	simm.s32 @!p2 $0x0  }
0x1d: {  	s5 =	simm.s32 @p1 $0x1;
	p0 =	seq.s32 s7, s2  }
0x1e: {  	s7 =	smul.u32 @!p0 $0xF7A, s2;
	p2 =	seq.s32 @!p0 s5, $0x0  }
0x1f: {  	s9 =	smul.u32 $0xF7A, s1;
	s8 =	simm.s32 @!p0 $0x1BF5;
	p2 =	por !p2, p0  }
0x20: {  	[sflag:s8] =	ssyncset.s32 @!p0 $0xFFFFF086;
	s6 =	sadd.s32 @!p0 s3, s7;
	s7 =	simm.s32 @!p0 $0x108  }
0x21: {  	s3 =	sadd.s32 s3, s9;
	s6 =	sadd.s32 @!p0 $0x88, s6;
	s7 =	simm.s32 @p2 $0x1082  }
0x22: {  	[simem:s7], [sflag:s8] =	dma.local @!p0 [hbm:s6], $0xF7A  }
0x23: {  	s9 =	sor.u32 $0xD0000000, s2;
	s6 =	simm.s32 $0x108;
	_ =	swait.ge @!p0 [sflag:s8], $0x0  }
0x24: {  	s3 =	sadd.s32 $0x88, s3;
	s6 =	simm.s32 @!p1 $0x1082;
	[sflag:s4] =	ssyncset.s32 $0xFFFFF086  }
0x25: {  	[simem:s6], [sflag:s4] =	dma.local [hbm:s3], $0xF7A  }
0x26: {  	[smem:$0x3F9B] =	sst s1;
	(tag) =	ssettag s2;
	_ =	strace s9  }
0x27: {  	s1 =	sld [smem:$0x3FAB]  }
0x28: {  	s2 =	sld [smem:$0x3FAC]  }
0x29: {  	s4 =	sld [smem:$0x3FAE]  }
0x2a: {  	p0 =	seq.s32 s5, $0x0;
	s5 =	sld [smem:$0x3FAF]  }
0x2b: {  	s6 =	sld [smem:$0x3FB0]  }
0x2c: {  	s7 =	sld [smem:$0x3FB1]  }
0x2d: {  	s3 =	simm.s32 $0x108;
	s8 =	sld [smem:$0x3FB2]  }
0x2e: {  	s3 =	simm.s32 @!p0 $0x1082;
	s9 =	sld [smem:$0x3FB3]  }
0x2f: {  	lr =	sadd.s32 s0, s3;
	s0 =	sld [smem:$0x3FAA]  }
0x30: {  	s3 =	sld [smem:$0x3FAD]  }
0x31: {  	[smem:$0x3FB6] =	sst s10  }
0x32: {  	s10 =	sld [smem:$0x3FB4];
	_ =	sdelay $0x3  }
0x33: {  	p0 =	seq.s32 s10, $0x1;
	s10 =	sld [smem:$0x3FB6];
	_ =	sdelay $0x3  }
0x34: {  	[smem:$0x3FB6] =	sst s10  }
0x35: {  	s10 =	sld [smem:$0x3FB5];
	_ =	sdelay $0x3  }
0x36: {  	p1 =	seq.s32 s10, $0x1;
	s10 =	sld [smem:$0x3FB6];
	_ =	sdelay $0x3  }
0x37: {  	[smem:$0x3FB6] =	sst s10  }
0x38: {  	s10 =	sld [smem:$0x3FB7]  }
0x39: {  	_ = 	snop;
	(pc) =	sbr.ind lr, $3  }
0x3a: {  	_ = 	snop  }
0x3b: {  	_ = 	snop  }
0x3c: {  	p2 =	seq.s32 s10, $0x1;
	s10 =	sld [smem:$0x3FB6]  }
0x3d: {  	_ =	shalt  }
0x3e: {  	_ =	shalt  }
0x3f: {  	_ =	shalt  }
0x40: {  	_ =	shalt  }
0x41: {  	_ =	shalt  }
0x42: {  	_ =	shalt  }
0x43: {  	_ =	shalt  }
0x44: {  	_ =	shalt  }
0x45: {  	_ =	shalt  }
0x46: {  	_ =	shalt  }
0x47: {  	_ =	shalt  }
0x48: {  	_ =	shalt  }
0x49: {  	_ =	shalt  }
0x4a: {  	_ =	shalt  }
0x4b: {  	_ =	shalt  }
0x4c: {  	_ =	shalt  }
0x4d: {  	_ =	shalt  }
0x4e: {  	_ =	shalt  }
0x4f: {  	_ =	shalt  }
0x50: {  	_ =	shalt  }
0x51: {  	_ =	shalt  }
0x52: {  	_ =	shalt  }
0x53: {  	_ =	shalt  }
0x54: {  	_ =	shalt  }
0x55: {  	_ =	shalt  }
0x56: {  	_ =	shalt  }
0x57: {  	_ =	shalt  }
0x58: {  	_ =	shalt  }
0x59: {  	_ =	shalt  }
0x5a: {  	_ =	shalt  }
0x5b: {  	_ =	shalt  }
0x5c: {  	_ =	shalt  }
0x5d: {  	_ =	shalt  }
0x5e: {  	_ =	shalt  }
0x5f: {  	_ =	shalt  }
0x60: {  	_ =	shalt  }
0x61: {  	_ =	shalt  }
0x62: {  	_ =	shalt  }
0x63: {  	_ =	shalt  }
0x64: {  	_ =	shalt  }
0x65: {  	_ =	shalt  }
0x66: {  	_ =	shalt  }
0x67: {  	_ =	shalt  }
0x68: {  	_ =	shalt  }
0x69: {  	_ =	shalt  }
0x6a: {  	_ =	shalt  }
0x6b: {  	_ =	shalt  }
0x6c: {  	_ =	shalt  }
0x6d: {  	_ =	shalt  }
0x6e: {  	_ =	shalt  }
0x6f: {  	_ =	shalt  }
0x70: {  	_ =	shalt  }
0x71: {  	_ =	shalt  }
0x72: {  	_ =	shalt  }
0x73: {  	_ =	shalt  }
0x74: {  	_ =	shalt  }
0x75: {  	_ =	shalt  }
0x76: {  	_ =	shalt  }
0x77: {  	_ =	shalt  }
0x78: {  	_ =	shalt  }
0x79: {  	_ =	shalt  }
0x7a: {  	_ =	shalt  }
0x7b: {  	_ =	shalt  }
0x7c: {  	_ =	shalt  }
0x7d: {  	_ =	shalt  }
0x7e: {  	_ =	shalt  }
0x7f: {  	_ =	shalt  }
0x80: {  	_ =	shalt  }
0x81: {  	_ =	shalt  }
0x82: {  	_ =	shalt  }
0x83: {  	_ =	shalt  }
0x84: {  	_ =	shalt  }
0x85: {  	_ =	shalt  }
0x86: {  	_ =	shalt  }
0x87: {  	_ =	shalt  }
.Lfunc_end0:
.L_simem_size_0:
called_computation.1_lowered:
.L_overlay_start_0:
0x88: {  	s2 =	sld [smem:$0x3FD9]  }
0x89: {  	s3 =	sld [smem:$0x3FFE];
	_ =	sdelay $0x1  }
0x8a: {  	s1 =	srdreg.scid  }
0x8b: {  	s0 =	sand.u32 $0x1, s1  }
0x8c: {  	s17 =	sshll.u32 s0, $0xA;
	s2 =	sadd.s32 s3, s2  }
0x8d: {  	s2 =	sadd.s32 s2, s17  }
0x8e: {  	[smem:$0x3FC2] =	sst s2  }
0x8f: {  	_ = 	snop  }
0x90: {  	s2 =	sld [smem:$0x3FD0];
	(tm) =	ssettm $0x1  }
0x91: {  	s18 =	sld [smem:$0x3FFB];
	_ =	sdelay $0x3  }
0x92: {  	_ =	strace s18  }
0x93: {  	s3 =	sld [smem:$0x3FFC];
	_ =	sdelay $0x3  }
0x94: {  	_ =	strace s3  }
0x95: {  	s3 =	sld [smem:$0x3FFD];
	_ =	sdelay $0x3  }
0x96: {  	_ =	strace s3  }
0x97: {  	_ =	strace $0x8FFFFFFF  }
0x98: {  	s19 =	sld [smem:$0x3FDB];
	_ =	sdelay $0x1  }
0x99: {  	s4 =	simm.s32 $_scs_section_size  }
0x9a: {  	s5 =	simm.s32 $_size__tile_overlayer_lowered;
	s6 =	simm.s32 $_tile_overlayer_lowered  }
0x9b: {  	s22 =	simm.s32 $0x1BFF;
	s21 =	sshll.u32 s6, $0x1;
	s3 =	sadd.s32 s4, s19  }
0x9c: {  	s7 =	simm.s32 $0x0;
	s20 =	sshll.u32 s5, $0x1;
	s5 =	sadd.s32 s21, s3  }
0x9d: {  	[timem:s7], [sflag:s22] =	dma.local [hbm:s5], s20  }
0x9e: {  	_ =	swait.ge [sflag:s22], s20  }
0x9f: {  	s4 =	ssub.s32 $0x0, s20;
	[sflag:s22] =	ssyncset.done $0x0  }
0xa0: {  	[sflag:s22] =	ssyncadd.s32 s4;
	_ =	sdelay $0x1  }
0xa1: {  	s23 =	simm.s32 $0x1B8B  }
0xa2: {  	_ =	swait.ge [sflag:s23], $0x1  }
0xa3: {  	[sflag:s23] =	ssyncset.done $0x0  }
0xa4: {  	s25 =	simm.s32 $0x1B8E;
	s24 =	sld [smem:$0x3FFE];
	[sflag:s23] =	ssyncadd.s32 $0xFFFFFFFF  }
0xa5: {  	s26 =	simm.s32 $execute0_lowered;
	[smem:$0x3FD2] =	sst s25  }
0xa6: {  	s5 =	sshll.u32 s26, $0x1;
	_ =	strace $0x80000049;
	[dreg:$0x1] =	wrdreg $0xFFFFFFFF  }
0xa7: {  	s28 =	simm.s32 $_size_execute0_lowered;
	s3 =	sadd.s32 s3, s5;
	[dreg:$0x0] =	wrdreg $0x0  }
0xa8: {  	s5 =	sshll.u32 s28, $0x1;
	[dreg:$0x2] =	wrdreg s3  }
0xa9: {  	[dreg:$0x3] =	wrdreg s5  }
0xaa: {  	[dreg:$0x4] =	wrdreg $0xC0  }
0xab: {  	_ =	task [dreg:s7], $0x5FFFF  }
0xac: {  	[dreg:$0x1] =	wrdreg $0xFFFFFFFF  }
0xad: {  	[dreg:$0x0] =	wrdreg $0x60  }
0xae: {  	[dreg:$0x2] =	wrdreg s24  }
0xaf: {  	[dreg:$0x3] =	wrdreg s2  }
0xb0: {  	[dreg:$0x4] =	wrdreg $0x27800  }
0xb1: {  	[dreg:$0x5] =	wrdreg $0x0  }
0xb2: {  	[dreg:$0x6] =	wrdreg $0x9  }
0xb3: {  	_ =	task.clear_ibuf [dreg:s7], $0x7FFFF;
	_ =	strace $0x90000049  }
0xb4: {  	s29 =	simm.s32 $0x9;
	_ =	strace $0x8000004B  }
0xb5: {  	_ =	swait.ge [sflag:s29], $0x1  }
0xb6: {  	[sflag:s29] =	ssyncadd.s32 $0xFFFFFFFF  }
0xb7: {  	_ =	strace $0x9000004B  }
0xb8: {  	_ =	sfence  }
0xb9: {  	s30 =	sld [smem:$0x0];
	_ =	sdelay $0x2  }
0xba: {  	s31 =	sshll.u32 s1, $0xD;
	s1 =	sshrl.u32 s1, $0x2  }
0xbb: {  	s3 =	sand.u32 $0x4000, s31;
	s1 =	sadd.s32 s1, s30  }
0xbc: {  	s0 =	sor.u32 s3, s0;
	s1 =	sshll.u32 s1, $0x11  }
0xbd: {  	s0 =	sor.u32 s1, s0  }
0xbe: {  	s0 =	sadd.s32 $0x8F2B, s0  }
0xbf: {  	[sflag:s0] =	ssyncadd.remote.s32 $0x1  }
0xc0: {  	_ =	sfence.sel $0xFFFF  }
0xc1: {  	[dreg:$0x0] =	wrdreg $0xFFFFFFFF;
	(pc) =	sbr.abs _section_cstart, $3  }
0xc2: {  	[dreg:$0x1] =	wrdreg $0xFFFFFFFF  }
0xc3: {  	_ =	task.clear_ibuf [dreg:s7], $0x2FFFF;
	_ =	strace $0x9FFFFFFF  }
0xc4: {  	(tm) =	ssettm $0x7FFFFFFF  }
0xc5: {  	_ =	shalt  }
tec
execute0_lowered:
.L_overlay_start_1:
0x0: {  	(tag) =	ssettag $0x1  }
0x1: {  	s0 =	rddreg [dreg:$0x0]  }
0x2: {  	s1 =	rddreg [dreg:$0x1]  }
0x3: {  	s3 =	srdreg.scid;
	s7 =	stileid.u32  }
0x4: {  	s2 =	rddreg [dreg:$0x2];
	s4 =	simm.s32 $0x0;
	s15 =	simm.s32 $0x4F00  }
0x5: {  	s17 =	simm.s32 $0xDF00;
	s18 =	simm.s32 $0x10680;
	s19 =	simm.s32 $0x12E00  }
0x6: {  	s20 =	simm.s32 $0x2;
	s21 =	simm.s32 $0x3;
	s22 =	simm.s32 $0x1  }
0x7: {  	s23 =	simm.s32 $0x100;
	s24 =	simm.s32 $0x9F00;
	s28 =	simm.s32 $0xBF00  }
0x8: {  	s29 =	simm.s32 $0xCF00;
	s30 =	simm.s32 $0x200;
	s16 =	simm.s32 $0x9B00  }
0x9: {  	s12 =	sand.u32 $0x1, s3;
	s11 =	smul.u32 $0x2780, s7;
	s3 =	rddreg [dreg:$0x3]  }
0xa: {  	s25 =	simm.s32 $0x9D00;
	[smem:$0x7FF] =	sst s4;
	s5 =	smul.u32 $0x27800, s12  }
0xb: {  	s6 =	sshll.u32 s12, $0x4;
	_ =	strace $0x8000004A;
	s26 =	ssub.s32 $0x2, s12  }
0xc: {  	p0 =	sne.s32 s12, $0x0;
	s12 =	simm.s32 $0x0;
	s6 =	sor.u32 s7, s6  }
0xd: {  	s31 =	sshrl.u32 s11, $0x3;
	s8 =	sshrl.u32 s26, $0x1;
	s10 =	sadd.s32 s11, s2  }
0xe: {  	s5 =	sadd.s32 s11, s5;
	s6 =	smul.u32 $0x2710, s6;
	s14 =	ssub.s32 s26, s8  }
0xf: {  	s11 =	sadd.s32 s11, s3;
	s26 =	simm.s32 $0xAF00;
	s5 =	sshrl.u32 s5, $0x3  }
0x10: {  	s13 =	sadd.s32 s5, s0;
	s6 =	sshrl.u32 s6, $0x3;
	s0 =	sadd.s32 s31, s0  }
0x11: {  	s14 =	smax.u32 s14, $0x1;
	s5 =	sadd.s32 s1, s6;
	s7 =	sadd.s32 $0x2000, s0  }
0x12: {  	s8 =	sadd.s32 $0x6F00, s0;
	s9 =	sadd.s32 $0xBE00, s0;
	s0 =	sadd.s32 $0x1AC00, s0  }
0x13: {  	v0 =	vimm.s32 $0x0;
	v1 =	vimm.s32 $0x2710;
	v2 =	vimm.f32 $0.0e+00;
	s13 =	sadd.s32 $0x10E00, s13;
	s6 =	sadd.s32 $0x9C40, s5;
	[dreg:$0x5] =	wrdreg s0  }
.LBB2_1:
0x14: {  	[tilespmem:$0x7610] =	vst v0  }
0x15: {  	[tilespmem:$0x7620] =	vst v0  }
0x16: {  	[tilespmem:$0x7630] =	vst v0  }
0x17: {  	[tilespmem:$0x7640] =	vst v0  }
0x18: {  	[tilespmem:$0x7650] =	vst v0  }
0x19: {  	[tilespmem:$0x7660] =	vst v0  }
0x1a: {  	[tilespmem:$0x7670] =	vst v0  }
0x1b: {  	[tilespmem:$0x7680] =	vst v0  }
0x1c: {  	[tilespmem:$0x7690] =	vst v0  }
0x1d: {  	[tilespmem:$0x76A0] =	vst v0  }
0x1e: {  	[tilespmem:$0x76B0] =	vst v0  }
0x1f: {  	[tilespmem:$0x76C0] =	vst v0  }
0x20: {  	[tilespmem:$0x76D0] =	vst v0  }
0x21: {  	[tilespmem:$0x76E0] =	vst v0  }
0x22: {  	[tilespmem:$0x76F0] =	vst v0  }
0x23: {  	[tilespmem:s15], [sflag:$0x1] =	stream.linear.gather [hbm4b:s5+s4], $0x2710, $0x38;
	[tilespmem:$0x15580] =	vst v63  }
0x24: {  	[tilespmem:$0x9E10] =	vst v1  }
0x25: {  	[tilespmem:$0x9E20] =	vst v1  }
0x26: {  	[tilespmem:$0x9E30] =	vst v1  }
0x27: {  	[tilespmem:$0x9E40] =	vst v1  }
0x28: {  	[tilespmem:$0x9E50] =	vst v1  }
0x29: {  	[tilespmem:$0x9E60] =	vst v1  }
0x2a: {  	[tilespmem:$0x9E70] =	vst v1  }
0x2b: {  	[tilespmem:$0x9E80] =	vst v1  }
0x2c: {  	[tilespmem:$0x9E90] =	vst v1  }
0x2d: {  	[tilespmem:$0x9EA0] =	vst v1  }
0x2e: {  	[tilespmem:$0x9EB0] =	vst v1  }
0x2f: {  	[tilespmem:$0x9EC0] =	vst v1  }
0x30: {  	[tilespmem:$0x9ED0] =	vst v1  }
0x31: {  	[tilespmem:$0x9EE0] =	vst v1  }
0x32: {  	s0 =	simm.s32 $0x7700;
	[tilespmem:$0x9EF0] =	vst v1  }
0x33: {  	[tilespmem:s0], [sflag:$0x1] =	stream.linear.gather [hbm4b:s6+s4], $0x2710, $0x38;
	[tilespmem:$0x15580] =	vst v63  }
0x34: {  	_ = 	snop  }
0x35: {  	[tilespmem:s17], [sflag:$0x2] =	stream.linear.gather [hbm4b:s7+s4], $0x2780, $0x38;
	[tilespmem:$0x15580] =	vst v63  }
0x36: {  	_ = 	snop  }
0x37: {  	[tilespmem:s18], [sflag:$0x2] =	stream.linear.gather [hbm4b:s8+s4], $0x2780, $0x38;
	[tilespmem:$0x15580] =	vst v63  }
0x38: {  	_ = 	snop  }
0x39: {  	[tilespmem:s19], [sflag:$0x2] =	stream.linear.gather [hbm4b:s9+s4], $0x2780, $0x38;
	[tilespmem:$0x15580] =	vst v63  }
0x3a: {  	_ =	swait.ge [sflag:s20], $0x2780  }
0x3b: {  	[sflag:s20] =	ssyncset.done $0x0  }
0x3c: {  	[sflag:s20] =	ssyncadd.s32 $0xFFFFD880  }
0x3d: {  	_ =	swait.ge [sflag:s20], $0x2780  }
0x3e: {  	[sflag:s20] =	ssyncset.done $0x0  }
0x3f: {  	[sflag:s20] =	ssyncadd.s32 $0xFFFFD880  }
0x40: {  	_ =	swait.ge [sflag:s20], $0x2780  }
0x41: {  	[sflag:s20] =	ssyncset.done $0x0  }
0x42: {  	s31 =	simm.s32 $0x0;
	[sflag:s20] =	ssyncadd.s32 $0xFFFFD880  }
0x43: {  	v3 =	vld [tilespmem:s31+$0xDF20]  }
0x44: {  	v4 =	vld [tilespmem:s31+$0x106A0]  }
0x45: {  	v5 =	vld [tilespmem:s31+$0xDF50]  }
0x46: {  	v6 =	vld [tilespmem:s31+$0x106D0];
	_ =	sdelay $0x3  }
0x47: {  	v3 =	vadd.f32 v4, v3  }
0x48: {  	v4 =	vld [tilespmem:s31+$0x10680];
	v5 =	vadd.f32 v6, v5  }
0x49: {  	v6 =	vld [tilespmem:s31+$0xDF00];
	v3 =	vadd.f32 $1.000000000e+00, v3  }
0x4a: {  	v5 =	vadd.f32 $1.000000000e+00, v5  }
0x4b: {  	v10 =	vld [tilespmem:s31+$0xDF30];
	v7 =	vshrl.u32 v3, $0x1;
	v8 =	vmul.f32 $5.000000000e-01, v3  }
0x4c: {  	v12 =	vld [tilespmem:s31+$0xDF40];
	v11 =	vshrl.u32 v5, $0x1;
	v5 =	vmul.f32 $5.000000000e-01, v5;
	v3 =	vsub.s32 $0x5F3759DF, v7  }
0x4d: {  	v7 =	vld [tilespmem:s31+$0x106B0];
	v11 =	vsub.s32 $0x5F3759DF, v11;
	v9 =	vmul.f32 v3, v8  }
0x4e: {  	v4 =	vadd.f32 v4, v6;
	v6 =	vld [tilespmem:s31+$0x106C0];
	v13 =	vmul.f32 v11, v5  }
0x4f: {  	v9 =	vmul.f32 v3, v9  }
0x50: {  	v13 =	vmul.f32 v11, v13  }
0x51: {  	v4 =	vadd.f32 $1.000000000e+00, v4;
	v9 =	vsub.f32 $1.500000000e+00, v9  }
0x52: {  	v7 =	vadd.f32 v7, v10;
	v10 =	vld [tilespmem:s31+$0x106F0];
	v13 =	vsub.f32 $1.500000000e+00, v13  }
0x53: {  	v6 =	vadd.f32 v6, v12;
	v12 =	vld [tilespmem:s31+$0xDF70];
	v9 =	vmul.f32 v3, v9  }
0x54: {  	v17 =	vld [tilespmem:s31+$0x10690];
	v3 =	vmul.f32 $5.000000000e-01, v4;
	v4 =	vshrl.u32 v4, $0x1;
	v11 =	vmul.f32 v11, v13  }
0x55: {  	v19 =	vld [tilespmem:s31+$0xDF10];
	v14 =	vsub.s32 $0x5F3759DF, v4;
	v4 =	vadd.f32 $1.000000000e+00, v7;
	v8 =	vmul.f32 v9, v8  }
0x56: {  	v6 =	vadd.f32 $1.000000000e+00, v6;
	v7 =	vmul.f32 v14, v3;
	v18 =	vmul.f32 v11, v5  }
0x57: {  	v15 =	vld [tilespmem:s31+$0x12E20];
	v16 =	vshrl.u32 v4, $0x1;
	v4 =	vmul.f32 $5.000000000e-01, v4;
	v8 =	vmul.f32 v8, v9  }
0x58: {  	v20 =	vld [tilespmem:s31+$0xDF60];
	v10 =	vadd.f32 v10, v12;
	v5 =	vsub.s32 $0x5F3759DF, v16;
	v16 =	vshrl.u32 v6, $0x1  }
0x59: {  	v13 =	vld [tilespmem:s31+$0x12E50];
	v18 =	vmul.f32 v18, v11;
	v12 =	vmul.f32 v5, v4;
	v8 =	vsub.f32 $1.500000000e+00, v8  }
0x5a: {  	v17 =	vadd.f32 v17, v19;
	v21 =	vmul.f32 v14, v7;
	v7 =	vsub.s32 $0x5F3759DF, v16;
	v16 =	vld [tilespmem:s31+$0x106E0]  }
0x5b: {  	v18 =	vsub.f32 $1.500000000e+00, v18;
	v12 =	vmul.f32 v5, v12;
	v8 =	vmul.f32 v8, v9  }
0x5c: {  	v21 =	vsub.f32 $1.500000000e+00, v21;
	v9 =	vadd.f32 $1.000000000e+00, v10;
	v10 =	vmul.f32 $5.000000000e-01, v6  }
0x5d: {  	v11 =	vmul.f32 v18, v11;
	v12 =	vsub.f32 $1.500000000e+00, v12;
	v15 =	vmul.f32 v8, v15  }
0x5e: {  	v6 =	vmul.f32 $5.000000000e-01, v9;
	[tilespmem:s31+$0x106A0] =	vst v8;
	v62 =	vmul.f32 v7, v10;
	v63 =	vshrl.u32 v9, $0x1  }
0x5f: {  	v8 =	vmul.f32 v14, v21;
	v9 =	vmul.f32 v11, v13;
	v14 =	vadd.f32 v16, v20;
	[tilespmem:s31+$0x106D0] =	vst v11  }
0x60: {  	s1 =	simm.s32 $0x200;
	v13 =	vadd.f32 $1.000000000e+00, v17;
	v11 =	vsub.s32 $0x5F3759DF, v63;
	[tilespmem:s31+$0xDF20] =	vst v15;
	v15 =	vmul.f32 v7, v62  }
.LBB2_2:
0x61: {  	s0 =	sshra.s32 s1, $0x2;
	p1 =	sne.s32 s1, $0x9C00;
	s1 =	sadd.s32 $0x200, s1;
	v3 =	vmul.f32 v8, v3;
	v16 =	vmul.f32 v11, v6  }
0x62: {  	v14 =	vadd.f32 $1.000000000e+00, v14;
	v17 =	vmul.f32 $5.000000000e-01, v13;
	v15 =	vsub.f32 $1.500000000e+00, v15  }
0x63: {  	v5 =	vmul.f32 v5, v12;
	v13 =	vshrl.u32 v13, $0x1;
	v18 =	vld [tilespmem:s0+$0xDF20];
	v12 =	vmul.f32 v11, v16  }
0x64: {  	v3 =	vmul.f32 v3, v8;
	v16 =	vld [tilespmem:s0+$0x106A0];
	v7 =	vmul.f32 v7, v15;
	v15 =	vshrl.u32 v14, $0x1  }
0x65: {  	v13 =	vsub.s32 $0x5F3759DF, v13;
	v14 =	vmul.f32 $5.000000000e-01, v14;
	v12 =	vsub.f32 $1.500000000e+00, v12  }
0x66: {  	v19 =	vmul.f32 v13, v17;
	v15 =	vsub.s32 $0x5F3759DF, v15;
	v10 =	vmul.f32 v7, v10  }
0x67: {  	v4 =	vmul.f32 v5, v4;
	v3 =	vsub.f32 $1.500000000e+00, v3;
	v20 =	vld [tilespmem:s31+$0x12E00];
	v11 =	vmul.f32 v11, v12  }
0x68: {  	v12 =	vmul.f32 v15, v14;
	v10 =	vmul.f32 v10, v7  }
0x69: {  	v4 =	vmul.f32 v4, v5;
	v21 =	vld [tilespmem:s31+$0x12E40];
	[tilespmem:s31+$0xDF50] =	vst v9;
	v6 =	vmul.f32 v11, v6  }
0x6a: {  	v3 =	vmul.f32 v3, v8;
	v8 =	vld [tilespmem:s31+$0x12E30];
	v9 =	vsub.f32 $1.500000000e+00, v10;
	v10 =	vmul.f32 v15, v12  }
0x6b: {  	v19 =	vmul.f32 v13, v19;
	v4 =	vsub.f32 $1.500000000e+00, v4;
	v12 =	vld [tilespmem:s0+$0xDF50];
	v6 =	vmul.f32 v6, v11  }
0x6c: {  	v16 =	vadd.f32 v16, v18;
	v18 =	vld [tilespmem:s0+$0x106D0];
	v20 =	vmul.f32 v3, v20;
	[tilespmem:s31+$0x10680] =	vst v3;
	v3 =	vmul.f32 v9, v7  }
0x6d: {  	v4 =	vmul.f32 v4, v5;
	v5 =	vsub.f32 $1.500000000e+00, v10;
	v6 =	vsub.f32 $1.500000000e+00, v6;
	v7 =	vld [tilespmem:s31+$0x12E70]  }
0x6e: {  	v10 =	vadd.f32 $1.000000000e+00, v16;
	v16 =	vsub.f32 $1.500000000e+00, v19;
	v9 =	vld [tilespmem:s0+$0x10680];
	[tilespmem:s31+$0xDF00] =	vst v20  }
0x6f: {  	v19 =	vld [tilespmem:s0+$0xDF00];
	v8 =	vmul.f32 v4, v8;
	[tilespmem:s31+$0x106B0] =	vst v4;
	v4 =	vmul.f32 v3, v21  }
0x70: {  	v20 =	vshrl.u32 v10, $0x1;
	v13 =	vmul.f32 v13, v16;
	v21 =	vld [tilespmem:s0+$0x106B0];
	[tilespmem:s31+$0x106C0] =	vst v3;
	v3 =	vmul.f32 v6, v11  }
0x71: {  	v5 =	vmul.f32 v15, v5;
	v6 =	vadd.f32 v18, v12;
	[tilespmem:s31+$0xDF30] =	vst v8  }
0x72: {  	v10 =	vmul.f32 $5.000000000e-01, v10;
	v8 =	vsub.s32 $0x5F3759DF, v20;
	v12 =	vmul.f32 v13, v17;
	v11 =	vld [tilespmem:s0+$0xDF30];
	[tilespmem:s31+$0xDF40] =	vst v4  }
0x73: {  	v14 =	vmul.f32 v5, v14;
	v7 =	vmul.f32 v3, v7;
	v4 =	vld [tilespmem:s0+$0xDF40];
	v6 =	vadd.f32 $1.000000000e+00, v6;
	[tilespmem:s31+$0x106F0] =	vst v3  }
0x74: {  	v12 =	vmul.f32 v12, v13;
	v3 =	vadd.f32 v9, v19;
	v9 =	vmul.f32 v8, v10;
	v15 =	vld [tilespmem:s0+$0x106C0]  }
0x75: {  	v14 =	vmul.f32 v14, v5;
	v16 =	vshrl.u32 v6, $0x1;
	v6 =	vmul.f32 $5.000000000e-01, v6  }
0x76: {  	v17 =	vadd.f32 $1.000000000e+00, v3;
	v9 =	vmul.f32 v8, v9;
	v16 =	vsub.s32 $0x5F3759DF, v16;
	v18 =	vld [tilespmem:s31+$0x12E60]  }
0x77: {  	v14 =	vsub.f32 $1.500000000e+00, v14;
	v11 =	vadd.f32 v21, v11;
	v19 =	vmul.f32 v16, v6;
	v20 =	vld [tilespmem:s31+$0x12E10]  }
0x78: {  	v12 =	vsub.f32 $1.500000000e+00, v12;
	v3 =	vmul.f32 $5.000000000e-01, v17;
	v9 =	vsub.f32 $1.500000000e+00, v9;
	v21 =	vld [tilespmem:s0+$0x106F0]  }
0x79: {  	v17 =	vshrl.u32 v17, $0x1;
	v4 =	vadd.f32 v15, v4;
	v15 =	vmul.f32 v16, v19;
	[tilespmem:s31+$0xDF70] =	vst v7  }
0x7a: {  	v17 =	vsub.s32 $0x5F3759DF, v17;
	v8 =	vmul.f32 v8, v9;
	v7 =	vld [tilespmem:s0+$0xDF70];
	v9 =	vmul.f32 v12, v13  }
0x7b: {  	v11 =	vadd.f32 $1.000000000e+00, v11;
	v12 =	vmul.f32 v17, v3;
	v13 =	vsub.f32 $1.500000000e+00, v15  }
0x7c: {  	v15 =	vadd.f32 $1.000000000e+00, v4;
	v4 =	vmul.f32 v14, v5;
	v10 =	vmul.f32 v8, v10;
	[tilespmem:s31+$0x10690] =	vst v9  }
0x7d: {  	v5 =	vshrl.u32 v11, $0x1;
	v9 =	vmul.f32 v9, v20;
	v13 =	vmul.f32 v16, v13;
	v14 =	vld [tilespmem:s0+$0x12E50]  }
0x7e: {  	v5 =	vsub.s32 $0x5F3759DF, v5;
	v18 =	vmul.f32 v4, v18;
	v10 =	vmul.f32 v10, v8;
	v16 =	vld [tilespmem:s0+$0x12E20];
	[tilespmem:s31+$0x106E0] =	vst v4  }
0x7f: {  	v4 =	vmul.f32 $5.000000000e-01, v11;
	v11 =	vshrl.u32 v15, $0x1;
	v19 =	vld [tilespmem:s0+$0x10690];
	v6 =	vmul.f32 v13, v6;
	[tilespmem:s31+$0xDF10] =	vst v9  }
0x80: {  	v9 =	vmul.f32 v17, v12;
	v20 =	vadd.f32 v21, v7;
	v12 =	vld [tilespmem:s0+$0xDF10];
	v10 =	vsub.f32 $1.500000000e+00, v10;
	[tilespmem:s31+$0xDF60] =	vst v18;
	s31 =	smov.u32 s0  }
0x81: {  	v7 =	vsub.s32 $0x5F3759DF, v11;
	v18 =	vmul.f32 v5, v4;
	v6 =	vmul.f32 v6, v13;
	v11 =	vld [tilespmem:s31+$0xDF60]  }
0x82: {  	v20 =	vadd.f32 $1.000000000e+00, v20;
	v8 =	vmul.f32 v10, v8;
	v21 =	vld [tilespmem:s31+$0x106E0]  }
0x83: {  	v18 =	vmul.f32 v5, v18;
	v6 =	vsub.f32 $1.500000000e+00, v6  }
.Ltmp0:
0x84: {  	v9 =	vsub.f32 $1.500000000e+00, v9;
	v10 =	vmul.f32 $5.000000000e-01, v15;
	v16 =	vmul.f32 v8, v16;
	[tilespmem:s31+$0x106A0] =	vst v8;
	(pc) =	sbr.rel @p1 .LBB2_2-.Ltmp0, $4  }
0x85: {  	v15 =	vadd.f32 v19, v12;
	v13 =	vmul.f32 v6, v13;
	v6 =	vmul.f32 $5.000000000e-01, v20  }
0x86: {  	v12 =	vsub.f32 $1.500000000e+00, v18;
	v18 =	vshrl.u32 v20, $0x1;
	[tilespmem:s31+$0xDF20] =	vst v16;
	v16 =	vmul.f32 v7, v10  }
0x87: {  	v8 =	vmul.f32 v17, v9;
	v9 =	vmul.f32 v13, v14;
	[tilespmem:s31+$0x106D0] =	vst v13;
	v14 =	vadd.f32 v21, v11  }
0x88: {  	v13 =	vadd.f32 $1.000000000e+00, v15;
	v11 =	vsub.s32 $0x5F3759DF, v18;
	v15 =	vmul.f32 v7, v16  }
0x89: {  	v16 =	vmul.f32 v11, v6  }
0x8a: {  	v3 =	vmul.f32 v8, v3;
	v14 =	vadd.f32 $1.000000000e+00, v14;
	v5 =	vmul.f32 v5, v12  }
0x8b: {  	v17 =	vmul.f32 $5.000000000e-01, v13;
	v15 =	vsub.f32 $1.500000000e+00, v15;
	v46 =	vshrl.u32 v13, $0x1  }
0x8c: {  	v45 =	vmul.f32 v11, v16;
	v3 =	vmul.f32 v3, v8;
	v47 =	vshrl.u32 v14, $0x1  }
0x8d: {  	v14 =	vmul.f32 $5.000000000e-01, v14;
	v13 =	vsub.s32 $0x5F3759DF, v46;
	v4 =	vmul.f32 v5, v4  }
0x8e: {  	v7 =	vmul.f32 v7, v15;
	v18 =	vmul.f32 v13, v17  }
0x8f: {  	v48 =	vld [tilespmem:s31+$0x12E00];
	v15 =	vsub.s32 $0x5F3759DF, v47;
	v12 =	vsub.f32 $1.500000000e+00, v45;
	v4 =	vmul.f32 v4, v5  }
0x90: {  	v3 =	vsub.f32 $1.500000000e+00, v3;
	v51 =	vmul.f32 v15, v14;
	v10 =	vmul.f32 v7, v10  }
0x91: {  	v18 =	vmul.f32 v13, v18;
	v49 =	vmul.f32 v11, v12  }
0x92: {  	[tilespmem:s31+$0xDF50] =	vst v9;
	v52 =	vld [tilespmem:s31+$0x12E30];
	v3 =	vmul.f32 v3, v8;
	v9 =	vmul.f32 v15, v51  }
0x93: {  	v4 =	vsub.f32 $1.500000000e+00, v4;
	v10 =	vmul.f32 v10, v7;
	v55 =	vsub.f32 $1.500000000e+00, v18  }
0x94: {  	v53 =	vmul.f32 v49, v6;
	v16 =	vmul.f32 v3, v48;
	v9 =	vsub.f32 $1.500000000e+00, v9  }
0x95: {  	v4 =	vmul.f32 v4, v5;
	v56 =	vmul.f32 v13, v55  }
0x96: {  	v50 =	vld [tilespmem:s31+$0x12E40];
	[tilespmem:s31+$0x10680] =	vst v3;
	v3 =	vmul.f32 v53, v49;
	v58 =	vmul.f32 v15, v9  }
0x97: {  	v54 =	vld [tilespmem:s31+$0x12E70];
	v10 =	vsub.f32 $1.500000000e+00, v10;
	v8 =	vmul.f32 v4, v52;
	v59 =	vmul.f32 v56, v17  }
0x98: {  	[tilespmem:s31+$0xDF00] =	vst v16;
	v3 =	vsub.f32 $1.500000000e+00, v3;
	v60 =	vmul.f32 v58, v14  }
0x99: {  	v7 =	vmul.f32 v10, v7;
	[tilespmem:s31+$0xDF30] =	vst v8;
	v8 =	vmul.f32 v59, v56  }
0x9a: {  	v61 =	vld [tilespmem:s31+$0x12E10];
	[tilespmem:s31+$0x106B0] =	vst v4;
	v3 =	vmul.f32 v3, v49;
	v6 =	vmul.f32 v60, v58  }
0x9b: {  	v62 =	vld [tilespmem:s31+$0x12E60];
	v57 =	vmul.f32 v7, v50;
	[tilespmem:s31+$0x106C0] =	vst v7;
	v8 =	vsub.f32 $1.500000000e+00, v8  }
0x9c: {  	[tilespmem:s31+$0x106F0] =	vst v3;
	v3 =	vmul.f32 v3, v54;
	v63 =	vsub.f32 $1.500000000e+00, v6  }
0x9d: {  	[tilespmem:s31+$0xDF40] =	vst v57;
	v4 =	vmul.f32 v8, v56  }
0x9e: {  	[tilespmem:s31+$0xDF70] =	vst v3;
	v3 =	vmul.f32 v63, v58  }
0x9f: {  	[tilespmem:s31+$0x10690] =	vst v4;
	v4 =	vmul.f32 v4, v61  }
0xa0: {  	v5 =	vmul.f32 v3, v62;
	[tilespmem:s31+$0x106E0] =	vst v3  }
0xa1: {  	[tilespmem:s31+$0xDF10] =	vst v4  }
.Ltmp1:
0xa2: {  	[tilespmem:s31+$0xDF60] =	vst v5;
	(pc) =	sbr.rel @p0 .LBB2_5-.Ltmp1, $4  }
0xa3: {  	[spmem:s10] =	stream.linear.scatter [tilespmem:s17], [sflag:$0x3], $0x2780, $0x38;
	[tilespmem:$0x15580] =	vst v63  }
0xa4: {  	_ =	swait.ge [sflag:s21], $0x2780  }
0xa5: {  	[sflag:s21] =	ssyncset.done $0x0  }
0xa6: {  	[sflag:s21] =	ssyncadd.s32 $0xFFFFD880  }
0xa7: {  	[spmem:s11] =	stream.linear.scatter [tilespmem:s17], [sflag:$0x3], $0x2780, $0x38;
	[tilespmem:$0x15580] =	vst v63  }
.Ltmp2:
0xa8: {  	_ = 	snop;
	(pc) =	sbr.rel .LBB2_8-.Ltmp2, $4  }
0xa9: {  	_ =	swait.ge [sflag:s21], $0x2780  }
0xaa: {  	[sflag:s21] =	ssyncset.done $0x0  }
0xab: {  	s0 =	rddreg [dreg:$0x5];
	[sflag:s21] =	ssyncadd.s32 $0xFFFFD880  }
0xac: {  	[hbm4b:s0+s4] =	stream.linear.scatter [tilespmem:s18], [sflag:$0x3], $0x2780, $0x38;
	[tilespmem:$0x15580] =	vst v63  }
.LBB2_5:
0xad: {  	s0 =	simm.s32 $0x40;
	s1 =	simm.s32 $0x0  }
.LBB2_6:
0xae: {  	p1 =	sne.s32 s0, $0x9DC0;
	[tilespmem:s1+$0x12E00] =	vst v2;
	s1 =	smov.u32 s0;
	s0 =	sadd.s32 $0x40, s0  }
.Ltmp3:
0xaf: {  	(pc) =	sbr.rel @p1 .LBB2_6-.Ltmp3, $2  }
0xb0: {  	_ =	sdelay $0x2  }
0xb1: {  	s1 =	sshra.s32 s1, $0x2  }
0xb2: {  	[tilespmem:s1+$0x12E00] =	vst v2  }
0xb3: {  	[spmem:s11] =	stream.linear.scatter [tilespmem:s19], [sflag:$0x3], $0x2780, $0x38;
	[tilespmem:$0x15580] =	vst v63  }
.LBB2_8:
0xb4: {  	_ =	swait.ge [sflag:s21], $0x2780  }
0xb5: {  	[sflag:s21] =	ssyncset.done $0x0  }
0xb6: {  	[sflag:s21] =	ssyncadd.s32 $0xFFFFD880  }
0xb7: {  	_ =	swait.ge [sflag:s22], $0x2710  }
0xb8: {  	[sflag:s22] =	ssyncset.done $0x0  }
0xb9: {  	[sflag:s22] =	ssyncadd.s32 $0xFFFFD8F0  }
0xba: {  	_ =	swait.ge [sflag:s22], $0x2710  }
0xbb: {  	[sflag:s22] =	ssyncset.done $0x0  }
0xbc: {  	[sflag:s22] =	ssyncadd.s32 $0xFFFFD8F0  }
0xbd: {  	[bflag:$0x0] =	sbarrier.arrive $0xFFFF  }
0xbe: {  	[tilespmem:s24], [sflag:$0x1] =	stream.indirect.gather [spmem:s2], $0x10, s15, s23, $0xb8;
	[tilespmem:$0x15580] =	vst v63  }
0xbf: {  	s0 =	simm.s32 $0x5000  }
0xc0: {  	[tilespmem:s26], [sflag:$0x1] =	stream.indirect.gather [spmem:s2], $0x10, s0, s23, $0xb8;
	[tilespmem:$0x15580] =	vst v63  }
0xc1: {  	_ =	swait.ge [sflag:s22], $0x1000  }
0xc2: {  	[sflag:s22] =	ssyncset.done $0x0  }
0xc3: {  	[sflag:s22] =	ssyncadd.s32 $0xFFFFF000  }
0xc4: {  	_ =	swait.ge [sflag:s22], $0x1000  }
0xc5: {  	[sflag:s22] =	ssyncset.done $0x0  }
0xc6: {  	s1 =	simm.s32 $0x5100;
	[sflag:s22] =	ssyncadd.s32 $0xFFFFF000  }
0xc7: {  	[tilespmem:s28], [sflag:$0x2] =	stream.indirect.gather [spmem:s2], $0x10, s1, s23, $0xb8;
	[tilespmem:$0x15580] =	vst v63  }
0xc8: {  	s31 =	simm.s32 $0x5200  }
0xc9: {  	[tilespmem:s29], [sflag:$0x2] =	stream.indirect.gather [spmem:s2], $0x10, s31, s23, $0xb8;
	[tilespmem:$0x15580] =	vst v63  }
0xca: {  	s1 =	simm.s32 $0x7700  }
0xcb: {  	[spmem:s3] =	stream.indirect.scatter.add.f32 [tilespmem:s24], [sflag:$0x3], $0x10, s1, s30, $0xb8;
	[tilespmem:$0x15580] =	vst v63  }
0xcc: {  	_ =	swait.ge [sflag:s21], $0x2000  }
0xcd: {  	[sflag:s21] =	ssyncset.done $0x0  }
0xce: {  	[sflag:s21] =	ssyncadd.s32 $0xFFFFE000  }
0xcf: {  	_ =	swait.ge [sflag:s20], $0x1000  }
0xd0: {  	[sflag:s20] =	ssyncset.done $0x0  }
0xd1: {  	[sflag:s20] =	ssyncadd.s32 $0xFFFFF000  }
0xd2: {  	_ =	swait.ge [sflag:s20], $0x1000  }
0xd3: {  	[sflag:s20] =	ssyncset.done $0x0  }
0xd4: {  	s31 =	simm.s32 $0x5300;
	[sflag:s20] =	ssyncadd.s32 $0xFFFFF000  }
0xd5: {  	[tilespmem:s24], [sflag:$0x1] =	stream.indirect.gather [spmem:s2], $0x10, s31, s23, $0xb8;
	[tilespmem:$0x15580] =	vst v63  }
0xd6: {  	s1 =	simm.s32 $0x5400  }
0xd7: {  	[tilespmem:s26], [sflag:$0x1] =	stream.indirect.gather [spmem:s2], $0x10, s1, s23, $0xb8;
	[tilespmem:$0x15580] =	vst v63  }
0xd8: {  	s31 =	simm.s32 $0x7900  }
0xd9: {  	[spmem:s3] =	stream.indirect.scatter.add.f32 [tilespmem:s28], [sflag:$0x3], $0x10, s31, s30, $0xb8;
	[tilespmem:$0x15580] =	vst v63  }
0xda: {  	_ =	swait.ge [sflag:s21], $0x2000  }
0xdb: {  	s0 =	simm.s32 $0x1000;
	[sflag:s21] =	ssyncset.done $0x0  }
.LBB2_9:
0xdc: {  	p1 =	sne.s32 s0, $0x8000  }
0xdd: {  	[sflag:s21] =	ssyncadd.s32 $0xFFFFE000;
	s1 =	smov.u32 s0;
	s0 =	sadd.s32 $0x1000, s0  }
0xde: {  	_ = 	snop  }
0xdf: {  	_ =	swait.ge [sflag:s22], $0x1000  }
0xe0: {  	[sflag:s22] =	ssyncset.done $0x0  }
0xe1: {  	[sflag:s22] =	ssyncadd.s32 $0xFFFFF000  }
0xe2: {  	_ =	swait.ge [sflag:s22], $0x1000  }
0xe3: {  	s1 =	sshra.s32 s1, $0x2;
	[sflag:s22] =	ssyncset.done $0x0  }
0xe4: {  	s31 =	sadd.s32 $0x5100, s1;
	[sflag:s22] =	ssyncadd.s32 $0xFFFFF000  }
0xe5: {  	[tilespmem:s28], [sflag:$0x2] =	stream.indirect.gather [spmem:s2], $0x10, s31, s23, $0xb8;
	[tilespmem:$0x15580] =	vst v63  }
0xe6: {  	s31 =	sadd.s32 $0x5200, s1  }
0xe7: {  	[tilespmem:s29], [sflag:$0x2] =	stream.indirect.gather [spmem:s2], $0x10, s31, s23, $0xb8;
	[tilespmem:$0x15580] =	vst v63  }
0xe8: {  	s31 =	sadd.s32 $0x7700, s1  }
0xe9: {  	[spmem:s3] =	stream.indirect.scatter.add.f32 [tilespmem:s24], [sflag:$0x3], $0x10, s31, s30, $0xb8;
	[tilespmem:$0x15580] =	vst v63  }
0xea: {  	_ =	swait.ge [sflag:s21], $0x2000  }
0xeb: {  	[sflag:s21] =	ssyncset.done $0x0  }
0xec: {  	[sflag:s21] =	ssyncadd.s32 $0xFFFFE000  }
0xed: {  	_ =	swait.ge [sflag:s20], $0x1000  }
0xee: {  	[sflag:s20] =	ssyncset.done $0x0  }
0xef: {  	[sflag:s20] =	ssyncadd.s32 $0xFFFFF000  }
0xf0: {  	_ =	swait.ge [sflag:s20], $0x1000  }
0xf1: {  	[sflag:s20] =	ssyncset.done $0x0  }
0xf2: {  	s31 =	sadd.s32 $0x5300, s1;
	[sflag:s20] =	ssyncadd.s32 $0xFFFFF000  }
0xf3: {  	[tilespmem:s24], [sflag:$0x1] =	stream.indirect.gather [spmem:s2], $0x10, s31, s23, $0xb8;
	[tilespmem:$0x15580] =	vst v63  }
0xf4: {  	s31 =	sadd.s32 $0x5400, s1  }
0xf5: {  	[tilespmem:s26], [sflag:$0x1] =	stream.indirect.gather [spmem:s2], $0x10, s31, s23, $0xb8;
	[tilespmem:$0x15580] =	vst v63  }
.Ltmp4:
0xf6: {  	_ = 	snop;
	(pc) =	sbr.rel @p1 .LBB2_9-.Ltmp4, $4  }
0xf7: {  	s1 =	sadd.s32 $0x7900, s1  }
0xf8: {  	[spmem:s3] =	stream.indirect.scatter.add.f32 [tilespmem:s28], [sflag:$0x3], $0x10, s1, s30, $0xb8;
	[tilespmem:$0x15580] =	vst v63  }
0xf9: {  	_ =	swait.ge [sflag:s21], $0x2000  }
0xfa: {  	[sflag:s21] =	ssyncset.done $0x0  }
0xfb: {  	[sflag:s21] =	ssyncadd.s32 $0xFFFFE000  }
0xfc: {  	_ =	swait.ge [sflag:s22], $0x1000  }
0xfd: {  	[sflag:s22] =	ssyncset.done $0x0  }
0xfe: {  	[sflag:s22] =	ssyncadd.s32 $0xFFFFF000  }
0xff: {  	_ =	swait.ge [sflag:s22], $0x1000  }
0x100: {  	[sflag:s22] =	ssyncset.done $0x0  }
0x101: {  	s0 =	simm.s32 $0x7500;
	[sflag:s22] =	ssyncadd.s32 $0xFFFFF000  }
0x102: {  	[tilespmem:s28], [sflag:$0x2] =	stream.indirect.gather [spmem:s2], $0x10, s0, s23, $0xb8;
	[tilespmem:$0x15580] =	vst v63  }
0x103: {  	s1 =	simm.s32 $0x7600  }
0x104: {  	[tilespmem:s29], [sflag:$0x2] =	stream.indirect.gather [spmem:s2], $0x10, s1, s23, $0xb8;
	[tilespmem:$0x15580] =	vst v63  }
0x105: {  	_ = 	snop  }
0x106: {  	[spmem:s3] =	stream.indirect.scatter.add.f32 [tilespmem:s24], [sflag:$0x3], $0x10, s16, s30, $0xb8;
	[tilespmem:$0x15580] =	vst v63  }
0x107: {  	_ =	swait.ge [sflag:s21], $0x2000  }
0x108: {  	[sflag:s21] =	ssyncset.done $0x0  }
0x109: {  	[sflag:s21] =	ssyncadd.s32 $0xFFFFE000  }
0x10a: {  	_ =	swait.ge [sflag:s20], $0x1000  }
0x10b: {  	[sflag:s20] =	ssyncset.done $0x0  }
0x10c: {  	[sflag:s20] =	ssyncadd.s32 $0xFFFFF000  }
0x10d: {  	_ =	swait.ge [sflag:s20], $0x1000  }
0x10e: {  	[sflag:s20] =	ssyncset.done $0x0  }
0x10f: {  	[sflag:s20] =	ssyncadd.s32 $0xFFFFF000  }
0x110: {  	[spmem:s3] =	stream.indirect.scatter.add.f32 [tilespmem:s28], [sflag:$0x3], $0x10, s25, s30, $0xb8;
	[tilespmem:$0x15580] =	vst v63  }
0x111: {  	s31 =	stileid.u32;
	_ =	swait.ge [sflag:s21], $0x2000  }
0x112: {  	s12 =	sadd.s32 $0x1, s12;
	s0 =	sshll.u32 s31, $0x6;
	[sflag:s21] =	ssyncset.done $0x0  }
0x113: {  	p1 =	sne.s32 s12, s14;
	s0 =	sor.u32 $0x1C03, s0;
	[sflag:s21] =	ssyncadd.s32 $0xFFFFE000  }
.Ltmp5:
0x114: {  	s1 =	sshrl.u32 s11, $0x3;
	[bflag:$0x0] =	sbarrier.arrive $0xFFFF;
	(pc) =	sbr.rel @p1 .LBB2_1-.Ltmp5, $4  }
0x115: {  	[hbm:s13], [sflag:s0] =	dma.local [spmem:s1], $0x4F0  }
0x116: {  	_ =	swait.ge [sflag:s21], $0x4F0  }
0x117: {  	[sflag:s21] =	ssyncset.done $0x0  }
0x118: {  	[sflag:s21] =	ssyncadd.s32 $0xFFFFFB10  }
0x119: {  	_ =	sfence.sel $0x180000  }
0x11a: {  	[bflag:$0x0] =	sbarrier.arrive $0xFFFF  }
0x11b: {  	_ =	strace $0x9000004A  }
0x11c: {  	s0 =	stileid.u32;
	[bflag:$0x2] =	sbarrier.arrive $0xFFFF  }
0x11d: {  	p0 =	sne.s32 s0, $0x0;
	s0 =	rddreg [dreg:$0x4]  }
0x11e: {  	s0 =	sadd.s32 @!p0 $0x100000, s0  }
0x11f: {  	[sflag:s0] =	ssyncadd.tile.s32 @!p0 $0x1;
	_ =	shalt  }
.Lfunc_end2:
_tile_overlayer_lowered:
.L_overlay_start_2:
0x120: {  	(tag) =	ssettag $0x2  }
0x121: {  	s0 =	rddreg [dreg:$0x0];
	s2 =	stileid.u32  }
0x122: {  	s1 =	rddreg [dreg:$0x1];
	p0 =	sne.s32 s2, $0x0  }
0x123: {  	s3 =	rddreg [dreg:$0x2];
	[bflag:$0x3] =	sbarrier.arrive $0xFFFF;
	s2 =	simm.s32 @!p0 $0x1C03  }
0x124: {  	[timem:s3], [sflag:s2] =	dma.local @!p0 [hbm:s0], s1  }
0x125: {  	s0 =	simm.s32 @!p0 $0x3  }
0x126: {  	_ =	swait.ge @!p0 [sflag:s0], s1  }
0x127: {  	s1 =	ssub.s32 @!p0 $0x0, s1;
	[sflag:s0] =	ssyncset.done @!p0 $0x0  }
0x128: {  	[sflag:s0] =	ssyncadd.s32 @!p0 s1  }
0x129: {  	[bflag:$0x3] =	sbarrier.arrive $0xFFFF  }
0x12a: {  	_ =	shalt  }

// kernel: kernel.13.cloned.1.call-start
scs
__scs_entry_jumppad:
0x0: {  	(pc) =	sbr.rel $0x88, $3  }
0x1: {  	(tag) =	ssettag $0x0;
	lr =	simm.s32 $0x1  }
0x2: {  	[smem:$0x3F9B] =	sst lr;
	_ =	strace $0xD0000000  }
0x3: {  	_ = 	snop  }
0x4: {  	_ = 	snop  }
0x5: {  	_ = 	snop  }
0x6: {  	_ = 	snop  }
0x7: {  	_ = 	snop  }
__scs_overlays_trampoline_lowered:
0x8: {  	[smem:$0x3FAA] =	sst s0  }
0x9: {  	[smem:$0x3FAB] =	sst s1  }
0xa: {  	[smem:$0x3FAC] =	sst s2  }
0xb: {  	[smem:$0x3FAD] =	sst s3  }
0xc: {  	[smem:$0x3FAE] =	sst s4  }
0xd: {  	[smem:$0x3FAF] =	sst s5  }
0xe: {  	[smem:$0x3FB0] =	sst s6  }
0xf: {  	[smem:$0x3FB1] =	sst s7  }
0x10: {  	[smem:$0x3FB2] =	sst s8  }
0x11: {  	[smem:$0x3FB3] =	sst s9;
	s0 =	simm.s32 @!p0 $0x0  }
0x12: {  	s1 =	sld [smem:$0x3F99];
	s0 =	simm.s32 @p0 $0x1  }
0x13: {  	[smem:$0x3FB4] =	sst s0;
	s0 =	simm.s32 @!p1 $0x0  }
0x14: {  	s2 =	sld [smem:$0x3F98];
	s0 =	simm.s32 @p1 $0x1  }
0x15: {  	[smem:$0x3FB5] =	sst s0;
	s0 =	simm.s32 @!p2 $0x0  }
0x16: {  	s3 =	sld [smem:$0x3FDB];
	s0 =	simm.s32 @p2 $0x1  }
0x17: {  	s4 =	simm.s32 $0x1BF5;
	[smem:$0x3FB7] =	sst s0  }
0x18: {  	s0 =	sld [smem:$0x3F9A];
	_ =	swait.ge [sflag:s4], $0x0  }
0x19: {  	s7 =	sld [smem:$0x3F9B]  }
0x1a: {  	s8 =	sadd.s32 $0xFFFFE003, lr  }
0x1b: {  	s9 =	sadd.s32 $0xFFFFFEF7, lr;
	s5 =	simm.s32 $0xFFFFFFFF;
	p2 =	slt.u32 s8, $0xFFFFF086  }
0x1c: {  	p1 =	slt.u32 s9, $0xF7A;
	s5 =	simm.s32 @!p2 $0x0  }
0x1d: {  	s5 =	simm.s32 @p1 $0x1;
	p0 =	seq.s32 s7, s2  }
0x1e: {  	s7 =	smul.u32 @!p0 $0xF7A, s2;
	p2 =	seq.s32 @!p0 s5, $0x0  }
0x1f: {  	s9 =	smul.u32 $0xF7A, s1;
	s8 =	simm.s32 @!p0 $0x1BF5;
	p2 =	por !p2, p0  }
0x20: {  	[sflag:s8] =	ssyncset.s32 @!p0 $0xFFFFF086;
	s6 =	sadd.s32 @!p0 s3, s7;
	s7 =	simm.s32 @!p0 $0x108  }
0x21: {  	s3 =	sadd.s32 s3, s9;
	s6 =	sadd.s32 @!p0 $0x88, s6;
	s7 =	simm.s32 @p2 $0x1082  }
0x22: {  	[simem:s7], [sflag:s8] =	dma.local @!p0 [hbm:s6], $0xF7A  }
0x23: {  	s9 =	sor.u32 $0xD0000000, s2;
	s6 =	simm.s32 $0x108;
	_ =	swait.ge @!p0 [sflag:s8], $0x0  }
0x24: {  	s3 =	sadd.s32 $0x88, s3;
	s6 =	simm.s32 @!p1 $0x1082;
	[sflag:s4] =	ssyncset.s32 $0xFFFFF086  }
0x25: {  	[simem:s6], [sflag:s4] =	dma.local [hbm:s3], $0xF7A  }
0x26: {  	[smem:$0x3F9B] =	sst s1;
	(tag) =	ssettag s2;
	_ =	strace s9  }
0x27: {  	s1 =	sld [smem:$0x3FAB]  }
0x28: {  	s2 =	sld [smem:$0x3FAC]  }
0x29: {  	s4 =	sld [smem:$0x3FAE]  }
0x2a: {  	p0 =	seq.s32 s5, $0x0;
	s5 =	sld [smem:$0x3FAF]  }
0x2b: {  	s6 =	sld [smem:$0x3FB0]  }
0x2c: {  	s7 =	sld [smem:$0x3FB1]  }
0x2d: {  	s3 =	simm.s32 $0x108;
	s8 =	sld [smem:$0x3FB2]  }
0x2e: {  	s3 =	simm.s32 @!p0 $0x1082;
	s9 =	sld [smem:$0x3FB3]  }
0x2f: {  	lr =	sadd.s32 s0, s3;
	s0 =	sld [smem:$0x3FAA]  }
0x30: {  	s3 =	sld [smem:$0x3FAD]  }
0x31: {  	[smem:$0x3FB6] =	sst s10  }
0x32: {  	s10 =	sld [smem:$0x3FB4];
	_ =	sdelay $0x3  }
0x33: {  	p0 =	seq.s32 s10, $0x1;
	s10 =	sld [smem:$0x3FB6];
	_ =	sdelay $0x3  }
0x34: {  	[smem:$0x3FB6] =	sst s10  }
0x35: {  	s10 =	sld [smem:$0x3FB5];
	_ =	sdelay $0x3  }
0x36: {  	p1 =	seq.s32 s10, $0x1;
	s10 =	sld [smem:$0x3FB6];
	_ =	sdelay $0x3  }
0x37: {  	[smem:$0x3FB6] =	sst s10  }
0x38: {  	s10 =	sld [smem:$0x3FB7]  }
0x39: {  	_ = 	snop;
	(pc) =	sbr.ind lr, $3  }
0x3a: {  	_ = 	snop  }
0x3b: {  	_ = 	snop  }
0x3c: {  	p2 =	seq.s32 s10, $0x1;
	s10 =	sld [smem:$0x3FB6]  }
0x3d: {  	_ =	shalt  }
0x3e: {  	_ =	shalt  }
0x3f: {  	_ =	shalt  }
0x40: {  	_ =	shalt  }
0x41: {  	_ =	shalt  }
0x42: {  	_ =	shalt  }
0x43: {  	_ =	shalt  }
0x44: {  	_ =	shalt  }
0x45: {  	_ =	shalt  }
0x46: {  	_ =	shalt  }
0x47: {  	_ =	shalt  }
0x48: {  	_ =	shalt  }
0x49: {  	_ =	shalt  }
0x4a: {  	_ =	shalt  }
0x4b: {  	_ =	shalt  }
0x4c: {  	_ =	shalt  }
0x4d: {  	_ =	shalt  }
0x4e: {  	_ =	shalt  }
0x4f: {  	_ =	shalt  }
0x50: {  	_ =	shalt  }
0x51: {  	_ =	shalt  }
0x52: {  	_ =	shalt  }
0x53: {  	_ =	shalt  }
0x54: {  	_ =	shalt  }
0x55: {  	_ =	shalt  }
0x56: {  	_ =	shalt  }
0x57: {  	_ =	shalt  }
0x58: {  	_ =	shalt  }
0x59: {  	_ =	shalt  }
0x5a: {  	_ =	shalt  }
0x5b: {  	_ =	shalt  }
0x5c: {  	_ =	shalt  }
0x5d: {  	_ =	shalt  }
0x5e: {  	_ =	shalt  }
0x5f: {  	_ =	shalt  }
0x60: {  	_ =	shalt  }
0x61: {  	_ =	shalt  }
0x62: {  	_ =	shalt  }
0x63: {  	_ =	shalt  }
0x64: {  	_ =	shalt  }
0x65: {  	_ =	shalt  }
0x66: {  	_ =	shalt  }
0x67: {  	_ =	shalt  }
0x68: {  	_ =	shalt  }
0x69: {  	_ =	shalt  }
0x6a: {  	_ =	shalt  }
0x6b: {  	_ =	shalt  }
0x6c: {  	_ =	shalt  }
0x6d: {  	_ =	shalt  }
0x6e: {  	_ =	shalt  }
0x6f: {  	_ =	shalt  }
0x70: {  	_ =	shalt  }
0x71: {  	_ =	shalt  }
0x72: {  	_ =	shalt  }
0x73: {  	_ =	shalt  }
0x74: {  	_ =	shalt  }
0x75: {  	_ =	shalt  }
0x76: {  	_ =	shalt  }
0x77: {  	_ =	shalt  }
0x78: {  	_ =	shalt  }
0x79: {  	_ =	shalt  }
0x7a: {  	_ =	shalt  }
0x7b: {  	_ =	shalt  }
0x7c: {  	_ =	shalt  }
0x7d: {  	_ =	shalt  }
0x7e: {  	_ =	shalt  }
0x7f: {  	_ =	shalt  }
0x80: {  	_ =	shalt  }
0x81: {  	_ =	shalt  }
0x82: {  	_ =	shalt  }
0x83: {  	_ =	shalt  }
0x84: {  	_ =	shalt  }
0x85: {  	_ =	shalt  }
0x86: {  	_ =	shalt  }
0x87: {  	_ =	shalt  }
.Lfunc_end0:
.L_simem_size_0:
called_computation.2_lowered:
.L_overlay_start_0:
0x88: {  	s2 =	sld [smem:$0x3FD9]  }
0x89: {  	s3 =	sld [smem:$0x3FFE];
	_ =	sdelay $0x1  }
0x8a: {  	s1 =	srdreg.scid  }
0x8b: {  	s0 =	sand.u32 $0x1, s1  }
0x8c: {  	s17 =	sshll.u32 s0, $0xA;
	s2 =	sadd.s32 s3, s2  }
0x8d: {  	s2 =	sadd.s32 s2, s17  }
0x8e: {  	[smem:$0x3FC2] =	sst s2  }
0x8f: {  	_ = 	snop  }
0x90: {  	s2 =	sld [smem:$0x3FC6]  }
0x91: {  	s18 =	sld [smem:$0x3FD0];
	(tm) =	ssettm $0x1  }
0x92: {  	s4 =	sld [smem:$0x3FFB];
	_ =	sdelay $0x3  }
0x93: {  	_ =	strace s4  }
0x94: {  	s4 =	sld [smem:$0x3FFC];
	_ =	sdelay $0x3  }
0x95: {  	_ =	strace s4  }
0x96: {  	s4 =	sld [smem:$0x3FFD];
	_ =	sdelay $0x3  }
0x97: {  	_ =	strace s4  }
0x98: {  	_ =	strace $0x8FFFFFFF  }
0x99: {  	s19 =	sld [smem:$0x3FDB];
	_ =	sdelay $0x1  }
0x9a: {  	s5 =	simm.s32 $_scs_section_size  }
0x9b: {  	s6 =	simm.s32 $_size__tile_overlayer_lowered;
	s7 =	simm.s32 $_tile_overlayer_lowered  }
0x9c: {  	s22 =	simm.s32 $0x1BFF;
	s21 =	sshll.u32 s7, $0x1;
	s4 =	sadd.s32 s5, s19  }
0x9d: {  	s8 =	simm.s32 $0x0;
	s20 =	sshll.u32 s6, $0x1;
	s6 =	sadd.s32 s21, s4  }
0x9e: {  	[timem:s8], [sflag:s22] =	dma.local [hbm:s6], s20  }
0x9f: {  	_ =	swait.ge [sflag:s22], s20  }
0xa0: {  	s5 =	ssub.s32 $0x0, s20;
	[sflag:s22] =	ssyncset.done $0x0  }
0xa1: {  	[sflag:s22] =	ssyncadd.s32 s5;
	_ =	sdelay $0x1  }
0xa2: {  	s23 =	simm.s32 $0x1B8B  }
0xa3: {  	_ =	swait.ge [sflag:s23], $0x1  }
0xa4: {  	[sflag:s23] =	ssyncset.done $0x0  }
0xa5: {  	s25 =	simm.s32 $0x1B8E;
	s24 =	sld [smem:$0x3FFE];
	[sflag:s23] =	ssyncadd.s32 $0xFFFFFFFF  }
0xa6: {  	s26 =	simm.s32 $execute0_lowered;
	[smem:$0x3FD2] =	sst s25  }
0xa7: {  	s6 =	sshll.u32 s26, $0x1;
	_ =	strace $0x8000004C;
	[dreg:$0x1] =	wrdreg $0xFFFFFFFF  }
0xa8: {  	s28 =	simm.s32 $_size_execute0_lowered;
	s4 =	sadd.s32 s4, s6;
	[dreg:$0x0] =	wrdreg $0x0  }
0xa9: {  	s6 =	sshll.u32 s28, $0x1;
	[dreg:$0x2] =	wrdreg s4  }
0xaa: {  	[dreg:$0x3] =	wrdreg s6  }
0xab: {  	[dreg:$0x4] =	wrdreg $0xC0  }
0xac: {  	_ =	task [dreg:s8], $0x5FFFF  }
0xad: {  	[dreg:$0x1] =	wrdreg $0xFFFFFFFF  }
0xae: {  	[dreg:$0x0] =	wrdreg $0x60  }
0xaf: {  	[dreg:$0x2] =	wrdreg s24  }
0xb0: {  	[dreg:$0x3] =	wrdreg s2  }
0xb1: {  	[dreg:$0x4] =	wrdreg s18  }
0xb2: {  	[dreg:$0x5] =	wrdreg $0x27800  }
0xb3: {  	[dreg:$0x6] =	wrdreg $0x0  }
0xb4: {  	[dreg:$0x7] =	wrdreg $0x9  }
0xb5: {  	_ =	task.clear_ibuf [dreg:s8], $0x8FFFF;
	_ =	strace $0x9000004C  }
0xb6: {  	s29 =	simm.s32 $0x9;
	_ =	strace $0x8000004E  }
0xb7: {  	_ =	swait.ge [sflag:s29], $0x1  }
0xb8: {  	[sflag:s29] =	ssyncadd.s32 $0xFFFFFFFF  }
0xb9: {  	_ =	strace $0x9000004E  }
0xba: {  	_ =	sfence  }
0xbb: {  	s30 =	sld [smem:$0x0];
	_ =	sdelay $0x2  }
0xbc: {  	s31 =	sshll.u32 s1, $0xD;
	s1 =	sshrl.u32 s1, $0x2  }
0xbd: {  	s3 =	sand.u32 $0x4000, s31;
	s1 =	sadd.s32 s1, s30  }
0xbe: {  	s0 =	sor.u32 s3, s0;
	s1 =	sshll.u32 s1, $0x11  }
0xbf: {  	s0 =	sor.u32 s1, s0  }
0xc0: {  	s0 =	sadd.s32 $0x8F2B, s0  }
0xc1: {  	[sflag:s0] =	ssyncadd.remote.s32 $0x1  }
0xc2: {  	_ =	sfence.sel $0xFFFF  }
0xc3: {  	[dreg:$0x0] =	wrdreg $0xFFFFFFFF;
	(pc) =	sbr.abs _section_cstart, $3  }
0xc4: {  	[dreg:$0x1] =	wrdreg $0xFFFFFFFF  }
0xc5: {  	_ =	task.clear_ibuf [dreg:s8], $0x2FFFF;
	_ =	strace $0x9FFFFFFF  }
0xc6: {  	(tm) =	ssettm $0x7FFFFFFF  }
0xc7: {  	_ =	shalt  }
tec
execute0_lowered:
.L_overlay_start_1:
0x0: {  	(tag) =	ssettag $0x1  }
0x1: {  	s0 =	rddreg [dreg:$0x0]  }
0x2: {  	s1 =	rddreg [dreg:$0x2]  }
0x3: {  	s3 =	rddreg [dreg:$0x3]  }
0x4: {  	s4 =	rddreg [dreg:$0x4]  }
0x5: {  	s5 =	srdreg.scid;
	s2 =	stileid.u32;
	s15 =	simm.s32 $0x4F00  }
0x6: {  	s21 =	simm.s32 $0x3;
	s22 =	simm.s32 $0x2;
	s23 =	simm.s32 $0x1  }
0x7: {  	s24 =	simm.s32 $0x100;
	s25 =	simm.s32 $0x9F00;
	s28 =	simm.s32 $0xAF00  }
0x8: {  	s29 =	simm.s32 $0xBF00;
	s30 =	simm.s32 $0xCF00;
	s31 =	simm.s32 $0x200  }
0x9: {  	s17 =	simm.s32 $0x9D00;
	s18 =	simm.s32 $0x0;
	s16 =	sand.u32 $0x1, s5  }
0xa: {  	s5 =	simm.s32 $0x0;
	s12 =	smul.u32 $0x2780, s2;
	s6 =	sshll.u32 s16, $0x4  }
0xb: {  	[smem:$0x7FF] =	sst s5;
	s7 =	smul.u32 $0x27800, s16;
	s26 =	ssub.s32 $0x2, s16  }
0xc: {  	p0 =	seq.s32 s16, $0x0;
	s16 =	simm.s32 $0x9B00;
	s6 =	sor.u32 s2, s6  }
0xd: {  	_ =	strace $0x8000004D;
	s8 =	sshrl.u32 s12, $0x3;
	s9 =	sshrl.u32 s26, $0x1  }
0xe: {  	s11 =	sadd.s32 s12, s3;
	s6 =	smul.u32 $0x2710, s6;
	s10 =	sadd.s32 s8, s0  }
0xf: {  	s7 =	sadd.s32 s12, s7;
	s14 =	ssub.s32 s26, s9;
	s12 =	sadd.s32 s12, s4  }
0x10: {  	s7 =	sshrl.u32 s7, $0x3;
	s8 =	sadd.s32 $0x10E00, s10;
	s9 =	sadd.s32 $0x15D00, s10  }
0x11: {  	s10 =	sadd.s32 $0x1AC00, s10;
	s6 =	sshrl.u32 s6, $0x3;
	s0 =	sadd.s32 s7, s0  }
0x12: {  	s14 =	smax.u32 s14, $0x1;
	s6 =	sadd.s32 s1, s6;
	s13 =	sadd.s32 $0x2000, s0  }
0x13: {  	v0 =	vimm.s32 $0x0;
	v1 =	vimm.s32 $0x2710;
	v2 =	vimm.f32 $0.0e+00;
	s0 =	simm.s32 $0x7500;
	s1 =	simm.s32 $0x7600;
	s7 =	sadd.s32 $0x9C40, s6  }
.LBB2_1:
0x14: {  	[tilespmem:$0x7610] =	vst v0  }
0x15: {  	[tilespmem:$0x7620] =	vst v0  }
0x16: {  	[tilespmem:$0x7630] =	vst v0  }
0x17: {  	[tilespmem:$0x7640] =	vst v0  }
0x18: {  	[tilespmem:$0x7650] =	vst v0  }
0x19: {  	[tilespmem:$0x7660] =	vst v0  }
0x1a: {  	[tilespmem:$0x7670] =	vst v0  }
0x1b: {  	[tilespmem:$0x7680] =	vst v0  }
0x1c: {  	[tilespmem:$0x7690] =	vst v0  }
0x1d: {  	[tilespmem:$0x76A0] =	vst v0  }
0x1e: {  	[tilespmem:$0x76B0] =	vst v0  }
0x1f: {  	[tilespmem:$0x76C0] =	vst v0  }
0x20: {  	[tilespmem:$0x76D0] =	vst v0  }
0x21: {  	[tilespmem:$0x76E0] =	vst v0  }
0x22: {  	[tilespmem:$0x76F0] =	vst v0  }
0x23: {  	[tilespmem:s15], [sflag:$0x1] =	stream.linear.gather [hbm4b:s6+s5], $0x2710, $0x38;
	[tilespmem:$0x15590] =	vst v63  }
0x24: {  	[tilespmem:$0x9E10] =	vst v1  }
0x25: {  	[tilespmem:$0x9E20] =	vst v1  }
0x26: {  	[tilespmem:$0x9E30] =	vst v1  }
0x27: {  	[tilespmem:$0x9E40] =	vst v1  }
0x28: {  	[tilespmem:$0x9E50] =	vst v1  }
0x29: {  	[tilespmem:$0x9E60] =	vst v1  }
0x2a: {  	[tilespmem:$0x9E70] =	vst v1  }
0x2b: {  	[tilespmem:$0x9E80] =	vst v1  }
0x2c: {  	[tilespmem:$0x9E90] =	vst v1  }
0x2d: {  	[tilespmem:$0x9EA0] =	vst v1  }
0x2e: {  	[tilespmem:$0x9EB0] =	vst v1  }
0x2f: {  	[tilespmem:$0x9EC0] =	vst v1  }
0x30: {  	[tilespmem:$0x9ED0] =	vst v1  }
0x31: {  	[tilespmem:$0x9EE0] =	vst v1  }
0x32: {  	s19 =	simm.s32 $0x7700;
	[tilespmem:$0x9EF0] =	vst v1  }
0x33: {  	[tilespmem:s19], [sflag:$0x1] =	stream.linear.gather [hbm4b:s7+s5], $0x2710, $0x38;
	[tilespmem:$0x15590] =	vst v63  }
0x34: {  	s20 =	simm.s32 $0xDF00  }
0x35: {  	[tilespmem:s20], [sflag:$0x2] =	stream.linear.gather [hbm4b:s8+s5], $0x2780, $0x38;
	[tilespmem:$0x15590] =	vst v63  }
0x36: {  	s26 =	simm.s32 $0x10680  }
0x37: {  	[tilespmem:s26], [sflag:$0x2] =	stream.linear.gather [hbm4b:s9+s5], $0x2780, $0x38;
	[tilespmem:$0x15590] =	vst v63  }
0x38: {  	s20 =	simm.s32 $0x12E00  }
0x39: {  	[tilespmem:s20], [sflag:$0x2] =	stream.linear.gather [hbm4b:s10+s5], $0x2780, $0x38;
	[tilespmem:$0x15590] =	vst v63  }
0x3a: {  	s26 =	rddreg [dreg:$0x1];
	s20 =	simm.s32 $0x15580  }
0x3b: {  	[tilespmem:s20], [sflag:$0x3] =	stream.linear.gather [hbm4b:s26+s5], $0x10, $0x38;
	[tilespmem:$0x15590] =	vst v63  }
0x3c: {  	_ =	swait.ge [sflag:s21], $0x10  }
0x3d: {  	[sflag:s21] =	ssyncset.done $0x0  }
0x3e: {  	[sflag:s21] =	ssyncadd.s32 $0xFFFFFFF0  }
0x3f: {  	_ =	swait.ge [sflag:s22], $0x2780  }
0x40: {  	[sflag:s22] =	ssyncset.done $0x0  }
0x41: {  	[sflag:s22] =	ssyncadd.s32 $0xFFFFD880  }
0x42: {  	_ =	swait.ge [sflag:s22], $0x2780  }
0x43: {  	[sflag:s22] =	ssyncset.done $0x0  }
0x44: {  	[sflag:s22] =	ssyncadd.s32 $0xFFFFD880  }
0x45: {  	_ =	swait.ge [sflag:s22], $0x2780  }
0x46: {  	[sflag:s22] =	ssyncset.done $0x0  }
0x47: {  	s19 =	simm.s32 $0x0;
	[sflag:s22] =	ssyncadd.s32 $0xFFFFD880  }
0x48: {  	v3 =	vld [tilespmem:s19+$0x10680]  }
0x49: {  	v4 =	vld [tilespmem:s19+$0xDF00];
	_ =	sdelay $0x1  }
0x4a: {  	v5 =	vld [tilespmem:s19+$0x12E00];
	_ =	sdelay $0x1  }
0x4b: {  	v6 =	vld [tilespmem:$0x15580]  }
0x4c: {  	v3 =	vadd.f32 v3, v4;
	_ =	sdelay $0x1  }
0x4d: {  	v3 =	vmul.f32 v3, v5;
	_ =	sdelay $0x1  }
0x4e: {  	v3 =	vadd.f32 v3, v6  }
0x4f: {  	v4 =	vld [tilespmem:s19+$0x10690]  }
0x50: {  	v6 =	vld [tilespmem:s19+$0xDF10];
	v3 =	vmax.f32 v3, $0.0e+00  }
0x51: {  	v3 =	vmul.f32 v3, v5  }
0x52: {  	v5 =	vld [tilespmem:s19+$0x12E10]  }
0x53: {  	[tilespmem:s19+$0xDF00] =	vst v3  }
0x54: {  	v3 =	vld [tilespmem:$0x15580]  }
0x55: {  	v4 =	vadd.f32 v4, v6;
	_ =	sdelay $0x1  }
0x56: {  	v4 =	vmul.f32 v4, v5;
	_ =	sdelay $0x1  }
0x57: {  	v3 =	vadd.f32 v4, v3  }
0x58: {  	v6 =	vld [tilespmem:s19+$0xDF20]  }
0x59: {  	v4 =	vld [tilespmem:s19+$0x106A0];
	v3 =	vmax.f32 v3, $0.0e+00  }
0x5a: {  	v3 =	vmul.f32 v3, v5  }
0x5b: {  	v5 =	vld [tilespmem:s19+$0x12E20]  }
0x5c: {  	[tilespmem:s19+$0xDF10] =	vst v3  }
0x5d: {  	v3 =	vld [tilespmem:$0x15580]  }
0x5e: {  	v4 =	vadd.f32 v4, v6;
	_ =	sdelay $0x1  }
0x5f: {  	v4 =	vmul.f32 v4, v5;
	_ =	sdelay $0x1  }
0x60: {  	v3 =	vadd.f32 v4, v3  }
0x61: {  	v6 =	vld [tilespmem:s19+$0xDF30]  }
0x62: {  	v4 =	vld [tilespmem:s19+$0x106B0];
	v3 =	vmax.f32 v3, $0.0e+00  }
0x63: {  	v3 =	vmul.f32 v3, v5  }
0x64: {  	v5 =	vld [tilespmem:s19+$0x12E30]  }
0x65: {  	[tilespmem:s19+$0xDF20] =	vst v3  }
0x66: {  	v3 =	vld [tilespmem:$0x15580]  }
0x67: {  	v4 =	vadd.f32 v4, v6;
	_ =	sdelay $0x1  }
0x68: {  	v4 =	vmul.f32 v4, v5;
	_ =	sdelay $0x1  }
0x69: {  	v3 =	vadd.f32 v4, v3  }
0x6a: {  	v6 =	vld [tilespmem:s19+$0xDF40]  }
0x6b: {  	v4 =	vld [tilespmem:s19+$0x106C0];
	v3 =	vmax.f32 v3, $0.0e+00  }
0x6c: {  	v3 =	vmul.f32 v3, v5  }
0x6d: {  	v5 =	vld [tilespmem:s19+$0x12E40]  }
0x6e: {  	[tilespmem:s19+$0xDF30] =	vst v3  }
0x6f: {  	v3 =	vld [tilespmem:$0x15580]  }
0x70: {  	v4 =	vadd.f32 v4, v6;
	_ =	sdelay $0x1  }
0x71: {  	v4 =	vmul.f32 v4, v5;
	_ =	sdelay $0x1  }
0x72: {  	v3 =	vadd.f32 v4, v3  }
0x73: {  	v6 =	vld [tilespmem:s19+$0xDF50]  }
0x74: {  	v4 =	vld [tilespmem:s19+$0x106D0];
	v3 =	vmax.f32 v3, $0.0e+00  }
0x75: {  	v3 =	vmul.f32 v3, v5  }
0x76: {  	v5 =	vld [tilespmem:s19+$0x12E50]  }
0x77: {  	[tilespmem:s19+$0xDF40] =	vst v3  }
0x78: {  	v3 =	vld [tilespmem:$0x15580]  }
0x79: {  	v4 =	vadd.f32 v4, v6;
	_ =	sdelay $0x1  }
0x7a: {  	v4 =	vmul.f32 v4, v5;
	_ =	sdelay $0x1  }
0x7b: {  	v3 =	vadd.f32 v4, v3  }
0x7c: {  	v6 =	vld [tilespmem:s19+$0xDF60]  }
0x7d: {  	v4 =	vld [tilespmem:s19+$0x106E0];
	v3 =	vmax.f32 v3, $0.0e+00  }
0x7e: {  	v3 =	vmul.f32 v3, v5  }
0x7f: {  	v5 =	vld [tilespmem:s19+$0x12E60]  }
0x80: {  	[tilespmem:s19+$0xDF50] =	vst v3  }
0x81: {  	v3 =	vld [tilespmem:$0x15580]  }
0x82: {  	v4 =	vadd.f32 v4, v6;
	_ =	sdelay $0x1  }
0x83: {  	v4 =	vmul.f32 v4, v5;
	_ =	sdelay $0x1  }
0x84: {  	v3 =	vadd.f32 v4, v3  }
0x85: {  	v6 =	vld [tilespmem:s19+$0xDF70]  }
0x86: {  	v4 =	vld [tilespmem:s19+$0x106F0];
	v3 =	vmax.f32 v3, $0.0e+00  }
0x87: {  	v5 =	vmul.f32 v3, v5  }
0x88: {  	v3 =	vld [tilespmem:s19+$0x12E70]  }
0x89: {  	[tilespmem:s19+$0xDF60] =	vst v5  }
0x8a: {  	v5 =	vld [tilespmem:$0x15580]  }
0x8b: {  	v4 =	vadd.f32 v4, v6;
	_ =	sdelay $0x1  }
0x8c: {  	v4 =	vmul.f32 v4, v3;
	_ =	sdelay $0x1  }
0x8d: {  	s26 =	simm.s32 $0x80;
	v5 =	vadd.f32 v4, v5  }
0x8e: {  	s20 =	simm.s32 $0x400;
	v4 =	vld [tilespmem:s26+$0x10680]  }
.LBB2_2:
0x8f: {  	p1 =	sne.s32 s20, $0x9C00;
	v6 =	vld [tilespmem:s26+$0xDF00];
	v5 =	vmax.f32 v5, $0.0e+00  }
0x90: {  	v3 =	vmul.f32 v5, v3  }
0x91: {  	v5 =	vld [tilespmem:s26+$0x12E00]  }
0x92: {  	[tilespmem:s19+$0xDF70] =	vst v3;
	s19 =	smov.u32 s26  }
0x93: {  	v3 =	vld [tilespmem:$0x15580]  }
0x94: {  	v4 =	vadd.f32 v4, v6;
	_ =	sdelay $0x1  }
0x95: {  	v4 =	vmul.f32 v4, v5;
	_ =	sdelay $0x1  }
0x96: {  	v3 =	vadd.f32 v4, v3  }
0x97: {  	v4 =	vld [tilespmem:s19+$0x10690]  }
0x98: {  	v3 =	vmax.f32 v3, $0.0e+00;
	v6 =	vld [tilespmem:s19+$0xDF10]  }
0x99: {  	v3 =	vmul.f32 v3, v5  }
0x9a: {  	v5 =	vld [tilespmem:s19+$0x12E10]  }
0x9b: {  	[tilespmem:s19+$0xDF00] =	vst v3  }
0x9c: {  	v3 =	vld [tilespmem:$0x15580]  }
0x9d: {  	v4 =	vadd.f32 v4, v6;
	_ =	sdelay $0x1  }
0x9e: {  	v4 =	vmul.f32 v4, v5;
	_ =	sdelay $0x1  }
0x9f: {  	v3 =	vadd.f32 v4, v3  }
0xa0: {  	v4 =	vld [tilespmem:s19+$0x106A0]  }
0xa1: {  	v3 =	vmax.f32 v3, $0.0e+00;
	v6 =	vld [tilespmem:s19+$0xDF20]  }
0xa2: {  	v3 =	vmul.f32 v3, v5  }
0xa3: {  	v5 =	vld [tilespmem:s19+$0x12E20]  }
0xa4: {  	[tilespmem:s19+$0xDF10] =	vst v3  }
0xa5: {  	v3 =	vld [tilespmem:$0x15580]  }
0xa6: {  	v4 =	vadd.f32 v4, v6;
	_ =	sdelay $0x1  }
0xa7: {  	v4 =	vmul.f32 v4, v5;
	_ =	sdelay $0x1  }
0xa8: {  	v3 =	vadd.f32 v4, v3  }
0xa9: {  	v4 =	vld [tilespmem:s19+$0x106B0]  }
0xaa: {  	v3 =	vmax.f32 v3, $0.0e+00;
	v6 =	vld [tilespmem:s19+$0xDF30]  }
0xab: {  	v3 =	vmul.f32 v3, v5  }
0xac: {  	v5 =	vld [tilespmem:s19+$0x12E30]  }
0xad: {  	[tilespmem:s19+$0xDF20] =	vst v3  }
0xae: {  	v3 =	vld [tilespmem:$0x15580]  }
0xaf: {  	v4 =	vadd.f32 v4, v6;
	_ =	sdelay $0x1  }
0xb0: {  	v4 =	vmul.f32 v4, v5;
	_ =	sdelay $0x1  }
0xb1: {  	v3 =	vadd.f32 v4, v3  }
0xb2: {  	v4 =	vld [tilespmem:s19+$0x106C0]  }
0xb3: {  	v3 =	vmax.f32 v3, $0.0e+00;
	v6 =	vld [tilespmem:s19+$0xDF40]  }
0xb4: {  	v3 =	vmul.f32 v3, v5  }
0xb5: {  	v5 =	vld [tilespmem:s19+$0x12E40]  }
0xb6: {  	[tilespmem:s19+$0xDF30] =	vst v3  }
0xb7: {  	v3 =	vld [tilespmem:$0x15580]  }
0xb8: {  	v4 =	vadd.f32 v4, v6;
	_ =	sdelay $0x1  }
0xb9: {  	v4 =	vmul.f32 v4, v5;
	_ =	sdelay $0x1  }
0xba: {  	v3 =	vadd.f32 v4, v3  }
0xbb: {  	v4 =	vld [tilespmem:s19+$0x106D0]  }
0xbc: {  	v3 =	vmax.f32 v3, $0.0e+00;
	v6 =	vld [tilespmem:s19+$0xDF50]  }
0xbd: {  	v3 =	vmul.f32 v3, v5  }
0xbe: {  	v5 =	vld [tilespmem:s19+$0x12E50]  }
0xbf: {  	[tilespmem:s19+$0xDF40] =	vst v3  }
0xc0: {  	v3 =	vld [tilespmem:$0x15580]  }
0xc1: {  	v4 =	vadd.f32 v4, v6;
	_ =	sdelay $0x1  }
0xc2: {  	v4 =	vmul.f32 v4, v5;
	_ =	sdelay $0x1  }
0xc3: {  	v3 =	vadd.f32 v4, v3  }
0xc4: {  	v4 =	vld [tilespmem:s19+$0x106E0]  }
0xc5: {  	v3 =	vmax.f32 v3, $0.0e+00;
	v6 =	vld [tilespmem:s19+$0xDF60]  }
0xc6: {  	v3 =	vmul.f32 v3, v5  }
0xc7: {  	v5 =	vld [tilespmem:s19+$0x12E60]  }
0xc8: {  	[tilespmem:s19+$0xDF50] =	vst v3  }
0xc9: {  	v3 =	vld [tilespmem:$0x15580]  }
0xca: {  	v4 =	vadd.f32 v4, v6;
	_ =	sdelay $0x1  }
0xcb: {  	v4 =	vmul.f32 v4, v5;
	_ =	sdelay $0x1  }
0xcc: {  	v3 =	vadd.f32 v4, v3  }
0xcd: {  	v4 =	vld [tilespmem:s19+$0x106F0]  }
0xce: {  	v3 =	vmax.f32 v3, $0.0e+00;
	v6 =	vld [tilespmem:s19+$0xDF70]  }
0xcf: {  	v5 =	vmul.f32 v3, v5  }
0xd0: {  	v3 =	vld [tilespmem:s19+$0x12E70]  }
0xd1: {  	[tilespmem:s19+$0xDF60] =	vst v5  }
0xd2: {  	v5 =	vld [tilespmem:$0x15580]  }
0xd3: {  	v4 =	vadd.f32 v4, v6  }
.Ltmp0:
0xd4: {  	(pc) =	sbr.rel @p1 .LBB2_2-.Ltmp0, $3  }
0xd5: {  	v4 =	vmul.f32 v4, v3;
	_ =	sdelay $0x1  }
0xd6: {  	s26 =	sshra.s32 s20, $0x2;
	v5 =	vadd.f32 v4, v5  }
0xd7: {  	s20 =	sadd.s32 $0x200, s20;
	v4 =	vld [tilespmem:s26+$0x10680]  }
0xd8: {  	v6 =	vld [tilespmem:s26+$0xDF00];
	v5 =	vmax.f32 v5, $0.0e+00  }
0xd9: {  	v3 =	vmul.f32 v5, v3  }
0xda: {  	v42 =	vld [tilespmem:s26+$0x12E00]  }
0xdb: {  	[tilespmem:s19+$0xDF70] =	vst v3  }
0xdc: {  	v3 =	vld [tilespmem:$0x15580]  }
0xdd: {  	v4 =	vadd.f32 v4, v6;
	_ =	sdelay $0x1  }
0xde: {  	v4 =	vmul.f32 v4, v42;
	_ =	sdelay $0x1  }
0xdf: {  	v3 =	vadd.f32 v4, v3  }
0xe0: {  	v43 =	vld [tilespmem:s26+$0x10690]  }
0xe1: {  	v44 =	vld [tilespmem:s26+$0xDF10];
	v3 =	vmax.f32 v3, $0.0e+00  }
0xe2: {  	v3 =	vmul.f32 v3, v42  }
0xe3: {  	v45 =	vld [tilespmem:s26+$0x12E10]  }
0xe4: {  	[tilespmem:s26+$0xDF00] =	vst v3  }
0xe5: {  	v3 =	vld [tilespmem:$0x15580]  }
0xe6: {  	v4 =	vadd.f32 v43, v44;
	_ =	sdelay $0x1  }
0xe7: {  	v4 =	vmul.f32 v4, v45;
	_ =	sdelay $0x1  }
0xe8: {  	v3 =	vadd.f32 v4, v3  }
0xe9: {  	v46 =	vld [tilespmem:s26+$0x106A0]  }
0xea: {  	v47 =	vld [tilespmem:s26+$0xDF20];
	v3 =	vmax.f32 v3, $0.0e+00  }
0xeb: {  	v3 =	vmul.f32 v3, v45  }
0xec: {  	v48 =	vld [tilespmem:s26+$0x12E20]  }
0xed: {  	[tilespmem:s26+$0xDF10] =	vst v3  }
0xee: {  	v3 =	vld [tilespmem:$0x15580]  }
0xef: {  	v4 =	vadd.f32 v46, v47;
	_ =	sdelay $0x1  }
0xf0: {  	v4 =	vmul.f32 v4, v48;
	_ =	sdelay $0x1  }
0xf1: {  	v3 =	vadd.f32 v4, v3  }
0xf2: {  	v49 =	vld [tilespmem:s26+$0x106B0]  }
0xf3: {  	v50 =	vld [tilespmem:s26+$0xDF30];
	v3 =	vmax.f32 v3, $0.0e+00  }
0xf4: {  	v3 =	vmul.f32 v3, v48  }
0xf5: {  	v51 =	vld [tilespmem:s26+$0x12E30]  }
0xf6: {  	[tilespmem:s26+$0xDF20] =	vst v3  }
0xf7: {  	v3 =	vld [tilespmem:$0x15580]  }
0xf8: {  	v4 =	vadd.f32 v49, v50;
	_ =	sdelay $0x1  }
0xf9: {  	v4 =	vmul.f32 v4, v51;
	_ =	sdelay $0x1  }
0xfa: {  	v3 =	vadd.f32 v4, v3  }
0xfb: {  	v52 =	vld [tilespmem:s26+$0x106C0]  }
0xfc: {  	v53 =	vld [tilespmem:s26+$0xDF40];
	v3 =	vmax.f32 v3, $0.0e+00  }
0xfd: {  	v3 =	vmul.f32 v3, v51  }
0xfe: {  	v54 =	vld [tilespmem:s26+$0x12E40]  }
0xff: {  	[tilespmem:s26+$0xDF30] =	vst v3  }
0x100: {  	v3 =	vld [tilespmem:$0x15580]  }
0x101: {  	v4 =	vadd.f32 v52, v53;
	_ =	sdelay $0x1  }
0x102: {  	v4 =	vmul.f32 v4, v54;
	_ =	sdelay $0x1  }
0x103: {  	v3 =	vadd.f32 v4, v3  }
0x104: {  	v55 =	vld [tilespmem:s26+$0x106D0]  }
0x105: {  	v56 =	vld [tilespmem:s26+$0xDF50];
	v3 =	vmax.f32 v3, $0.0e+00  }
0x106: {  	v3 =	vmul.f32 v3, v54  }
0x107: {  	v57 =	vld [tilespmem:s26+$0x12E50]  }
0x108: {  	[tilespmem:s26+$0xDF40] =	vst v3  }
0x109: {  	v3 =	vld [tilespmem:$0x15580]  }
0x10a: {  	v4 =	vadd.f32 v55, v56;
	_ =	sdelay $0x1  }
0x10b: {  	v4 =	vmul.f32 v4, v57;
	_ =	sdelay $0x1  }
0x10c: {  	v3 =	vadd.f32 v4, v3  }
0x10d: {  	v58 =	vld [tilespmem:s26+$0x106E0]  }
0x10e: {  	v59 =	vld [tilespmem:s26+$0xDF60];
	v3 =	vmax.f32 v3, $0.0e+00  }
0x10f: {  	v3 =	vmul.f32 v3, v57  }
0x110: {  	v60 =	vld [tilespmem:s26+$0x12E60]  }
0x111: {  	[tilespmem:s26+$0xDF50] =	vst v3  }
0x112: {  	v3 =	vld [tilespmem:$0x15580]  }
0x113: {  	v4 =	vadd.f32 v58, v59;
	_ =	sdelay $0x1  }
0x114: {  	v4 =	vmul.f32 v4, v60;
	_ =	sdelay $0x1  }
0x115: {  	v3 =	vadd.f32 v4, v3  }
0x116: {  	v61 =	vld [tilespmem:s26+$0x106F0]  }
0x117: {  	v62 =	vld [tilespmem:s26+$0xDF70];
	v3 =	vmax.f32 v3, $0.0e+00  }
0x118: {  	v3 =	vmul.f32 v3, v60  }
0x119: {  	v63 =	vld [tilespmem:s26+$0x12E70]  }
0x11a: {  	[tilespmem:s26+$0xDF60] =	vst v3  }
0x11b: {  	v3 =	vld [tilespmem:$0x15580]  }
0x11c: {  	v4 =	vadd.f32 v61, v62;
	_ =	sdelay $0x1  }
0x11d: {  	v4 =	vmul.f32 v4, v63;
	_ =	sdelay $0x1  }
0x11e: {  	v3 =	vadd.f32 v4, v3;
	_ =	sdelay $0x1  }
0x11f: {  	v3 =	vmax.f32 v3, $0.0e+00  }
0x120: {  	v3 =	vmul.f32 v3, v63;
	_ =	sdelay $0x1  }
.Ltmp1:
0x121: {  	s19 =	simm.s32 $0xDF00;
	[tilespmem:s26+$0xDF70] =	vst v3;
	(pc) =	sbr.rel @p0 .LBB2_6-.Ltmp1, $4  }
0x122: {  	[spmem:s11] =	stream.linear.scatter [tilespmem:s19], [sflag:$0x3], $0x2780, $0x38;
	[tilespmem:$0x15590] =	vst v63  }
0x123: {  	_ =	swait.ge [sflag:s21], $0x2780  }
0x124: {  	[sflag:s21] =	ssyncset.done $0x0  }
0x125: {  	s20 =	simm.s32 $0x0;
	[sflag:s21] =	ssyncadd.s32 $0xFFFFD880  }
.LBB2_4:
0x126: {  	p1 =	sne.s32 s20, $0x9DC0  }
.Ltmp2:
0x127: {  	_ = 	snop;
	(pc) =	sbr.rel @p1 .LBB2_4-.Ltmp2, $3  }
0x128: {  	_ =	sdelay $0x1  }
0x129: {  	s19 =	sshra.s32 s20, $0x2  }
0x12a: {  	s20 =	sadd.s32 $0x40, s20;
	[tilespmem:s19+$0x12E00] =	vst v2  }
0x12b: {  	s19 =	simm.s32 $0x12E00  }
.LBB2_6:
0x12c: {  	[spmem:s12] =	stream.linear.scatter [tilespmem:s19], [sflag:$0x3], $0x2780, $0x38;
	[tilespmem:$0x15590] =	vst v63  }
0x12d: {  	_ =	swait.ge [sflag:s21], $0x2780  }
0x12e: {  	[sflag:s21] =	ssyncset.done $0x0  }
0x12f: {  	[sflag:s21] =	ssyncadd.s32 $0xFFFFD880  }
0x130: {  	_ =	swait.ge [sflag:s23], $0x2710  }
0x131: {  	[sflag:s23] =	ssyncset.done $0x0  }
0x132: {  	[sflag:s23] =	ssyncadd.s32 $0xFFFFD8F0  }
0x133: {  	_ =	swait.ge [sflag:s23], $0x2710  }
0x134: {  	[sflag:s23] =	ssyncset.done $0x0  }
0x135: {  	[sflag:s23] =	ssyncadd.s32 $0xFFFFD8F0  }
0x136: {  	[bflag:$0x0] =	sbarrier.arrive $0xFFFF  }
0x137: {  	[tilespmem:s25], [sflag:$0x1] =	stream.indirect.gather [spmem:s3], $0x10, s15, s24, $0xb8;
	[tilespmem:$0x15590] =	vst v63  }
0x138: {  	s26 =	simm.s32 $0x5000  }
0x139: {  	[tilespmem:s28], [sflag:$0x1] =	stream.indirect.gather [spmem:s3], $0x10, s26, s24, $0xb8;
	[tilespmem:$0x15590] =	vst v63  }
0x13a: {  	_ =	swait.ge [sflag:s23], $0x1000  }
0x13b: {  	[sflag:s23] =	ssyncset.done $0x0  }
0x13c: {  	[sflag:s23] =	ssyncadd.s32 $0xFFFFF000  }
0x13d: {  	_ =	swait.ge [sflag:s23], $0x1000  }
0x13e: {  	[sflag:s23] =	ssyncset.done $0x0  }
0x13f: {  	s20 =	simm.s32 $0x5100;
	[sflag:s23] =	ssyncadd.s32 $0xFFFFF000  }
0x140: {  	[tilespmem:s29], [sflag:$0x2] =	stream.indirect.gather [spmem:s3], $0x10, s20, s24, $0xb8;
	[tilespmem:$0x15590] =	vst v63  }
0x141: {  	s26 =	simm.s32 $0x5200  }
0x142: {  	[tilespmem:s30], [sflag:$0x2] =	stream.indirect.gather [spmem:s3], $0x10, s26, s24, $0xb8;
	[tilespmem:$0x15590] =	vst v63  }
0x143: {  	s20 =	simm.s32 $0x7700  }
0x144: {  	[spmem:s4] =	stream.indirect.scatter.add.f32 [tilespmem:s25], [sflag:$0x3], $0x10, s20, s31, $0xb8;
	[tilespmem:$0x15590] =	vst v63  }
0x145: {  	_ =	swait.ge [sflag:s21], $0x2000  }
0x146: {  	[sflag:s21] =	ssyncset.done $0x0  }
0x147: {  	[sflag:s21] =	ssyncadd.s32 $0xFFFFE000  }
0x148: {  	_ =	swait.ge [sflag:s22], $0x1000  }
0x149: {  	[sflag:s22] =	ssyncset.done $0x0  }
0x14a: {  	[sflag:s22] =	ssyncadd.s32 $0xFFFFF000  }
0x14b: {  	_ =	swait.ge [sflag:s22], $0x1000  }
0x14c: {  	[sflag:s22] =	ssyncset.done $0x0  }
0x14d: {  	s26 =	simm.s32 $0x5300;
	[sflag:s22] =	ssyncadd.s32 $0xFFFFF000  }
0x14e: {  	[tilespmem:s25], [sflag:$0x1] =	stream.indirect.gather [spmem:s3], $0x10, s26, s24, $0xb8;
	[tilespmem:$0x15590] =	vst v63  }
0x14f: {  	s20 =	simm.s32 $0x5400  }
0x150: {  	[tilespmem:s28], [sflag:$0x1] =	stream.indirect.gather [spmem:s3], $0x10, s20, s24, $0xb8;
	[tilespmem:$0x15590] =	vst v63  }
0x151: {  	s26 =	simm.s32 $0x7900  }
0x152: {  	[spmem:s4] =	stream.indirect.scatter.add.f32 [tilespmem:s29], [sflag:$0x3], $0x10, s26, s31, $0xb8;
	[tilespmem:$0x15590] =	vst v63  }
0x153: {  	_ =	swait.ge [sflag:s21], $0x2000  }
0x154: {  	s19 =	simm.s32 $0x1000;
	[sflag:s21] =	ssyncset.done $0x0  }
.LBB2_7:
0x155: {  	p1 =	sne.s32 s19, $0x8000  }
0x156: {  	[sflag:s21] =	ssyncadd.s32 $0xFFFFE000;
	s20 =	smov.u32 s19;
	s19 =	sadd.s32 $0x1000, s19  }
0x157: {  	_ = 	snop  }
0x158: {  	_ =	swait.ge [sflag:s23], $0x1000  }
0x159: {  	[sflag:s23] =	ssyncset.done $0x0  }
0x15a: {  	[sflag:s23] =	ssyncadd.s32 $0xFFFFF000  }
0x15b: {  	_ =	swait.ge [sflag:s23], $0x1000  }
0x15c: {  	s20 =	sshra.s32 s20, $0x2;
	[sflag:s23] =	ssyncset.done $0x0  }
0x15d: {  	s26 =	sadd.s32 $0x5100, s20;
	[sflag:s23] =	ssyncadd.s32 $0xFFFFF000  }
0x15e: {  	[tilespmem:s29], [sflag:$0x2] =	stream.indirect.gather [spmem:s3], $0x10, s26, s24, $0xb8;
	[tilespmem:$0x15590] =	vst v63  }
0x15f: {  	s26 =	sadd.s32 $0x5200, s20  }
0x160: {  	[tilespmem:s30], [sflag:$0x2] =	stream.indirect.gather [spmem:s3], $0x10, s26, s24, $0xb8;
	[tilespmem:$0x15590] =	vst v63  }
0x161: {  	s26 =	sadd.s32 $0x7700, s20  }
0x162: {  	[spmem:s4] =	stream.indirect.scatter.add.f32 [tilespmem:s25], [sflag:$0x3], $0x10, s26, s31, $0xb8;
	[tilespmem:$0x15590] =	vst v63  }
0x163: {  	_ =	swait.ge [sflag:s21], $0x2000  }
0x164: {  	[sflag:s21] =	ssyncset.done $0x0  }
0x165: {  	[sflag:s21] =	ssyncadd.s32 $0xFFFFE000  }
0x166: {  	_ =	swait.ge [sflag:s22], $0x1000  }
0x167: {  	[sflag:s22] =	ssyncset.done $0x0  }
0x168: {  	[sflag:s22] =	ssyncadd.s32 $0xFFFFF000  }
0x169: {  	_ =	swait.ge [sflag:s22], $0x1000  }
0x16a: {  	[sflag:s22] =	ssyncset.done $0x0  }
0x16b: {  	s26 =	sadd.s32 $0x5300, s20;
	[sflag:s22] =	ssyncadd.s32 $0xFFFFF000  }
0x16c: {  	[tilespmem:s25], [sflag:$0x1] =	stream.indirect.gather [spmem:s3], $0x10, s26, s24, $0xb8;
	[tilespmem:$0x15590] =	vst v63  }
0x16d: {  	s26 =	sadd.s32 $0x5400, s20  }
0x16e: {  	[tilespmem:s28], [sflag:$0x1] =	stream.indirect.gather [spmem:s3], $0x10, s26, s24, $0xb8;
	[tilespmem:$0x15590] =	vst v63  }
.Ltmp3:
0x16f: {  	_ = 	snop;
	(pc) =	sbr.rel @p1 .LBB2_7-.Ltmp3, $4  }
0x170: {  	s20 =	sadd.s32 $0x7900, s20  }
0x171: {  	[spmem:s4] =	stream.indirect.scatter.add.f32 [tilespmem:s29], [sflag:$0x3], $0x10, s20, s31, $0xb8;
	[tilespmem:$0x15590] =	vst v63  }
0x172: {  	_ =	swait.ge [sflag:s21], $0x2000  }
0x173: {  	[sflag:s21] =	ssyncset.done $0x0  }
0x174: {  	[sflag:s21] =	ssyncadd.s32 $0xFFFFE000  }
0x175: {  	_ =	swait.ge [sflag:s23], $0x1000  }
0x176: {  	[sflag:s23] =	ssyncset.done $0x0  }
0x177: {  	[sflag:s23] =	ssyncadd.s32 $0xFFFFF000  }
0x178: {  	_ =	swait.ge [sflag:s23], $0x1000  }
0x179: {  	[sflag:s23] =	ssyncset.done $0x0  }
0x17a: {  	[sflag:s23] =	ssyncadd.s32 $0xFFFFF000  }
0x17b: {  	[tilespmem:s29], [sflag:$0x2] =	stream.indirect.gather [spmem:s3], $0x10, s0, s24, $0xb8;
	[tilespmem:$0x15590] =	vst v63  }
0x17c: {  	_ = 	snop  }
0x17d: {  	[tilespmem:s30], [sflag:$0x2] =	stream.indirect.gather [spmem:s3], $0x10, s1, s24, $0xb8;
	[tilespmem:$0x15590] =	vst v63  }
0x17e: {  	_ = 	snop  }
0x17f: {  	[spmem:s4] =	stream.indirect.scatter.add.f32 [tilespmem:s25], [sflag:$0x3], $0x10, s16, s31, $0xb8;
	[tilespmem:$0x15590] =	vst v63  }
0x180: {  	_ =	swait.ge [sflag:s21], $0x2000  }
0x181: {  	[sflag:s21] =	ssyncset.done $0x0  }
0x182: {  	[sflag:s21] =	ssyncadd.s32 $0xFFFFE000  }
0x183: {  	_ =	swait.ge [sflag:s22], $0x1000  }
0x184: {  	[sflag:s22] =	ssyncset.done $0x0  }
0x185: {  	[sflag:s22] =	ssyncadd.s32 $0xFFFFF000  }
0x186: {  	_ =	swait.ge [sflag:s22], $0x1000  }
0x187: {  	[sflag:s22] =	ssyncset.done $0x0  }
0x188: {  	[sflag:s22] =	ssyncadd.s32 $0xFFFFF000  }
0x189: {  	[spmem:s4] =	stream.indirect.scatter.add.f32 [tilespmem:s29], [sflag:$0x3], $0x10, s17, s31, $0xb8;
	[tilespmem:$0x15590] =	vst v63  }
0x18a: {  	_ =	swait.ge [sflag:s21], $0x2000  }
0x18b: {  	s19 =	sshll.u32 s2, $0x6;
	s18 =	sadd.s32 $0x1, s18;
	[sflag:s21] =	ssyncset.done $0x0  }
0x18c: {  	s20 =	sshrl.u32 s12, $0x3;
	p1 =	sne.s32 s18, s14;
	[sflag:s21] =	ssyncadd.s32 $0xFFFFE000  }
.Ltmp4:
0x18d: {  	s19 =	sor.u32 $0x1C03, s19;
	[bflag:$0x0] =	sbarrier.arrive $0xFFFF;
	(pc) =	sbr.rel @p1 .LBB2_1-.Ltmp4, $4  }
0x18e: {  	[hbm:s13], [sflag:s19] =	dma.local [spmem:s20], $0x4F0  }
0x18f: {  	_ =	swait.ge [sflag:s21], $0x4F0  }
0x190: {  	[sflag:s21] =	ssyncset.done $0x0  }
0x191: {  	[sflag:s21] =	ssyncadd.s32 $0xFFFFFB10  }
0x192: {  	_ =	sfence.sel $0x180000  }
0x193: {  	[bflag:$0x0] =	sbarrier.arrive $0xFFFF  }
0x194: {  	_ =	strace $0x9000004D  }
0x195: {  	[bflag:$0x2] =	sbarrier.arrive $0xFFFF  }
0x196: {  	p0 =	sne.s32 s2, $0x0;
	s0 =	rddreg [dreg:$0x5]  }
0x197: {  	s0 =	sadd.s32 @!p0 $0x100000, s0  }
0x198: {  	[sflag:s0] =	ssyncadd.tile.s32 @!p0 $0x1;
	_ =	shalt  }
.Lfunc_end2:
_tile_overlayer_lowered:
.L_overlay_start_2:
0x199: {  	(tag) =	ssettag $0x2  }
0x19a: {  	s0 =	rddreg [dreg:$0x0];
	s2 =	stileid.u32  }
0x19b: {  	s1 =	rddreg [dreg:$0x1];
	p0 =	sne.s32 s2, $0x0  }
0x19c: {  	s3 =	rddreg [dreg:$0x2];
	[bflag:$0x3] =	sbarrier.arrive $0xFFFF;
	s2 =	simm.s32 @!p0 $0x1C03  }
0x19d: {  	[timem:s3], [sflag:s2] =	dma.local @!p0 [hbm:s0], s1  }
0x19e: {  	s0 =	simm.s32 @!p0 $0x3  }
0x19f: {  	_ =	swait.ge @!p0 [sflag:s0], s1  }
0x1a0: {  	s1 =	ssub.s32 @!p0 $0x0, s1;
	[sflag:s0] =	ssyncset.done @!p0 $0x0  }
0x1a1: {  	[sflag:s0] =	ssyncadd.s32 @!p0 s1  }
0x1a2: {  	[bflag:$0x3] =	sbarrier.arrive $0xFFFF  }
0x1a3: {  	_ =	shalt  }

// kernel: kernel.7.cloned.1.call-start
scs
__scs_entry_jumppad:
0x0: {  	(pc) =	sbr.rel $0x88, $3  }
0x1: {  	(tag) =	ssettag $0x0;
	lr =	simm.s32 $0x1  }
0x2: {  	[smem:$0x3F9B] =	sst lr;
	_ =	strace $0xD0000000  }
0x3: {  	_ = 	snop  }
0x4: {  	_ = 	snop  }
0x5: {  	_ = 	snop  }
0x6: {  	_ = 	snop  }
0x7: {  	_ = 	snop  }
__scs_overlays_trampoline_lowered:
0x8: {  	[smem:$0x3FAA] =	sst s0  }
0x9: {  	[smem:$0x3FAB] =	sst s1  }
0xa: {  	[smem:$0x3FAC] =	sst s2  }
0xb: {  	[smem:$0x3FAD] =	sst s3  }
0xc: {  	[smem:$0x3FAE] =	sst s4  }
0xd: {  	[smem:$0x3FAF] =	sst s5  }
0xe: {  	[smem:$0x3FB0] =	sst s6  }
0xf: {  	[smem:$0x3FB1] =	sst s7  }
0x10: {  	[smem:$0x3FB2] =	sst s8  }
0x11: {  	[smem:$0x3FB3] =	sst s9;
	s0 =	simm.s32 @!p0 $0x0  }
0x12: {  	s1 =	sld [smem:$0x3F99];
	s0 =	simm.s32 @p0 $0x1  }
0x13: {  	[smem:$0x3FB4] =	sst s0;
	s0 =	simm.s32 @!p1 $0x0  }
0x14: {  	s2 =	sld [smem:$0x3F98];
	s0 =	simm.s32 @p1 $0x1  }
0x15: {  	[smem:$0x3FB5] =	sst s0;
	s0 =	simm.s32 @!p2 $0x0  }
0x16: {  	s3 =	sld [smem:$0x3FDB];
	s0 =	simm.s32 @p2 $0x1  }
0x17: {  	s4 =	simm.s32 $0x1BF5;
	[smem:$0x3FB7] =	sst s0  }
0x18: {  	s0 =	sld [smem:$0x3F9A];
	_ =	swait.ge [sflag:s4], $0x0  }
0x19: {  	s7 =	sld [smem:$0x3F9B]  }
0x1a: {  	s8 =	sadd.s32 $0xFFFFE003, lr  }
0x1b: {  	s9 =	sadd.s32 $0xFFFFFEF7, lr;
	s5 =	simm.s32 $0xFFFFFFFF;
	p2 =	slt.u32 s8, $0xFFFFF086  }
0x1c: {  	p1 =	slt.u32 s9, $0xF7A;
	s5 =	simm.s32 @!p2 $0x0  }
0x1d: {  	s5 =	simm.s32 @p1 $0x1;
	p0 =	seq.s32 s7, s2  }
0x1e: {  	s7 =	smul.u32 @!p0 $0xF7A, s2;
	p2 =	seq.s32 @!p0 s5, $0x0  }
0x1f: {  	s9 =	smul.u32 $0xF7A, s1;
	s8 =	simm.s32 @!p0 $0x1BF5;
	p2 =	por !p2, p0  }
0x20: {  	[sflag:s8] =	ssyncset.s32 @!p0 $0xFFFFF086;
	s6 =	sadd.s32 @!p0 s3, s7;
	s7 =	simm.s32 @!p0 $0x108  }
0x21: {  	s3 =	sadd.s32 s3, s9;
	s6 =	sadd.s32 @!p0 $0x88, s6;
	s7 =	simm.s32 @p2 $0x1082  }
0x22: {  	[simem:s7], [sflag:s8] =	dma.local @!p0 [hbm:s6], $0xF7A  }
0x23: {  	s9 =	sor.u32 $0xD0000000, s2;
	s6 =	simm.s32 $0x108;
	_ =	swait.ge @!p0 [sflag:s8], $0x0  }
0x24: {  	s3 =	sadd.s32 $0x88, s3;
	s6 =	simm.s32 @!p1 $0x1082;
	[sflag:s4] =	ssyncset.s32 $0xFFFFF086  }
0x25: {  	[simem:s6], [sflag:s4] =	dma.local [hbm:s3], $0xF7A  }
0x26: {  	[smem:$0x3F9B] =	sst s1;
	(tag) =	ssettag s2;
	_ =	strace s9  }
0x27: {  	s1 =	sld [smem:$0x3FAB]  }
0x28: {  	s2 =	sld [smem:$0x3FAC]  }
0x29: {  	s4 =	sld [smem:$0x3FAE]  }
0x2a: {  	p0 =	seq.s32 s5, $0x0;
	s5 =	sld [smem:$0x3FAF]  }
0x2b: {  	s6 =	sld [smem:$0x3FB0]  }
0x2c: {  	s7 =	sld [smem:$0x3FB1]  }
0x2d: {  	s3 =	simm.s32 $0x108;
	s8 =	sld [smem:$0x3FB2]  }
0x2e: {  	s3 =	simm.s32 @!p0 $0x1082;
	s9 =	sld [smem:$0x3FB3]  }
0x2f: {  	lr =	sadd.s32 s0, s3;
	s0 =	sld [smem:$0x3FAA]  }
0x30: {  	s3 =	sld [smem:$0x3FAD]  }
0x31: {  	[smem:$0x3FB6] =	sst s10  }
0x32: {  	s10 =	sld [smem:$0x3FB4];
	_ =	sdelay $0x3  }
0x33: {  	p0 =	seq.s32 s10, $0x1;
	s10 =	sld [smem:$0x3FB6];
	_ =	sdelay $0x3  }
0x34: {  	[smem:$0x3FB6] =	sst s10  }
0x35: {  	s10 =	sld [smem:$0x3FB5];
	_ =	sdelay $0x3  }
0x36: {  	p1 =	seq.s32 s10, $0x1;
	s10 =	sld [smem:$0x3FB6];
	_ =	sdelay $0x3  }
0x37: {  	[smem:$0x3FB6] =	sst s10  }
0x38: {  	s10 =	sld [smem:$0x3FB7]  }
0x39: {  	_ = 	snop;
	(pc) =	sbr.ind lr, $3  }
0x3a: {  	_ = 	snop  }
0x3b: {  	_ = 	snop  }
0x3c: {  	p2 =	seq.s32 s10, $0x1;
	s10 =	sld [smem:$0x3FB6]  }
0x3d: {  	_ =	shalt  }
0x3e: {  	_ =	shalt  }
0x3f: {  	_ =	shalt  }
0x40: {  	_ =	shalt  }
0x41: {  	_ =	shalt  }
0x42: {  	_ =	shalt  }
0x43: {  	_ =	shalt  }
0x44: {  	_ =	shalt  }
0x45: {  	_ =	shalt  }
0x46: {  	_ =	shalt  }
0x47: {  	_ =	shalt  }
0x48: {  	_ =	shalt  }
0x49: {  	_ =	shalt  }
0x4a: {  	_ =	shalt  }
0x4b: {  	_ =	shalt  }
0x4c: {  	_ =	shalt  }
0x4d: {  	_ =	shalt  }
0x4e: {  	_ =	shalt  }
0x4f: {  	_ =	shalt  }
0x50: {  	_ =	shalt  }
0x51: {  	_ =	shalt  }
0x52: {  	_ =	shalt  }
0x53: {  	_ =	shalt  }
0x54: {  	_ =	shalt  }
0x55: {  	_ =	shalt  }
0x56: {  	_ =	shalt  }
0x57: {  	_ =	shalt  }
0x58: {  	_ =	shalt  }
0x59: {  	_ =	shalt  }
0x5a: {  	_ =	shalt  }
0x5b: {  	_ =	shalt  }
0x5c: {  	_ =	shalt  }
0x5d: {  	_ =	shalt  }
0x5e: {  	_ =	shalt  }
0x5f: {  	_ =	shalt  }
0x60: {  	_ =	shalt  }
0x61: {  	_ =	shalt  }
0x62: {  	_ =	shalt  }
0x63: {  	_ =	shalt  }
0x64: {  	_ =	shalt  }
0x65: {  	_ =	shalt  }
0x66: {  	_ =	shalt  }
0x67: {  	_ =	shalt  }
0x68: {  	_ =	shalt  }
0x69: {  	_ =	shalt  }
0x6a: {  	_ =	shalt  }
0x6b: {  	_ =	shalt  }
0x6c: {  	_ =	shalt  }
0x6d: {  	_ =	shalt  }
0x6e: {  	_ =	shalt  }
0x6f: {  	_ =	shalt  }
0x70: {  	_ =	shalt  }
0x71: {  	_ =	shalt  }
0x72: {  	_ =	shalt  }
0x73: {  	_ =	shalt  }
0x74: {  	_ =	shalt  }
0x75: {  	_ =	shalt  }
0x76: {  	_ =	shalt  }
0x77: {  	_ =	shalt  }
0x78: {  	_ =	shalt  }
0x79: {  	_ =	shalt  }
0x7a: {  	_ =	shalt  }
0x7b: {  	_ =	shalt  }
0x7c: {  	_ =	shalt  }
0x7d: {  	_ =	shalt  }
0x7e: {  	_ =	shalt  }
0x7f: {  	_ =	shalt  }
0x80: {  	_ =	shalt  }
0x81: {  	_ =	shalt  }
0x82: {  	_ =	shalt  }
0x83: {  	_ =	shalt  }
0x84: {  	_ =	shalt  }
0x85: {  	_ =	shalt  }
0x86: {  	_ =	shalt  }
0x87: {  	_ =	shalt  }
.Lfunc_end0:
.L_simem_size_0:
called_computation_lowered:
.L_overlay_start_0:
0x88: {  	s2 =	sld [smem:$0x3FD9]  }
0x89: {  	s3 =	sld [smem:$0x3FFE];
	_ =	sdelay $0x1  }
0x8a: {  	s1 =	srdreg.scid  }
0x8b: {  	s0 =	sand.u32 $0x1, s1  }
0x8c: {  	s17 =	sshll.u32 s0, $0xA;
	s2 =	sadd.s32 s3, s2  }
0x8d: {  	s2 =	sadd.s32 s2, s17  }
0x8e: {  	[smem:$0x3FC2] =	sst s2  }
0x8f: {  	_ = 	snop  }
0x90: {  	s2 =	sld [smem:$0x3FD0];
	(tm) =	ssettm $0x1  }
0x91: {  	s18 =	sld [smem:$0x3FFB];
	_ =	sdelay $0x3  }
0x92: {  	_ =	strace s18  }
0x93: {  	s3 =	sld [smem:$0x3FFC];
	_ =	sdelay $0x3  }
0x94: {  	_ =	strace s3  }
0x95: {  	s3 =	sld [smem:$0x3FFD];
	_ =	sdelay $0x3  }
0x96: {  	_ =	strace s3  }
0x97: {  	_ =	strace $0x8FFFFFFF  }
0x98: {  	s19 =	sld [smem:$0x3FDB];
	_ =	sdelay $0x1  }
0x99: {  	s4 =	simm.s32 $_scs_section_size  }
0x9a: {  	s5 =	simm.s32 $_size__tile_overlayer_lowered;
	s6 =	simm.s32 $_tile_overlayer_lowered  }
0x9b: {  	s22 =	simm.s32 $0x1BFF;
	s21 =	sshll.u32 s6, $0x1;
	s3 =	sadd.s32 s4, s19  }
0x9c: {  	s7 =	simm.s32 $0x0;
	s20 =	sshll.u32 s5, $0x1;
	s5 =	sadd.s32 s21, s3  }
0x9d: {  	[timem:s7], [sflag:s22] =	dma.local [hbm:s5], s20  }
0x9e: {  	_ =	swait.ge [sflag:s22], s20  }
0x9f: {  	s4 =	ssub.s32 $0x0, s20;
	[sflag:s22] =	ssyncset.done $0x0  }
0xa0: {  	[sflag:s22] =	ssyncadd.s32 s4;
	_ =	sdelay $0x1  }
0xa1: {  	s23 =	simm.s32 $0x1B8B  }
0xa2: {  	_ =	swait.ge [sflag:s23], $0x1  }
0xa3: {  	[sflag:s23] =	ssyncset.done $0x0  }
0xa4: {  	s25 =	simm.s32 $0x1B8E;
	s24 =	sld [smem:$0x3FFE];
	[sflag:s23] =	ssyncadd.s32 $0xFFFFFFFF  }
0xa5: {  	s26 =	simm.s32 $execute0_lowered;
	[smem:$0x3FD2] =	sst s25  }
0xa6: {  	s5 =	sshll.u32 s26, $0x1;
	_ =	strace $0x80000046;
	[dreg:$0x1] =	wrdreg $0xFFFFFFFF  }
0xa7: {  	s28 =	simm.s32 $_size_execute0_lowered;
	s3 =	sadd.s32 s3, s5;
	[dreg:$0x0] =	wrdreg $0x0  }
0xa8: {  	s5 =	sshll.u32 s28, $0x1;
	[dreg:$0x2] =	wrdreg s3  }
0xa9: {  	[dreg:$0x3] =	wrdreg s5  }
0xaa: {  	[dreg:$0x4] =	wrdreg $0xC0  }
0xab: {  	_ =	task [dreg:s7], $0x5FFFF  }
0xac: {  	[dreg:$0x1] =	wrdreg $0xFFFFFFFF  }
0xad: {  	[dreg:$0x0] =	wrdreg $0x60  }
0xae: {  	[dreg:$0x2] =	wrdreg s2  }
0xaf: {  	[dreg:$0x3] =	wrdreg s24  }
0xb0: {  	[dreg:$0x4] =	wrdreg $0x0  }
0xb1: {  	[dreg:$0x5] =	wrdreg $0x9  }
0xb2: {  	_ =	task.clear_ibuf [dreg:s7], $0x6FFFF;
	_ =	strace $0x90000046  }
0xb3: {  	s29 =	simm.s32 $0x9;
	_ =	strace $0x80000048  }
0xb4: {  	_ =	swait.ge [sflag:s29], $0x1  }
0xb5: {  	[sflag:s29] =	ssyncadd.s32 $0xFFFFFFFF  }
0xb6: {  	_ =	strace $0x90000048  }
0xb7: {  	_ =	sfence  }
0xb8: {  	s30 =	sld [smem:$0x0];
	_ =	sdelay $0x2  }
0xb9: {  	s31 =	sshll.u32 s1, $0xD;
	s1 =	sshrl.u32 s1, $0x2  }
0xba: {  	s3 =	sand.u32 $0x4000, s31;
	s1 =	sadd.s32 s1, s30  }
0xbb: {  	s0 =	sor.u32 s3, s0;
	s1 =	sshll.u32 s1, $0x11  }
0xbc: {  	s0 =	sor.u32 s1, s0  }
0xbd: {  	s0 =	sadd.s32 $0x8F2B, s0  }
0xbe: {  	[sflag:s0] =	ssyncadd.remote.s32 $0x1  }
0xbf: {  	_ =	sfence.sel $0xFFFF  }
0xc0: {  	[dreg:$0x0] =	wrdreg $0xFFFFFFFF;
	(pc) =	sbr.abs _section_cstart, $3  }
0xc1: {  	[dreg:$0x1] =	wrdreg $0xFFFFFFFF  }
0xc2: {  	_ =	task.clear_ibuf [dreg:s7], $0x2FFFF;
	_ =	strace $0x9FFFFFFF  }
0xc3: {  	(tm) =	ssettm $0x7FFFFFFF  }
tec
execute0_lowered:
.L_overlay_start_1:
0x0: {  	(tag) =	ssettag $0x1  }
0x1: {  	s0 =	rddreg [dreg:$0x0]  }
0x2: {  	s1 =	rddreg [dreg:$0x1];
	s3 =	srdreg.scid  }
0x3: {  	s2 =	rddreg [dreg:$0x2];
	s7 =	stileid.u32  }
0x4: {  	s8 =	simm.s32 $0x0;
	s10 =	simm.s32 $0x2;
	s11 =	simm.s32 $0x1  }
0x5: {  	s12 =	simm.s32 $0x100;
	s13 =	simm.s32 $0x4F80;
	s14 =	simm.s32 $0x3D80  }
0x6: {  	s15 =	simm.s32 $0x3E80;
	s16 =	simm.s32 $0x3F80;
	s17 =	simm.s32 $0x4080  }
0x7: {  	s18 =	simm.s32 $0x4180;
	s19 =	simm.s32 $0x4280;
	s20 =	simm.s32 $0x4380  }
0x8: {  	s21 =	simm.s32 $0x4480;
	s22 =	simm.s32 $0x4580;
	s23 =	simm.s32 $0x4680  }
0x9: {  	s24 =	simm.s32 $0x4780;
	s25 =	simm.s32 $0x4880;
	s28 =	simm.s32 $0x4A80  }
0xa: {  	s29 =	simm.s32 $0x4B80;
	s30 =	simm.s32 $0x4C80;
	s31 =	simm.s32 $0x4D80  }
0xb: {  	s3 =	sand.u32 $0x1, s3;
	s5 =	smul.u32 $0x2780, s7;
	[smem:$0x7FF] =	sst s8  }
0xc: {  	s8 =	simm.s32 $0x2780;
	s4 =	sshll.u32 s3, $0x4;
	s6 =	smul.u32 $0x27800, s3  }
0xd: {  	_ =	strace $0x80000047;
	s3 =	ssub.s32 $0x2, s3;
	s4 =	sor.u32 s7, s4  }
0xe: {  	s26 =	sshrl.u32 s3, $0x1;
	s4 =	smul.u32 $0x2710, s4;
	s6 =	sadd.s32 s5, s6  }
0xf: {  	s3 =	ssub.s32 s3, s26;
	s5 =	sadd.s32 s5, s2;
	s26 =	simm.s32 $0x4980  }
0x10: {  	s6 =	sshrl.u32 s6, $0x3;
	s7 =	smax.u32 s3, $0x1;
	s4 =	sshrl.u32 s4, $0x3  }
0x11: {  	s3 =	simm.s32 $0x0;
	s1 =	sadd.s32 s6, s1;
	s0 =	sadd.s32 s0, s4  }
0x12: {  	v0 =	vimm.s32 $0x2710;
	v1 =	vimm.f32 $0.0e+00;
	v2 =	vimm.f32 $1.000000000e+00;
	s6 =	sadd.s32 $0x2000, s1;
	s4 =	sadd.s32 $0x9C40, s0;
	s0 =	simm.s32 $0x4E80  }
.LBB2_1:
0x13: {  	[tilespmem:$0x4E90] =	vst v0  }
0x14: {  	[tilespmem:$0x4EA0] =	vst v0  }
0x15: {  	[tilespmem:$0x4EB0] =	vst v0  }
0x16: {  	[tilespmem:$0x4EC0] =	vst v0  }
0x17: {  	[tilespmem:$0x4ED0] =	vst v0  }
0x18: {  	[tilespmem:$0x4EE0] =	vst v0  }
0x19: {  	[tilespmem:$0x4EF0] =	vst v0  }
0x1a: {  	[tilespmem:$0x4F00] =	vst v0  }
0x1b: {  	[tilespmem:$0x4F10] =	vst v0  }
0x1c: {  	[tilespmem:$0x4F20] =	vst v0  }
0x1d: {  	[tilespmem:$0x4F30] =	vst v0  }
0x1e: {  	[tilespmem:$0x4F40] =	vst v0  }
0x1f: {  	[tilespmem:$0x4F50] =	vst v0  }
0x20: {  	[tilespmem:$0x4F60] =	vst v0  }
0x21: {  	[tilespmem:$0x4F70] =	vst v0;
	s1 =	simm.s32 $0x0  }
0x22: {  	[tilespmem:s8], [sflag:$0x1] =	stream.linear.gather [hbm4b:s4+s1], $0x2710, $0x38;
	[tilespmem:$0x8700] =	vst v63  }
0x23: {  	s9 =	simm.s32 $0x0;
	s1 =	simm.s32 $0x40  }
.LBB2_2:
0x24: {  	p0 =	sne.s32 s1, $0x9DC0;
	[tilespmem:s9+$0x5F80] =	vst v1;
	s9 =	smov.u32 s1;
	s1 =	sadd.s32 $0x40, s1  }
.Ltmp0:
0x25: {  	(pc) =	sbr.rel @p0 .LBB2_2-.Ltmp0, $2  }
0x26: {  	_ =	sdelay $0x2  }
0x27: {  	s9 =	sshra.s32 s9, $0x2  }
0x28: {  	[tilespmem:s9+$0x5F80] =	vst v1;
	s1 =	simm.s32 $0x5F80  }
0x29: {  	[spmem:s5] =	stream.linear.scatter [tilespmem:s1], [sflag:$0x2], $0x2780, $0x38;
	[tilespmem:$0x8700] =	vst v63  }
0x2a: {  	_ =	swait.ge [sflag:s10], $0x2780  }
0x2b: {  	[sflag:s10] =	ssyncset.done $0x0  }
0x2c: {  	s9 =	simm.s32 $0x0;
	s1 =	simm.s32 $0x40;
	[sflag:s10] =	ssyncadd.s32 $0xFFFFD880  }
.LBB2_4:
0x2d: {  	p0 =	sne.s32 s1, $0x3FC0;
	[tilespmem:s9+$0x4F80] =	vst v2;
	s9 =	smov.u32 s1;
	s1 =	sadd.s32 $0x40, s1  }
.Ltmp1:
0x2e: {  	(pc) =	sbr.rel @p0 .LBB2_4-.Ltmp1, $2  }
0x2f: {  	_ =	sdelay $0x2  }
0x30: {  	s9 =	sshra.s32 s9, $0x2  }
0x31: {  	[tilespmem:s9+$0x4F80] =	vst v2  }
0x32: {  	_ =	swait.ge [sflag:s11], $0x2710  }
0x33: {  	[sflag:s11] =	ssyncset.done $0x0  }
0x34: {  	[sflag:s11] =	ssyncadd.s32 $0xFFFFD8F0  }
0x35: {  	[bflag:$0x0] =	sbarrier.arrive $0xFFFF  }
0x36: {  	[spmem:s2] =	stream.indirect.scatter.add.f32 [tilespmem:s13], [sflag:$0x1], $0x10, s8, s12, $0xb8;
	[tilespmem:$0x8700] =	vst v63  }
0x37: {  	s1 =	simm.s32 $0x2880  }
0x38: {  	[spmem:s2] =	stream.indirect.scatter.add.f32 [tilespmem:s13], [sflag:$0x1], $0x10, s1, s12, $0xb8;
	[tilespmem:$0x8700] =	vst v63  }
0x39: {  	s9 =	simm.s32 $0x2980  }
0x3a: {  	[spmem:s2] =	stream.indirect.scatter.add.f32 [tilespmem:s13], [sflag:$0x1], $0x10, s9, s12, $0xb8;
	[tilespmem:$0x8700] =	vst v63  }
0x3b: {  	s9 =	simm.s32 $0x2A80  }
0x3c: {  	[spmem:s2] =	stream.indirect.scatter.add.f32 [tilespmem:s13], [sflag:$0x1], $0x10, s9, s12, $0xb8;
	[tilespmem:$0x8700] =	vst v63  }
0x3d: {  	s9 =	simm.s32 $0x2B80  }
0x3e: {  	[spmem:s2] =	stream.indirect.scatter.add.f32 [tilespmem:s13], [sflag:$0x1], $0x10, s9, s12, $0xb8;
	[tilespmem:$0x8700] =	vst v63  }
0x3f: {  	s9 =	simm.s32 $0x2C80  }
0x40: {  	[spmem:s2] =	stream.indirect.scatter.add.f32 [tilespmem:s13], [sflag:$0x1], $0x10, s9, s12, $0xb8;
	[tilespmem:$0x8700] =	vst v63  }
0x41: {  	s9 =	simm.s32 $0x2D80  }
0x42: {  	[spmem:s2] =	stream.indirect.scatter.add.f32 [tilespmem:s13], [sflag:$0x1], $0x10, s9, s12, $0xb8;
	[tilespmem:$0x8700] =	vst v63  }
0x43: {  	s9 =	simm.s32 $0x2E80  }
0x44: {  	[spmem:s2] =	stream.indirect.scatter.add.f32 [tilespmem:s13], [sflag:$0x1], $0x10, s9, s12, $0xb8;
	[tilespmem:$0x8700] =	vst v63  }
0x45: {  	s9 =	simm.s32 $0x2F80  }
0x46: {  	[spmem:s2] =	stream.indirect.scatter.add.f32 [tilespmem:s13], [sflag:$0x1], $0x10, s9, s12, $0xb8;
	[tilespmem:$0x8700] =	vst v63  }
0x47: {  	s9 =	simm.s32 $0x3080  }
0x48: {  	[spmem:s2] =	stream.indirect.scatter.add.f32 [tilespmem:s13], [sflag:$0x1], $0x10, s9, s12, $0xb8;
	[tilespmem:$0x8700] =	vst v63  }
0x49: {  	s9 =	simm.s32 $0x3180  }
0x4a: {  	[spmem:s2] =	stream.indirect.scatter.add.f32 [tilespmem:s13], [sflag:$0x1], $0x10, s9, s12, $0xb8;
	[tilespmem:$0x8700] =	vst v63  }
0x4b: {  	s9 =	simm.s32 $0x3280  }
0x4c: {  	[spmem:s2] =	stream.indirect.scatter.add.f32 [tilespmem:s13], [sflag:$0x1], $0x10, s9, s12, $0xb8;
	[tilespmem:$0x8700] =	vst v63  }
0x4d: {  	s9 =	simm.s32 $0x3380  }
0x4e: {  	[spmem:s2] =	stream.indirect.scatter.add.f32 [tilespmem:s13], [sflag:$0x1], $0x10, s9, s12, $0xb8;
	[tilespmem:$0x8700] =	vst v63  }
0x4f: {  	s9 =	simm.s32 $0x3480  }
0x50: {  	[spmem:s2] =	stream.indirect.scatter.add.f32 [tilespmem:s13], [sflag:$0x1], $0x10, s9, s12, $0xb8;
	[tilespmem:$0x8700] =	vst v63  }
0x51: {  	s9 =	simm.s32 $0x3580  }
0x52: {  	[spmem:s2] =	stream.indirect.scatter.add.f32 [tilespmem:s13], [sflag:$0x1], $0x10, s9, s12, $0xb8;
	[tilespmem:$0x8700] =	vst v63  }
0x53: {  	s9 =	simm.s32 $0x3680  }
0x54: {  	[spmem:s2] =	stream.indirect.scatter.add.f32 [tilespmem:s13], [sflag:$0x1], $0x10, s9, s12, $0xb8;
	[tilespmem:$0x8700] =	vst v63  }
0x55: {  	s9 =	simm.s32 $0x3780  }
0x56: {  	[spmem:s2] =	stream.indirect.scatter.add.f32 [tilespmem:s13], [sflag:$0x1], $0x10, s9, s12, $0xb8;
	[tilespmem:$0x8700] =	vst v63  }
0x57: {  	s9 =	simm.s32 $0x3880  }
0x58: {  	[spmem:s2] =	stream.indirect.scatter.add.f32 [tilespmem:s13], [sflag:$0x1], $0x10, s9, s12, $0xb8;
	[tilespmem:$0x8700] =	vst v63  }
0x59: {  	s9 =	simm.s32 $0x3980  }
0x5a: {  	[spmem:s2] =	stream.indirect.scatter.add.f32 [tilespmem:s13], [sflag:$0x1], $0x10, s9, s12, $0xb8;
	[tilespmem:$0x8700] =	vst v63  }
0x5b: {  	s9 =	simm.s32 $0x3A80  }
0x5c: {  	[spmem:s2] =	stream.indirect.scatter.add.f32 [tilespmem:s13], [sflag:$0x1], $0x10, s9, s12, $0xb8;
	[tilespmem:$0x8700] =	vst v63  }
0x5d: {  	s9 =	simm.s32 $0x3B80  }
0x5e: {  	[spmem:s2] =	stream.indirect.scatter.add.f32 [tilespmem:s13], [sflag:$0x1], $0x10, s9, s12, $0xb8;
	[tilespmem:$0x8700] =	vst v63  }
0x5f: {  	s9 =	simm.s32 $0x3C80  }
0x60: {  	[spmem:s2] =	stream.indirect.scatter.add.f32 [tilespmem:s13], [sflag:$0x1], $0x10, s9, s12, $0xb8;
	[tilespmem:$0x8700] =	vst v63  }
0x61: {  	_ = 	snop  }
0x62: {  	[spmem:s2] =	stream.indirect.scatter.add.f32 [tilespmem:s13], [sflag:$0x1], $0x10, s14, s12, $0xb8;
	[tilespmem:$0x8700] =	vst v63  }
0x63: {  	_ = 	snop  }
0x64: {  	[spmem:s2] =	stream.indirect.scatter.add.f32 [tilespmem:s13], [sflag:$0x1], $0x10, s15, s12, $0xb8;
	[tilespmem:$0x8700] =	vst v63  }
0x65: {  	_ = 	snop  }
0x66: {  	[spmem:s2] =	stream.indirect.scatter.add.f32 [tilespmem:s13], [sflag:$0x1], $0x10, s16, s12, $0xb8;
	[tilespmem:$0x8700] =	vst v63  }
0x67: {  	_ = 	snop  }
0x68: {  	[spmem:s2] =	stream.indirect.scatter.add.f32 [tilespmem:s13], [sflag:$0x1], $0x10, s17, s12, $0xb8;
	[tilespmem:$0x8700] =	vst v63  }
0x69: {  	_ = 	snop  }
0x6a: {  	[spmem:s2] =	stream.indirect.scatter.add.f32 [tilespmem:s13], [sflag:$0x1], $0x10, s18, s12, $0xb8;
	[tilespmem:$0x8700] =	vst v63  }
0x6b: {  	_ = 	snop  }
0x6c: {  	[spmem:s2] =	stream.indirect.scatter.add.f32 [tilespmem:s13], [sflag:$0x1], $0x10, s19, s12, $0xb8;
	[tilespmem:$0x8700] =	vst v63  }
0x6d: {  	_ = 	snop  }
0x6e: {  	[spmem:s2] =	stream.indirect.scatter.add.f32 [tilespmem:s13], [sflag:$0x1], $0x10, s20, s12, $0xb8;
	[tilespmem:$0x8700] =	vst v63  }
0x6f: {  	_ = 	snop  }
0x70: {  	[spmem:s2] =	stream.indirect.scatter.add.f32 [tilespmem:s13], [sflag:$0x1], $0x10, s21, s12, $0xb8;
	[tilespmem:$0x8700] =	vst v63  }
0x71: {  	_ = 	snop  }
0x72: {  	[spmem:s2] =	stream.indirect.scatter.add.f32 [tilespmem:s13], [sflag:$0x1], $0x10, s22, s12, $0xb8;
	[tilespmem:$0x8700] =	vst v63  }
0x73: {  	_ = 	snop  }
0x74: {  	[spmem:s2] =	stream.indirect.scatter.add.f32 [tilespmem:s13], [sflag:$0x1], $0x10, s23, s12, $0xb8;
	[tilespmem:$0x8700] =	vst v63  }
0x75: {  	_ = 	snop  }
0x76: {  	[spmem:s2] =	stream.indirect.scatter.add.f32 [tilespmem:s13], [sflag:$0x1], $0x10, s24, s12, $0xb8;
	[tilespmem:$0x8700] =	vst v63  }
0x77: {  	_ = 	snop  }
0x78: {  	[spmem:s2] =	stream.indirect.scatter.add.f32 [tilespmem:s13], [sflag:$0x1], $0x10, s25, s12, $0xb8;
	[tilespmem:$0x8700] =	vst v63  }
0x79: {  	_ = 	snop  }
0x7a: {  	[spmem:s2] =	stream.indirect.scatter.add.f32 [tilespmem:s13], [sflag:$0x1], $0x10, s26, s12, $0xb8;
	[tilespmem:$0x8700] =	vst v63  }
0x7b: {  	_ = 	snop  }
0x7c: {  	[spmem:s2] =	stream.indirect.scatter.add.f32 [tilespmem:s13], [sflag:$0x1], $0x10, s28, s12, $0xb8;
	[tilespmem:$0x8700] =	vst v63  }
0x7d: {  	_ = 	snop  }
0x7e: {  	[spmem:s2] =	stream.indirect.scatter.add.f32 [tilespmem:s13], [sflag:$0x1], $0x10, s29, s12, $0xb8;
	[tilespmem:$0x8700] =	vst v63  }
0x7f: {  	_ = 	snop  }
0x80: {  	[spmem:s2] =	stream.indirect.scatter.add.f32 [tilespmem:s13], [sflag:$0x1], $0x10, s30, s12, $0xb8;
	[tilespmem:$0x8700] =	vst v63  }
0x81: {  	_ = 	snop  }
0x82: {  	[spmem:s2] =	stream.indirect.scatter.add.f32 [tilespmem:s13], [sflag:$0x1], $0x10, s31, s12, $0xb8;
	[tilespmem:$0x8700] =	vst v63  }
0x83: {  	_ = 	snop  }
0x84: {  	[spmem:s2] =	stream.indirect.scatter.add.f32 [tilespmem:s13], [sflag:$0x1], $0x10, s0, s12, $0xb8;
	[tilespmem:$0x8700] =	vst v63  }
0x85: {  	_ =	swait.ge [sflag:s11], $0x1000  }
0x86: {  	s1 =	simm.s32 $0x27;
	[sflag:s11] =	ssyncset.done $0x0  }
.LBB2_6:
0x87: {  	p0 =	sne.s32 s1, $0x1;
	s1 =	sadd.s32 $0xFFFFFFFF, s1;
	[sflag:s11] =	ssyncadd.s32 $0xFFFFF000  }
.Ltmp2:
0x88: {  	(pc) =	sbr.rel @p0 .LBB2_6-.Ltmp2, $3  }
0x89: {  	_ =	sdelay $0x1  }
0x8a: {  	_ =	swait.ge [sflag:s11], $0x1000  }
0x8b: {  	[sflag:s11] =	ssyncset.done $0x0  }
0x8c: {  	[sflag:s11] =	ssyncadd.s32 $0xFFFFF000;
	s1 =	stileid.u32;
	s3 =	sadd.s32 $0x1, s3  }
0x8d: {  	s9 =	sshrl.u32 s5, $0x3;
	s1 =	sshll.u32 s1, $0x6;
	p0 =	sne.s32 s3, s7  }
.Ltmp3:
0x8e: {  	[bflag:$0x0] =	sbarrier.arrive $0xFFFF;
	s1 =	sor.u32 $0x1C02, s1;
	(pc) =	sbr.rel @p0 .LBB2_1-.Ltmp3, $4  }
0x8f: {  	[hbm:s6], [sflag:s1] =	dma.local [spmem:s9], $0x4F0  }
0x90: {  	_ =	swait.ge [sflag:s10], $0x4F0  }
0x91: {  	[sflag:s10] =	ssyncset.done $0x0  }
0x92: {  	[sflag:s10] =	ssyncadd.s32 $0xFFFFFB10  }
0x93: {  	_ =	sfence.sel $0x180000  }
0x94: {  	[bflag:$0x0] =	sbarrier.arrive $0xFFFF  }
0x95: {  	_ =	strace $0x90000047  }
0x96: {  	s0 =	stileid.u32;
	[bflag:$0x2] =	sbarrier.arrive $0xFFFF  }
0x97: {  	p0 =	sne.s32 s0, $0x0;
	s0 =	rddreg [dreg:$0x3]  }
0x98: {  	s0 =	sadd.s32 @!p0 $0x100000, s0  }
0x99: {  	[sflag:s0] =	ssyncadd.tile.s32 @!p0 $0x1;
	_ =	shalt  }
.Lfunc_end2:
_tile_overlayer_lowered:
.L_overlay_start_2:
0x9a: {  	(tag) =	ssettag $0x2  }
0x9b: {  	s0 =	rddreg [dreg:$0x0];
	s2 =	stileid.u32  }
0x9c: {  	s1 =	rddreg [dreg:$0x1];
	p0 =	sne.s32 s2, $0x0  }
0x9d: {  	s3 =	rddreg [dreg:$0x2];
	[bflag:$0x3] =	sbarrier.arrive $0xFFFF;
	s2 =	simm.s32 @!p0 $0x1C02  }
0x9e: {  	[timem:s3], [sflag:s2] =	dma.local @!p0 [hbm:s0], s1  }
0x9f: {  	s0 =	simm.s32 @!p0 $0x2  }
0xa0: {  	_ =	swait.ge @!p0 [sflag:s0], s1  }
0xa1: {  	s1 =	ssub.s32 @!p0 $0x0, s1;
	[sflag:s0] =	ssyncset.done @!p0 $0x0  }
0xa2: {  	[sflag:s0] =	ssyncadd.s32 @!p0 s1  }
0xa3: {  	[bflag:$0x3] =	sbarrier.arrive $0xFFFF  }
0xa4: {  	_ =	shalt  }

</sc_bundles>
